<compile_context>
chip_gen: v7x
topology: tpu7x:2x2x1
jax: 0.10.2.dev20260603
libtpu: 0.0.44.dev20260713+nightly
codegen_flags: <defaults>
</compile_context>

<pallas_src>
import functools

import jax
import jax.numpy as jnp
from jax import lax
from jax.experimental import pallas as pl
from jax.experimental.pallas import tpu as pltpu
from jax.experimental.pallas import tpu_sc as plsc

_NC = 128
_D = 4 * _NC
_CH = 128
_SC_CORES = 2
_SC_TILES = 16
_B_EDGE = 1280
_B_NODE = 2000


def _sc_gather(table, idx):
    rows_total = idx.shape[0]
    d = table.shape[1]
    dt = table.dtype
    n_chunks = rows_total // _CH
    nw = _SC_CORES * _SC_TILES
    per = n_chunks // nw
    assert per * nw == n_chunks and n_chunks * _CH == rows_total
    mesh = plsc.VectorSubcoreMesh(core_axis_name="c", subcore_axis_name="s")

    assert per >= 4 and per % 2 == 0

    @functools.partial(
        pl.kernel,
        out_type=jax.ShapeDtypeStruct((rows_total, d), dt),
        mesh=mesh,
        scratch_types=[
            pltpu.VMEM((_CH,), jnp.int32),
            pltpu.VMEM((_CH,), jnp.int32),
            pltpu.VMEM((_CH, d), dt),
            pltpu.VMEM((_CH, d), dt),
            pltpu.SemaphoreType.DMA,
            pltpu.SemaphoreType.DMA,
            pltpu.SemaphoreType.DMA,
            pltpu.SemaphoreType.DMA,
            pltpu.SemaphoreType.DMA,
            pltpu.SemaphoreType.DMA,
        ],
    )
    def k(table_hbm, idx_hbm, out_hbm, idx_a, idx_b, rows_a, rows_b,
          is_a, is_b, gs_a, gs_b, ws_a, ws_b):
        wid = lax.axis_index("s") * _SC_CORES + lax.axis_index("c")
        idx = (idx_a, idx_b)
        rows = (rows_a, rows_b)
        isem = (is_a, is_b)
        gsem = (gs_a, gs_b)
        wsem = (ws_a, ws_b)

        def off(j):
            return (j * nw + wid) * _CH

        def out_at(j):
            return out_hbm.at[pl.ds(off(j), _CH)]

        def idx_at(j):
            return idx_hbm.at[pl.ds(off(j), _CH)]

        def step(j, p, first=False, load_idx=True, issue_gather=True):
            q = 1 - p
            pltpu.make_async_copy(table_hbm.at[idx[p]], rows[p],
                                  gsem[p]).wait()
            pltpu.async_copy(rows[p], out_at(j), wsem[p])
            if issue_gather:
                pltpu.make_async_copy(idx_at(j + 1), idx[q], isem[q]).wait()
                if not first:
                    pltpu.make_async_copy(rows[q], out_at(j - 1),
                                          wsem[q]).wait()
                pltpu.async_copy(table_hbm.at[idx[q]], rows[q], gsem[q])
                if load_idx:
                    pltpu.async_copy(idx_at(j + 2), idx[p], isem[p])

        pltpu.sync_copy(idx_at(0), idx_a)
        pltpu.async_copy(table_hbm.at[idx_a], rows_a, gsem[0])
        pltpu.async_copy(idx_at(1), idx_b, isem[1])
        step(0, 0, first=True)

        @pl.loop(0, (per - 4) // 2)
        def _(kk):
            j = 2 * kk + 1
            step(j, 1)
            step(j + 1, 0)

        step(per - 3, 1)
        step(per - 2, 0, load_idx=False)
        step(per - 1, 1, issue_gather=False)
        pltpu.make_async_copy(rows_a, out_at(per - 2), wsem[0]).wait()
        pltpu.make_async_copy(rows_b, out_at(per - 1), wsem[1]).wait()

    return k(table, idx)


def _sc_scatter_add(edge_out, dst, zeros_n):
    e_total, d = edge_out.shape
    n_pad = zeros_n.shape[0]
    groups = d // _NC
    n_chunks = e_total // _CH
    nw = _SC_CORES * _SC_TILES
    per = n_chunks // nw
    rows_per_tile = n_pad // _SC_TILES
    assert per * nw == n_chunks and rows_per_tile * _SC_TILES == n_pad
    assert rows_per_tile % 8 == 0
    mesh = plsc.VectorSubcoreMesh(core_axis_name="c", subcore_axis_name="s")

    @functools.partial(
        pl.kernel,
        out_type=jax.ShapeDtypeStruct((_SC_CORES, n_pad, d), jnp.float32),
        mesh=mesh,
        scratch_types=[
            pltpu.VMEM_SHARED((n_pad, _NC), jnp.float32),
            pltpu.VMEM((_CH,), jnp.int32),
            pltpu.VMEM((_CH, _NC), jnp.float32),
        ],
    )
    def k(edge_hbm, dst_hbm, zeros_hbm, out_hbm, acc, idx_v, stage):
        cid = lax.axis_index("c")
        sid = lax.axis_index("s")
        wid = sid * _SC_CORES + cid
        row0 = sid * rows_per_tile

        for g in range(groups):
            pltpu.sync_copy(zeros_hbm.at[pl.ds(row0, rows_per_tile)],
                            acc.at[pl.ds(row0, rows_per_tile)])
            plsc.subcore_barrier()

            @pl.loop(0, per)
            def _(j):
                e0 = (j * nw + wid) * _CH
                pltpu.sync_copy(dst_hbm.at[pl.ds(e0, _CH)], idx_v)
                pltpu.sync_copy(
                    edge_hbm.at[pl.ds(e0, _CH), pl.ds(g * _NC, _NC)], stage)
                pltpu.sync_copy(stage, acc.at[idx_v], add=True)

            plsc.subcore_barrier()
            pltpu.sync_copy(
                acc.at[pl.ds(row0, rows_per_tile)],
                out_hbm.at[cid, pl.ds(row0, rows_per_tile), pl.ds(g * _NC, _NC)])
            plsc.subcore_barrier()

    return k(edge_out, dst, zeros_n)


def _silu(x):
    return x * jax.nn.sigmoid(x)


def _tc_edge_chain(g, r2, eij, rv,
                   R1_w1, R1_b1, R1_w2, R1_b2, R2_w1, R2_b1, R2_w2, R2_b2,
                   W1_s, b1_s, W1_v, W2_s, b2_s, W2_v, valid_blocks):
    e_total = r2.shape[0]
    grid = e_total // _B_EDGE
    nc = _NC

    def body(gd_ref, gs_ref, r_ref, e_ref, rv_ref,
             r1w1, r1b1, r1w2, r1b2, r2w1, r2b1, r2w2, r2b2,
             w1s, w1b, w1v, w2s, w2b, w2v, out_ref):
        def unpack(ref):
            x = ref[...]
            lo = lax.bitcast_convert_type(x << 16, jnp.float32)
            hi = lax.bitcast_convert_type(x & jnp.int32(-65536), jnp.float32)
            return jnp.concatenate([lo, hi], axis=1)

        gd = unpack(gd_ref)
        gs = unpack(gs_ref)
        s1 = gd[:, :nc]
        v1 = (gd[:, nc:2 * nc], gd[:, 2 * nc:3 * nc], gd[:, 3 * nc:])
        s2 = gs[:, :nc]
        v2 = (gs[:, nc:2 * nc], gs[:, 2 * nc:3 * nc], gs[:, 3 * nc:])

        f = jnp.concatenate([r_ref[...], e_ref[...]], axis=1)

        def radial(wa, ba, wb, bb):
            h = _silu(jnp.dot(f, wa[...], preferred_element_type=jnp.float32)
                      + ba[...])
            return jnp.dot(h, wb[...], preferred_element_type=jnp.float32) + bb[...]

        w1 = radial(r1w1, r1b1, r1w2, r1b2)
        w1_se, w1_ve = w1[:, :2 * nc], w1[:, 2 * nc:]

        ss = s1 * s2
        vv = v1[0] * v2[0] + v1[1] * v2[1] + v1[2] * v2[2]
        se = jnp.concatenate([ss, vv], axis=1) * w1_se
        se = jnp.dot(se, w1s[...], preferred_element_type=jnp.float32) + w1b[...]
        ve = []
        for c in range(3):
            t = jnp.concatenate([s1 * v2[c], v1[c] * s2], axis=1) * w1_ve
            ve.append(jnp.dot(t, w1v[...], preferred_element_type=jnp.float32))
        a = _silu(se[:, :nc])
        gate = jax.nn.sigmoid(se[:, nc:])
        ve = [gate * x for x in ve]

        rvb = rv_ref[...]
        rc = (rvb[:, 0:1], rvb[:, 1:2], rvb[:, 2:3])
        w2 = radial(r2w1, r2b1, r2w2, r2b2)
        w2_se, w2_ve = w2[:, :2 * nc], w2[:, 2 * nc:]

        vv2 = ve[0] * rc[0] + ve[1] * rc[1] + ve[2] * rc[2]
        se2 = jnp.concatenate([a, vv2], axis=1) * w2_se
        se2 = jnp.dot(se2, w2s[...], preferred_element_type=jnp.float32) + w2b[...]
        ve2 = []
        for c in range(3):
            t = jnp.concatenate([a * rc[c], ve[c]], axis=1) * w2_ve
            ve2.append(jnp.dot(t, w2v[...], preferred_element_type=jnp.float32))
        a2 = _silu(se2[:, :nc])
        g2 = jax.nn.sigmoid(se2[:, nc:])
        out = jnp.concatenate([a2] + [g2 * x for x in ve2], axis=1)
        keep = (pl.program_id(0) < valid_blocks).astype(jnp.float32)
        out_ref[...] = out * keep

    full = lambda shape: pl.BlockSpec(shape, lambda i: (0,) * len(shape))
    return pl.pallas_call(
        body,
        grid=(grid,),
        in_specs=[
            pl.BlockSpec((_B_EDGE, _D // 2), lambda i: (i, 0)),
            pl.BlockSpec((_B_EDGE, _D // 2), lambda i: (i + grid, 0)),
            pl.BlockSpec((_B_EDGE, 1), lambda i: (i, 0)),
            pl.BlockSpec((_B_EDGE, 16), lambda i: (i, 0)),
            pl.BlockSpec((_B_EDGE, 3), lambda i: (i, 0)),
            full((17, 64)), full((1, 64)), full((64, 4 * nc)), full((1, 4 * nc)),
            full((17, 64)), full((1, 64)), full((64, 4 * nc)), full((1, 4 * nc)),
            full((2 * nc, 2 * nc)), full((1, 2 * nc)), full((2 * nc, nc)),
            full((2 * nc, 2 * nc)), full((1, 2 * nc)), full((2 * nc, nc)),
        ],
        out_specs=pl.BlockSpec((_B_EDGE, _D), lambda i: (i, 0)),
        out_shape=jax.ShapeDtypeStruct((e_total, _D), jnp.float32),
        compiler_params=pltpu.CompilerParams(
            dimension_semantics=("arbitrary",)),
    )(g, g, r2, eij, rv,
      R1_w1, R1_b1, R1_w2, R1_b2, R2_w1, R2_b1, R2_w2, R2_b2,
      W1_s, b1_s, W1_v, W2_s, b2_s, W2_v)


def _tc_finale(parts, table, W3_s, b3_s, W3_v, Wself_s, Wself_v, div):
    n_nodes = table.shape[0]
    grid = n_nodes // _B_NODE
    nc = _NC
    inv = 1.0 / div

    def body(p0_ref, p1_ref, t_ref, w3s, w3b, w3v, wss, wsv, os_ref, ov_ref):
        acc = (p0_ref[0] + p1_ref[0]) * inv
        t = t_ref[...]
        os_ref[...] = (
            jnp.dot(acc[:, :nc], w3s[...], preferred_element_type=jnp.float32)
            + w3b[...]
            + jnp.dot(t[:, :nc], wss[...], preferred_element_type=jnp.float32))
        outs = []
        for c in range(3):
            sl = slice((1 + c) * nc, (2 + c) * nc)
            outs.append(
                jnp.dot(acc[:, sl], w3v[...], preferred_element_type=jnp.float32)
                + jnp.dot(t[:, sl], wsv[...], preferred_element_type=jnp.float32))
        ov_ref[...] = jnp.concatenate(outs, axis=1)

    full = lambda shape: pl.BlockSpec(shape, lambda i: (0,) * len(shape))
    return pl.pallas_call(
        body,
        grid=(grid,),
        in_specs=[
            pl.BlockSpec((1, _B_NODE, _D), lambda i: (0, i, 0)),
            pl.BlockSpec((1, _B_NODE, _D), lambda i: (1, i, 0), ),
            pl.BlockSpec((_B_NODE, _D), lambda i: (i, 0)),
            full((nc, nc)), full((1, nc)), full((nc, nc)),
            full((nc, nc)), full((nc, nc)),
        ],
        out_specs=[
            pl.BlockSpec((_B_NODE, nc), lambda i: (i, 0)),
            pl.BlockSpec((_B_NODE, 3 * nc), lambda i: (i, 0)),
        ],
        out_shape=[
            jax.ShapeDtypeStruct((n_nodes, nc), jnp.float32),
            jax.ShapeDtypeStruct((n_nodes, 3 * nc), jnp.float32),
        ],
        compiler_params=pltpu.CompilerParams(
            dimension_semantics=("arbitrary",)),
    )(parts, parts, table, W3_s, b3_s, W3_v, Wself_s, Wself_v)


def kernel(s, v, edges_ij, r_ij, r_ij_vec, src, dst,
           W1_s, b1_s, W1_v, W2_s, b2_s, W2_v, W3_s, b3_s, W3_v,
           Wself_s, Wself_v,
           R1_w1, R1_b1, R1_w2, R1_b2, R2_w1, R2_b1, R2_w2, R2_b2):
    n_nodes, nc = s.shape
    e_total = src.shape[0]
    e_pad = -(-e_total // (_B_EDGE * 4)) * (_B_EDGE * 4)
    npad = e_pad - e_total
    valid_blocks = e_total // _B_EDGE
    assert e_total % _B_EDGE == 0 and e_pad % 4096 == 0

    v_t = jnp.transpose(v, (0, 2, 1)).reshape(n_nodes, 3 * nc)
    table = jnp.concatenate([s, v_t], axis=1)
    zpad = jnp.zeros((npad,), jnp.int32)
    dst_p = jnp.concatenate([dst.astype(jnp.int32), zpad])
    idx = jnp.concatenate([dst_p, src.astype(jnp.int32), zpad])

    tb = table.astype(jnp.bfloat16)
    lo16 = lax.bitcast_convert_type(tb[:, :_D // 2], jnp.uint16).astype(jnp.uint32)
    hi16 = lax.bitcast_convert_type(tb[:, _D // 2:], jnp.uint16).astype(jnp.uint32)
    table_pk = lax.bitcast_convert_type((hi16 << 16) | lo16, jnp.int32)
    gathered = _sc_gather(table_pk, idx)

    edge_out = _tc_edge_chain(
        gathered,
        jnp.pad(r_ij[:, None], ((0, npad), (0, 0))),
        jnp.pad(edges_ij, ((0, npad), (0, 0))),
        jnp.pad(r_ij_vec, ((0, npad), (0, 0))),
        R1_w1, R1_b1[None, :], R1_w2, R1_b2[None, :],
        R2_w1, R2_b1[None, :], R2_w2, R2_b2[None, :],
        W1_s, b1_s[None, :], W1_v, W2_s, b2_s[None, :], W2_v,
        valid_blocks)

    n_node_pad = -(-n_nodes // (_SC_TILES * 8)) * (_SC_TILES * 8)
    zeros_n = jnp.zeros((n_node_pad, nc), jnp.float32)
    parts = _sc_scatter_add(edge_out, dst_p, zeros_n)

    s_out, v3 = _tc_finale(parts, table, W3_s, b3_s[None, :], W3_v,
                           Wself_s, Wself_v, 16.0)
    v_out = jnp.transpose(v3.reshape(n_nodes, 3, nc), (0, 2, 1))
    return (s_out, v_out)

# --- scband reference (transcript-rebuilt; emitter-appended) ---
"""Pipeline reference for scband-convnet-14310831031028 (READ-ONLY COPY).

The authoritative reference and input builder live on the scoring server;
editing this copy changes nothing except your own understanding.
"""

import jax, jax.numpy as jnp
import numpy as np

N_NODES = 10000
E = 160000
NC = 128
D_EDGE = 16
HID = 64
DIV = 16.0


def _mk(key, shape, fan_in):
    return jax.random.normal(key, shape, dtype=jnp.float32) * (fan_in ** -0.5)


def setup_inputs(seed: int = 0):
    key = jax.random.key(seed)
    ks = jax.random.split(key, 24)
    inp = {}
    inp['s'] = jax.random.normal(ks[0], (N_NODES, NC), dtype=jnp.float32)
    inp['v'] = jax.random.normal(ks[1], (N_NODES, NC, 3), dtype=jnp.float32)
    inp['edges_ij'] = jax.random.normal(ks[2], (E, D_EDGE), dtype=jnp.float32)
    inp['r_ij'] = jax.random.uniform(ks[3], (E,), dtype=jnp.float32)
    inp['r_ij_vec'] = jax.random.normal(ks[4], (E, 3), dtype=jnp.float32)
    inp['src'] = jax.random.randint(ks[5], (E,), 0, N_NODES)
    inp['dst'] = jax.random.randint(ks[6], (E,), 0, N_NODES)
    inp['W1_s'] = _mk(ks[7], (2 * NC, 2 * NC), 2 * NC)
    inp['b1_s'] = jnp.zeros((2 * NC,), jnp.float32)
    inp['W1_v'] = _mk(ks[8], (2 * NC, NC), 2 * NC)
    inp['W2_s'] = _mk(ks[9], (2 * NC, 2 * NC), 2 * NC)
    inp['b2_s'] = jnp.zeros((2 * NC,), jnp.float32)
    inp['W2_v'] = _mk(ks[10], (2 * NC, NC), 2 * NC)
    inp['W3_s'] = _mk(ks[11], (NC, NC), NC)
    inp['b3_s'] = jnp.zeros((NC,), jnp.float32)
    inp['W3_v'] = _mk(ks[12], (NC, NC), NC)
    inp['Wself_s'] = _mk(ks[13], (NC, NC), NC)
    inp['Wself_v'] = _mk(ks[14], (NC, NC), NC)
    inp['R1_w1'] = _mk(ks[15], (1 + D_EDGE, HID), 1 + D_EDGE)
    inp['R1_b1'] = jnp.zeros((HID,), jnp.float32)
    inp['R1_w2'] = _mk(ks[16], (HID, 4 * NC), HID)
    inp['R1_b2'] = jnp.zeros((4 * NC,), jnp.float32)
    inp['R2_w1'] = _mk(ks[17], (1 + D_EDGE, HID), 1 + D_EDGE)
    inp['R2_b1'] = jnp.zeros((HID,), jnp.float32)
    inp['R2_w2'] = _mk(ks[18], (HID, 4 * NC), HID)
    inp['R2_b2'] = jnp.zeros((4 * NC,), jnp.float32)
    return inp


def _radial(r, e, w1, b1, w2, b2):
    f = jnp.concatenate([r[:, None], e], axis=1)
    h = jax.nn.silu(f @ w1 + b1)
    return h @ w2 + b2


def reference(s, v, edges_ij, r_ij, r_ij_vec, src, dst, W1_s, b1_s, W1_v, W2_s, b2_s, W2_v, W3_s, b3_s, W3_v, Wself_s, Wself_v, R1_w1, R1_b1, R1_w2, R1_b2, R2_w1, R2_b1, R2_w2, R2_b2):
    s0, v0 = s, v
    s1, v1 = s[dst], v[dst]
    s2, v2 = s[src], v[src]
    ss = s1 * s2
    vv = (v1 * v2).sum(axis=-1)
    sv = s1[:, :, None] * v2
    vs = v1 * s2[:, :, None]
    se = jnp.concatenate([ss, vv], axis=1)
    ve = jnp.concatenate([sv, vs], axis=1)
    w = _radial(r_ij, edges_ij, R1_w1, R1_b1, R1_w2, R1_b2).reshape(-1, 2, 2 * NC)
    se = w[:, 0] * se
    ve = w[:, 1][:, :, None] * ve
    se = se @ W1_s + b1_s
    ve = jnp.einsum('evc,vw->ewc', ve, W1_v)
    sp, sg = se[:, :NC], se[:, NC:]
    se = jax.nn.silu(sp)
    ve = jax.nn.sigmoid(sg)[:, :, None] * ve
    ss = se
    vv = (ve * r_ij_vec[:, None, :]).sum(axis=-1)
    sv = se[:, :, None] * r_ij_vec[:, None, :]
    vs = ve
    se = jnp.concatenate([ss, vv], axis=1)
    ve = jnp.concatenate([sv, vs], axis=1)
    w = _radial(r_ij, edges_ij, R2_w1, R2_b1, R2_w2, R2_b2).reshape(-1, 2, 2 * NC)
    se = w[:, 0] * se
    ve = w[:, 1][:, :, None] * ve
    se = se @ W2_s + b2_s
    ve = jnp.einsum('evc,vw->ewc', ve, W2_v)
    sp, sg = se[:, :NC], se[:, NC:]
    se = jax.nn.silu(sp)
    ve = jax.nn.sigmoid(sg)[:, :, None] * ve
    sn = jnp.zeros((s0.shape[0], NC), jnp.float32).at[dst].add(se) / DIV
    vn = jnp.zeros((s0.shape[0], NC, 3), jnp.float32).at[dst].add(ve) / DIV
    sn = sn @ W3_s + b3_s
    vn = jnp.einsum('evc,vw->ewc', vn, W3_v)
    s_self = s0 @ Wself_s
    v_self = jnp.einsum('evc,vw->ewc', v0, Wself_v)
    return (s_self + sn, v_self + vn)

if __name__ == "__main__":
    import jax
    _d = setup_inputs()
    print(jax.jit(kernel)(*tuple(_d.values())))

</pallas_src>

<mosaic_0001>
#map = affine_map<(d0, d1) -> (0, 0)>
#map1 = affine_map<(d0, d1) -> (0)>
module attributes {stable_mosaic.version = 14 : i64} {
  func.func @k(%arg0: i32, %arg1: i32, %arg2: memref<10000x256xi32, #tpu.memory_space<hbm>>, %arg3: memref<327680xi32, #tpu.memory_space<hbm>>, %arg4: memref<327680x256xi32, #tpu.memory_space<hbm>>, %arg5: memref<128xi32, #tpu.memory_space<vmem>>, %arg6: memref<128xi32, #tpu.memory_space<vmem>>, %arg7: memref<128x256xi32, #tpu.memory_space<vmem>>, %arg8: memref<128x256xi32, #tpu.memory_space<vmem>>, %arg9: memref<!tpu.dma_semaphore, #tpu.memory_space<semaphore_mem>>, %arg10: memref<!tpu.dma_semaphore, #tpu.memory_space<semaphore_mem>>, %arg11: memref<!tpu.dma_semaphore, #tpu.memory_space<semaphore_mem>>, %arg12: memref<!tpu.dma_semaphore, #tpu.memory_space<semaphore_mem>>, %arg13: memref<!tpu.dma_semaphore, #tpu.memory_space<semaphore_mem>>, %arg14: memref<!tpu.dma_semaphore, #tpu.memory_space<semaphore_mem>>) attributes {dimension_semantics = [#tpu.dimension_semantics<core_parallel>, #tpu.dimension_semantics<subcore_parallel>], iteration_bounds = array<i64: 2, 16>, scalar_prefetch = 0 : i64, scratch_operands = 10 : i64, tpu.core_type = #tpu.core_type<sc_vector_subcore>, window_params = [{transform_indices = #map}, {transform_indices = #map1}, {transform_indices = #map}]} {
    %mul3A = arith.constant 2 : i32
    %mul3A_0 = arith.muli %arg1, %mul3A : i32
    %add3A = arith.addi %mul3A_0, %arg0 : i32
    %add3A_1 = arith.constant 0 : i32
    %add3A_2 = arith.addi %add3A_1, %add3A : i32
    %mul3A_3 = arith.constant 128 : i32
    %mul3A_4 = arith.muli %add3A_2, %mul3A_3 : i32
    "tpu.region"() ({
      %run_scoped3A = tpu.sem_alloc : memref<!tpu.dma_semaphore, #tpu.memory_space<semaphore_mem>>
      %dma_start3A_131 = tpu.memref_slice %arg3[%mul3A_4] : memref<327680xi32, #tpu.memory_space<hbm>> -> memref<128xi32, #tpu.memory_space<hbm>>
      %dma_start3A_132 = tpu.memref_slice %arg3[%mul3A_4] : memref<327680xi32, #tpu.memory_space<hbm>> -> memref<128xi32, #tpu.memory_space<hbm>>
      tpu.enqueue_dma source(%dma_start3A_132 : memref<128xi32, #tpu.memory_space<hbm>>) target(%arg5 : memref<128xi32, #tpu.memory_space<vmem>>) target_semaphore(%run_scoped3A : memref<!tpu.dma_semaphore, #tpu.memory_space<semaphore_mem>>)
      %dma_wait3A_133 = tpu.memref_slice %arg3[%mul3A_4] : memref<327680xi32, #tpu.memory_space<hbm>> -> memref<128xi32, #tpu.memory_space<hbm>>
      %dma_wait3A_134 = tpu.memref_slice %arg3[%mul3A_4] : memref<327680xi32, #tpu.memory_space<hbm>> -> memref<128xi32, #tpu.memory_space<hbm>>
      tpu.wait_dma2 semaphore(%run_scoped3A : memref<!tpu.dma_semaphore, #tpu.memory_space<semaphore_mem>>) src(%dma_wait3A_134 : memref<128xi32, #tpu.memory_space<hbm>>) dst(%arg5 : memref<128xi32, #tpu.memory_space<vmem>>)
      tpu.yield
    }) : () -> ()
    %dma_start3A = arith.constant 0 : i32
    %dma_start3A_5 = arith.constant 0 : i32
    %dma_start3A_6 = tpu.memref_slice %arg2[%dma_start3A, %dma_start3A_5] : memref<10000x256xi32, #tpu.memory_space<hbm>> -> memref<10000x256xi32, #tpu.memory_space<hbm>>
    tpu.enqueue_indirect_dma source(%dma_start3A_6 : memref<10000x256xi32, #tpu.memory_space<hbm>>) target(%arg7 : memref<128x256xi32, #tpu.memory_space<vmem>>) offsets(%arg5 : memref<128xi32, #tpu.memory_space<vmem>>) semaphore(%arg11 : memref<!tpu.dma_semaphore, #tpu.memory_space<semaphore_mem>>)
    %add3A_7 = arith.constant 32 : i32
    %add3A_8 = arith.addi %add3A_7, %add3A : i32
    %mul3A_9 = arith.constant 128 : i32
    %mul3A_10 = arith.muli %add3A_8, %mul3A_9 : i32
    %dma_start3A_11 = tpu.memref_slice %arg3[%mul3A_10] : memref<327680xi32, #tpu.memory_space<hbm>> -> memref<128xi32, #tpu.memory_space<hbm>>
    %dma_start3A_12 = tpu.memref_slice %arg3[%mul3A_10] : memref<327680xi32, #tpu.memory_space<hbm>> -> memref<128xi32, #tpu.memory_space<hbm>>
    tpu.enqueue_dma source(%dma_start3A_12 : memref<128xi32, #tpu.memory_space<hbm>>) target(%arg6 : memref<128xi32, #tpu.memory_space<vmem>>) target_semaphore(%arg10 : memref<!tpu.dma_semaphore, #tpu.memory_space<semaphore_mem>>)
    %dma_wait3A = arith.constant 0 : i32
    %dma_wait3A_13 = arith.constant 0 : i32
    %dma_wait3A_14 = tpu.memref_slice %arg2[%dma_wait3A, %dma_wait3A_13] : memref<10000x256xi32, #tpu.memory_space<hbm>> -> memref<10000x256xi32, #tpu.memory_space<hbm>>
    tpu.wait_indirect_dma semaphore(%arg11 : memref<!tpu.dma_semaphore, #tpu.memory_space<semaphore_mem>>) src(%dma_wait3A_14 : memref<10000x256xi32, #tpu.memory_space<hbm>>) dst(%arg7 : memref<128x256xi32, #tpu.memory_space<vmem>>)
    %add3A_15 = arith.constant 0 : i32
    %add3A_16 = arith.addi %add3A_15, %add3A : i32
    %mul3A_17 = arith.constant 128 : i32
    %mul3A_18 = arith.muli %add3A_16, %mul3A_17 : i32
    %dma_start3A_19 = arith.constant 0 : i32
    %dma_start3A_20 = tpu.memref_slice %arg4[%mul3A_18, %dma_start3A_19] : memref<327680x256xi32, #tpu.memory_space<hbm>> -> memref<128x256xi32, #tpu.memory_space<hbm>>
    %dma_start3A_21 = arith.constant 0 : i32
    %dma_start3A_22 = tpu.memref_slice %arg4[%mul3A_18, %dma_start3A_21] : memref<327680x256xi32, #tpu.memory_space<hbm>> -> memref<128x256xi32, #tpu.memory_space<hbm>>
    tpu.enqueue_dma source(%arg7 : memref<128x256xi32, #tpu.memory_space<vmem>>) target(%dma_start3A_22 : memref<128x256xi32, #tpu.memory_space<hbm>>) target_semaphore(%arg13 : memref<!tpu.dma_semaphore, #tpu.memory_space<semaphore_mem>>)
    %add3A_23 = arith.constant 32 : i32
    %add3A_24 = arith.addi %add3A_23, %add3A : i32
    %mul3A_25 = arith.constant 128 : i32
    %mul3A_26 = arith.muli %add3A_24, %mul3A_25 : i32
    %dma_wait3A_27 = tpu.memref_slice %arg3[%mul3A_26] : memref<327680xi32, #tpu.memory_space<hbm>> -> memref<128xi32, #tpu.memory_space<hbm>>
    %dma_wait3A_28 = tpu.memref_slice %arg3[%mul3A_26] : memref<327680xi32, #tpu.memory_space<hbm>> -> memref<128xi32, #tpu.memory_space<hbm>>
    tpu.wait_dma2 semaphore(%arg10 : memref<!tpu.dma_semaphore, #tpu.memory_space<semaphore_mem>>) src(%dma_wait3A_28 : memref<128xi32, #tpu.memory_space<hbm>>) dst(%arg6 : memref<128xi32, #tpu.memory_space<vmem>>)
    %dma_start3A_29 = arith.constant 0 : i32
    %dma_start3A_30 = arith.constant 0 : i32
    %dma_start3A_31 = tpu.memref_slice %arg2[%dma_start3A_29, %dma_start3A_30] : memref<10000x256xi32, #tpu.memory_space<hbm>> -> memref<10000x256xi32, #tpu.memory_space<hbm>>
    tpu.enqueue_indirect_dma source(%dma_start3A_31 : memref<10000x256xi32, #tpu.memory_space<hbm>>) target(%arg8 : memref<128x256xi32, #tpu.memory_space<vmem>>) offsets(%arg6 : memref<128xi32, #tpu.memory_space<vmem>>) semaphore(%arg12 : memref<!tpu.dma_semaphore, #tpu.memory_space<semaphore_mem>>)
    %add3A_32 = arith.constant 64 : i32
    %add3A_33 = arith.addi %add3A_32, %add3A : i32
    %mul3A_34 = arith.constant 128 : i32
    %mul3A_35 = arith.muli %add3A_33, %mul3A_34 : i32
    %dma_start3A_36 = tpu.memref_slice %arg3[%mul3A_35] : memref<327680xi32, #tpu.memory_space<hbm>> -> memref<128xi32, #tpu.memory_space<hbm>>
    %dma_start3A_37 = tpu.memref_slice %arg3[%mul3A_35] : memref<327680xi32, #tpu.memory_space<hbm>> -> memref<128xi32, #tpu.memory_space<hbm>>
    tpu.enqueue_dma source(%dma_start3A_37 : memref<128xi32, #tpu.memory_space<hbm>>) target(%arg5 : memref<128xi32, #tpu.memory_space<vmem>>) target_semaphore(%arg9 : memref<!tpu.dma_semaphore, #tpu.memory_space<semaphore_mem>>)
    %scan3A = arith.constant 0 : i32
    %scan3A_38 = arith.constant 38 : i32
    %scan3A_39 = arith.addi %scan3A, %scan3A_38 : i32
    %scan3A_40 = arith.constant 1 : i32
    scf.for %scan3A_131 = %scan3A to %scan3A_39 step %scan3A_40  : i32 {
      %mul3A_132 = arith.constant 1 : i32
      %mul3A_133 = arith.muli %scan3A_131, %mul3A_132 : i32
      %add3A_134 = arith.constant 0 : i32
      %add3A_135 = arith.addi %add3A_134, %mul3A_133 : i32
      %mul3A_136 = arith.constant 2 : i32
      %mul3A_137 = arith.muli %mul3A_136, %add3A_135 : i32
      %add3A_138 = arith.constant 1 : i32
      %add3A_139 = arith.addi %mul3A_137, %add3A_138 : i32
      %dma_wait3A_140 = arith.constant 0 : i32
      %dma_wait3A_141 = arith.constant 0 : i32
      %dma_wait3A_142 = tpu.memref_slice %arg2[%dma_wait3A_140, %dma_wait3A_141] : memref<10000x256xi32, #tpu.memory_space<hbm>> -> memref<10000x256xi32, #tpu.memory_space<hbm>>
      tpu.wait_indirect_dma semaphore(%arg12 : memref<!tpu.dma_semaphore, #tpu.memory_space<semaphore_mem>>) src(%dma_wait3A_142 : memref<10000x256xi32, #tpu.memory_space<hbm>>) dst(%arg8 : memref<128x256xi32, #tpu.memory_space<vmem>>)
      %mul3A_143 = arith.constant 32 : i32
      %mul3A_144 = arith.muli %add3A_139, %mul3A_143 : i32
      %add3A_145 = arith.addi %mul3A_144, %add3A : i32
      %mul3A_146 = arith.constant 128 : i32
      %mul3A_147 = arith.muli %add3A_145, %mul3A_146 : i32
      %dma_start3A_148 = arith.constant 0 : i32
      %dma_start3A_149 = tpu.memref_slice %arg4[%mul3A_147, %dma_start3A_148] : memref<327680x256xi32, #tpu.memory_space<hbm>> -> memref<128x256xi32, #tpu.memory_space<hbm>>
      %dma_start3A_150 = arith.constant 0 : i32
      %dma_start3A_151 = tpu.memref_slice %arg4[%mul3A_147, %dma_start3A_150] : memref<327680x256xi32, #tpu.memory_space<hbm>> -> memref<128x256xi32, #tpu.memory_space<hbm>>
      tpu.enqueue_dma source(%arg8 : memref<128x256xi32, #tpu.memory_space<vmem>>) target(%dma_start3A_151 : memref<128x256xi32, #tpu.memory_space<hbm>>) target_semaphore(%arg14 : memref<!tpu.dma_semaphore, #tpu.memory_space<semaphore_mem>>)
      %add3A_152 = arith.constant 1 : i32
      %add3A_153 = arith.addi %add3A_139, %add3A_152 : i32
      %mul3A_154 = arith.constant 32 : i32
      %mul3A_155 = arith.muli %add3A_153, %mul3A_154 : i32
      %add3A_156 = arith.addi %mul3A_155, %add3A : i32
      %mul3A_157 = arith.constant 128 : i32
      %mul3A_158 = arith.muli %add3A_156, %mul3A_157 : i32
      %dma_wait3A_159 = tpu.memref_slice %arg3[%mul3A_158] : memref<327680xi32, #tpu.memory_space<hbm>> -> memref<128xi32, #tpu.memory_space<hbm>>
      %dma_wait3A_160 = tpu.memref_slice %arg3[%mul3A_158] : memref<327680xi32, #tpu.memory_space<hbm>> -> memref<128xi32, #tpu.memory_space<hbm>>
      tpu.wait_dma2 semaphore(%arg9 : memref<!tpu.dma_semaphore, #tpu.memory_space<semaphore_mem>>) src(%dma_wait3A_160 : memref<128xi32, #tpu.memory_space<hbm>>) dst(%arg5 : memref<128xi32, #tpu.memory_space<vmem>>)
      %sub3A = arith.constant 1 : i32
      %sub3A_161 = arith.subi %add3A_139, %sub3A : i32
      %mul3A_162 = arith.constant 32 : i32
      %mul3A_163 = arith.muli %sub3A_161, %mul3A_162 : i32
      %add3A_164 = arith.addi %mul3A_163, %add3A : i32
      %mul3A_165 = arith.constant 128 : i32
      %mul3A_166 = arith.muli %add3A_164, %mul3A_165 : i32
      %dma_wait3A_167 = arith.constant 0 : i32
      %dma_wait3A_168 = tpu.memref_slice %arg4[%mul3A_166, %dma_wait3A_167] : memref<327680x256xi32, #tpu.memory_space<hbm>> -> memref<128x256xi32, #tpu.memory_space<hbm>>
      %dma_wait3A_169 = arith.constant 0 : i32
      %dma_wait3A_170 = tpu.memref_slice %arg4[%mul3A_166, %dma_wait3A_169] : memref<327680x256xi32, #tpu.memory_space<hbm>> -> memref<128x256xi32, #tpu.memory_space<hbm>>
      tpu.wait_dma2 semaphore(%arg13 : memref<!tpu.dma_semaphore, #tpu.memory_space<semaphore_mem>>) src(%arg7 : memref<128x256xi32, #tpu.memory_space<vmem>>) dst(%dma_wait3A_170 : memref<128x256xi32, #tpu.memory_space<hbm>>)
      %dma_start3A_171 = arith.constant 0 : i32
      %dma_start3A_172 = arith.constant 0 : i32
      %dma_start3A_173 = tpu.memref_slice %arg2[%dma_start3A_171, %dma_start3A_172] : memref<10000x256xi32, #tpu.memory_space<hbm>> -> memref<10000x256xi32, #tpu.memory_space<hbm>>
      tpu.enqueue_indirect_dma source(%dma_start3A_173 : memref<10000x256xi32, #tpu.memory_space<hbm>>) target(%arg7 : memref<128x256xi32, #tpu.memory_space<vmem>>) offsets(%arg5 : memref<128xi32, #tpu.memory_space<vmem>>) semaphore(%arg11 : memref<!tpu.dma_semaphore, #tpu.memory_space<semaphore_mem>>)
      %add3A_174 = arith.constant 2 : i32
      %add3A_175 = arith.addi %add3A_139, %add3A_174 : i32
      %mul3A_176 = arith.constant 32 : i32
      %mul3A_177 = arith.muli %add3A_175, %mul3A_176 : i32
      %add3A_178 = arith.addi %mul3A_177, %add3A : i32
      %mul3A_179 = arith.constant 128 : i32
      %mul3A_180 = arith.muli %add3A_178, %mul3A_179 : i32
      %dma_start3A_181 = tpu.memref_slice %arg3[%mul3A_180] : memref<327680xi32, #tpu.memory_space<hbm>> -> memref<128xi32, #tpu.memory_space<hbm>>
      %dma_start3A_182 = tpu.memref_slice %arg3[%mul3A_180] : memref<327680xi32, #tpu.memory_space<hbm>> -> memref<128xi32, #tpu.memory_space<hbm>>
      tpu.enqueue_dma source(%dma_start3A_182 : memref<128xi32, #tpu.memory_space<hbm>>) target(%arg6 : memref<128xi32, #tpu.memory_space<vmem>>) target_semaphore(%arg10 : memref<!tpu.dma_semaphore, #tpu.memory_space<semaphore_mem>>)
      %add3A_183 = arith.constant 1 : i32
      %add3A_184 = arith.addi %add3A_139, %add3A_183 : i32
      %dma_wait3A_185 = arith.constant 0 : i32
      %dma_wait3A_186 = arith.constant 0 : i32
      %dma_wait3A_187 = tpu.memref_slice %arg2[%dma_wait3A_185, %dma_wait3A_186] : memref<10000x256xi32, #tpu.memory_space<hbm>> -> memref<10000x256xi32, #tpu.memory_space<hbm>>
      tpu.wait_indirect_dma semaphore(%arg11 : memref<!tpu.dma_semaphore, #tpu.memory_space<semaphore_mem>>) src(%dma_wait3A_187 : memref<10000x256xi32, #tpu.memory_space<hbm>>) dst(%arg7 : memref<128x256xi32, #tpu.memory_space<vmem>>)
      %mul3A_188 = arith.constant 32 : i32
      %mul3A_189 = arith.muli %add3A_184, %mul3A_188 : i32
      %add3A_190 = arith.addi %mul3A_189, %add3A : i32
      %mul3A_191 = arith.constant 128 : i32
      %mul3A_192 = arith.muli %add3A_190, %mul3A_191 : i32
      %dma_start3A_193 = arith.constant 0 : i32
      %dma_start3A_194 = tpu.memref_slice %arg4[%mul3A_192, %dma_start3A_193] : memref<327680x256xi32, #tpu.memory_space<hbm>> -> memref<128x256xi32, #tpu.memory_space<hbm>>
      %dma_start3A_195 = arith.constant 0 : i32
      %dma_start3A_196 = tpu.memref_slice %arg4[%mul3A_192, %dma_start3A_195] : memref<327680x256xi32, #tpu.memory_space<hbm>> -> memref<128x256xi32, #tpu.memory_space<hbm>>
      tpu.enqueue_dma source(%arg7 : memref<128x256xi32, #tpu.memory_space<vmem>>) target(%dma_start3A_196 : memref<128x256xi32, #tpu.memory_space<hbm>>) target_semaphore(%arg13 : memref<!tpu.dma_semaphore, #tpu.memory_space<semaphore_mem>>)
      %add3A_197 = arith.constant 1 : i32
      %add3A_198 = arith.addi %add3A_184, %add3A_197 : i32
      %mul3A_199 = arith.constant 32 : i32
      %mul3A_200 = arith.muli %add3A_198, %mul3A_199 : i32
      %add3A_201 = arith.addi %mul3A_200, %add3A : i32
      %mul3A_202 = arith.constant 128 : i32
      %mul3A_203 = arith.muli %add3A_201, %mul3A_202 : i32
      %dma_wait3A_204 = tpu.memref_slice %arg3[%mul3A_203] : memref<327680xi32, #tpu.memory_space<hbm>> -> memref<128xi32, #tpu.memory_space<hbm>>
      %dma_wait3A_205 = tpu.memref_slice %arg3[%mul3A_203] : memref<327680xi32, #tpu.memory_space<hbm>> -> memref<128xi32, #tpu.memory_space<hbm>>
      tpu.wait_dma2 semaphore(%arg10 : memref<!tpu.dma_semaphore, #tpu.memory_space<semaphore_mem>>) src(%dma_wait3A_205 : memref<128xi32, #tpu.memory_space<hbm>>) dst(%arg6 : memref<128xi32, #tpu.memory_space<vmem>>)
      %sub3A_206 = arith.constant 1 : i32
      %sub3A_207 = arith.subi %add3A_184, %sub3A_206 : i32
      %mul3A_208 = arith.constant 32 : i32
      %mul3A_209 = arith.muli %sub3A_207, %mul3A_208 : i32
      %add3A_210 = arith.addi %mul3A_209, %add3A : i32
      %mul3A_211 = arith.constant 128 : i32
      %mul3A_212 = arith.muli %add3A_210, %mul3A_211 : i32
      %dma_wait3A_213 = arith.constant 0 : i32
      %dma_wait3A_214 = tpu.memref_slice %arg4[%mul3A_212, %dma_wait3A_213] : memref<327680x256xi32, #tpu.memory_space<hbm>> -> memref<128x256xi32, #tpu.memory_space<hbm>>
      %dma_wait3A_215 = arith.constant 0 : i32
      %dma_wait3A_216 = tpu.memref_slice %arg4[%mul3A_212, %dma_wait3A_215] : memref<327680x256xi32, #tpu.memory_space<hbm>> -> memref<128x256xi32, #tpu.memory_space<hbm>>
      tpu.wait_dma2 semaphore(%arg14 : memref<!tpu.dma_semaphore, #tpu.memory_space<semaphore_mem>>) src(%arg8 : memref<128x256xi32, #tpu.memory_space<vmem>>) dst(%dma_wait3A_216 : memref<128x256xi32, #tpu.memory_space<hbm>>)
      %dma_start3A_217 = arith.constant 0 : i32
      %dma_start3A_218 = arith.constant 0 : i32
      %dma_start3A_219 = tpu.memref_slice %arg2[%dma_start3A_217, %dma_start3A_218] : memref<10000x256xi32, #tpu.memory_space<hbm>> -> memref<10000x256xi32, #tpu.memory_space<hbm>>
      tpu.enqueue_indirect_dma source(%dma_start3A_219 : memref<10000x256xi32, #tpu.memory_space<hbm>>) target(%arg8 : memref<128x256xi32, #tpu.memory_space<vmem>>) offsets(%arg6 : memref<128xi32, #tpu.memory_space<vmem>>) semaphore(%arg12 : memref<!tpu.dma_semaphore, #tpu.memory_space<semaphore_mem>>)
      %add3A_220 = arith.constant 2 : i32
      %add3A_221 = arith.addi %add3A_184, %add3A_220 : i32
      %mul3A_222 = arith.constant 32 : i32
      %mul3A_223 = arith.muli %add3A_221, %mul3A_222 : i32
      %add3A_224 = arith.addi %mul3A_223, %add3A : i32
      %mul3A_225 = arith.constant 128 : i32
      %mul3A_226 = arith.muli %add3A_224, %mul3A_225 : i32
      %dma_start3A_227 = tpu.memref_slice %arg3[%mul3A_226] : memref<327680xi32, #tpu.memory_space<hbm>> -> memref<128xi32, #tpu.memory_space<hbm>>
      %dma_start3A_228 = tpu.memref_slice %arg3[%mul3A_226] : memref<327680xi32, #tpu.memory_space<hbm>> -> memref<128xi32, #tpu.memory_space<hbm>>
      tpu.enqueue_dma source(%dma_start3A_228 : memref<128xi32, #tpu.memory_space<hbm>>) target(%arg5 : memref<128xi32, #tpu.memory_space<vmem>>) target_semaphore(%arg9 : memref<!tpu.dma_semaphore, #tpu.memory_space<semaphore_mem>>)
    }
    %scan3A_41 = arith.constant 38 : i32
    %dma_wait3A_42 = arith.constant 0 : i32
    %dma_wait3A_43 = arith.constant 0 : i32
    %dma_wait3A_44 = tpu.memref_slice %arg2[%dma_wait3A_42, %dma_wait3A_43] : memref<10000x256xi32, #tpu.memory_space<hbm>> -> memref<10000x256xi32, #tpu.memory_space<hbm>>
    tpu.wait_indirect_dma semaphore(%arg12 : memref<!tpu.dma_semaphore, #tpu.memory_space<semaphore_mem>>) src(%dma_wait3A_44 : memref<10000x256xi32, #tpu.memory_space<hbm>>) dst(%arg8 : memref<128x256xi32, #tpu.memory_space<vmem>>)
    %add3A_45 = arith.constant 2464 : i32
    %add3A_46 = arith.addi %add3A_45, %add3A : i32
    %mul3A_47 = arith.constant 128 : i32
    %mul3A_48 = arith.muli %add3A_46, %mul3A_47 : i32
    %dma_start3A_49 = arith.constant 0 : i32
    %dma_start3A_50 = tpu.memref_slice %arg4[%mul3A_48, %dma_start3A_49] : memref<327680x256xi32, #tpu.memory_space<hbm>> -> memref<128x256xi32, #tpu.memory_space<hbm>>
    %dma_start3A_51 = arith.constant 0 : i32
    %dma_start3A_52 = tpu.memref_slice %arg4[%mul3A_48, %dma_start3A_51] : memref<327680x256xi32, #tpu.memory_space<hbm>> -> memref<128x256xi32, #tpu.memory_space<hbm>>
    tpu.enqueue_dma source(%arg8 : memref<128x256xi32, #tpu.memory_space<vmem>>) target(%dma_start3A_52 : memref<128x256xi32, #tpu.memory_space<hbm>>) target_semaphore(%arg14 : memref<!tpu.dma_semaphore, #tpu.memory_space<semaphore_mem>>)
    %add3A_53 = arith.constant 2496 : i32
    %add3A_54 = arith.addi %add3A_53, %add3A : i32
    %mul3A_55 = arith.constant 128 : i32
    %mul3A_56 = arith.muli %add3A_54, %mul3A_55 : i32
    %dma_wait3A_57 = tpu.memref_slice %arg3[%mul3A_56] : memref<327680xi32, #tpu.memory_space<hbm>> -> memref<128xi32, #tpu.memory_space<hbm>>
    %dma_wait3A_58 = tpu.memref_slice %arg3[%mul3A_56] : memref<327680xi32, #tpu.memory_space<hbm>> -> memref<128xi32, #tpu.memory_space<hbm>>
    tpu.wait_dma2 semaphore(%arg9 : memref<!tpu.dma_semaphore, #tpu.memory_space<semaphore_mem>>) src(%dma_wait3A_58 : memref<128xi32, #tpu.memory_space<hbm>>) dst(%arg5 : memref<128xi32, #tpu.memory_space<vmem>>)
    %add3A_59 = arith.constant 2432 : i32
    %add3A_60 = arith.addi %add3A_59, %add3A : i32
    %mul3A_61 = arith.constant 128 : i32
    %mul3A_62 = arith.muli %add3A_60, %mul3A_61 : i32
    %dma_wait3A_63 = arith.constant 0 : i32
    %dma_wait3A_64 = tpu.memref_slice %arg4[%mul3A_62, %dma_wait3A_63] : memref<327680x256xi32, #tpu.memory_space<hbm>> -> memref<128x256xi32, #tpu.memory_space<hbm>>
    %dma_wait3A_65 = arith.constant 0 : i32
    %dma_wait3A_66 = tpu.memref_slice %arg4[%mul3A_62, %dma_wait3A_65] : memref<327680x256xi32, #tpu.memory_space<hbm>> -> memref<128x256xi32, #tpu.memory_space<hbm>>
    tpu.wait_dma2 semaphore(%arg13 : memref<!tpu.dma_semaphore, #tpu.memory_space<semaphore_mem>>) src(%arg7 : memref<128x256xi32, #tpu.memory_space<vmem>>) dst(%dma_wait3A_66 : memref<128x256xi32, #tpu.memory_space<hbm>>)
    %dma_start3A_67 = arith.constant 0 : i32
    %dma_start3A_68 = arith.constant 0 : i32
    %dma_start3A_69 = tpu.memref_slice %arg2[%dma_start3A_67, %dma_start3A_68] : memref<10000x256xi32, #tpu.memory_space<hbm>> -> memref<10000x256xi32, #tpu.memory_space<hbm>>
    tpu.enqueue_indirect_dma source(%dma_start3A_69 : memref<10000x256xi32, #tpu.memory_space<hbm>>) target(%arg7 : memref<128x256xi32, #tpu.memory_space<vmem>>) offsets(%arg5 : memref<128xi32, #tpu.memory_space<vmem>>) semaphore(%arg11 : memref<!tpu.dma_semaphore, #tpu.memory_space<semaphore_mem>>)
    %add3A_70 = arith.constant 2528 : i32
    %add3A_71 = arith.addi %add3A_70, %add3A : i32
    %mul3A_72 = arith.constant 128 : i32
    %mul3A_73 = arith.muli %add3A_71, %mul3A_72 : i32
    %dma_start3A_74 = tpu.memref_slice %arg3[%mul3A_73] : memref<327680xi32, #tpu.memory_space<hbm>> -> memref<128xi32, #tpu.memory_space<hbm>>
    %dma_start3A_75 = tpu.memref_slice %arg3[%mul3A_73] : memref<327680xi32, #tpu.memory_space<hbm>> -> memref<128xi32, #tpu.memory_space<hbm>>
    tpu.enqueue_dma source(%dma_start3A_75 : memref<128xi32, #tpu.memory_space<hbm>>) target(%arg6 : memref<128xi32, #tpu.memory_space<vmem>>) target_semaphore(%arg10 : memref<!tpu.dma_semaphore, #tpu.memory_space<semaphore_mem>>)
    %dma_wait3A_76 = arith.constant 0 : i32
    %dma_wait3A_77 = arith.constant 0 : i32
    %dma_wait3A_78 = tpu.memref_slice %arg2[%dma_wait3A_76, %dma_wait3A_77] : memref<10000x256xi32, #tpu.memory_space<hbm>> -> memref<10000x256xi32, #tpu.memory_space<hbm>>
    tpu.wait_indirect_dma semaphore(%arg11 : memref<!tpu.dma_semaphore, #tpu.memory_space<semaphore_mem>>) src(%dma_wait3A_78 : memref<10000x256xi32, #tpu.memory_space<hbm>>) dst(%arg7 : memref<128x256xi32, #tpu.memory_space<vmem>>)
    %add3A_79 = arith.constant 2496 : i32
    %add3A_80 = arith.addi %add3A_79, %add3A : i32
    %mul3A_81 = arith.constant 128 : i32
    %mul3A_82 = arith.muli %add3A_80, %mul3A_81 : i32
    %dma_start3A_83 = arith.constant 0 : i32
    %dma_start3A_84 = tpu.memref_slice %arg4[%mul3A_82, %dma_start3A_83] : memref<327680x256xi32, #tpu.memory_space<hbm>> -> memref<128x256xi32, #tpu.memory_space<hbm>>
    %dma_start3A_85 = arith.constant 0 : i32
    %dma_start3A_86 = tpu.memref_slice %arg4[%mul3A_82, %dma_start3A_85] : memref<327680x256xi32, #tpu.memory_space<hbm>> -> memref<128x256xi32, #tpu.memory_space<hbm>>
    tpu.enqueue_dma source(%arg7 : memref<128x256xi32, #tpu.memory_space<vmem>>) target(%dma_start3A_86 : memref<128x256xi32, #tpu.memory_space<hbm>>) target_semaphore(%arg13 : memref<!tpu.dma_semaphore, #tpu.memory_space<semaphore_mem>>)
    %add3A_87 = arith.constant 2528 : i32
    %add3A_88 = arith.addi %add3A_87, %add3A : i32
    %mul3A_89 = arith.constant 128 : i32
    %mul3A_90 = arith.muli %add3A_88, %mul3A_89 : i32
    %dma_wait3A_91 = tpu.memref_slice %arg3[%mul3A_90] : memref<327680xi32, #tpu.memory_space<hbm>> -> memref<128xi32, #tpu.memory_space<hbm>>
    %dma_wait3A_92 = tpu.memref_slice %arg3[%mul3A_90] : memref<327680xi32, #tpu.memory_space<hbm>> -> memref<128xi32, #tpu.memory_space<hbm>>
    tpu.wait_dma2 semaphore(%arg10 : memref<!tpu.dma_semaphore, #tpu.memory_space<semaphore_mem>>) src(%dma_wait3A_92 : memref<128xi32, #tpu.memory_space<hbm>>) dst(%arg6 : memref<128xi32, #tpu.memory_space<vmem>>)
    %add3A_93 = arith.constant 2464 : i32
    %add3A_94 = arith.addi %add3A_93, %add3A : i32
    %mul3A_95 = arith.constant 128 : i32
    %mul3A_96 = arith.muli %add3A_94, %mul3A_95 : i32
    %dma_wait3A_97 = arith.constant 0 : i32
    %dma_wait3A_98 = tpu.memref_slice %arg4[%mul3A_96, %dma_wait3A_97] : memref<327680x256xi32, #tpu.memory_space<hbm>> -> memref<128x256xi32, #tpu.memory_space<hbm>>
    %dma_wait3A_99 = arith.constant 0 : i32
    %dma_wait3A_100 = tpu.memref_slice %arg4[%mul3A_96, %dma_wait3A_99] : memref<327680x256xi32, #tpu.memory_space<hbm>> -> memref<128x256xi32, #tpu.memory_space<hbm>>
    tpu.wait_dma2 semaphore(%arg14 : memref<!tpu.dma_semaphore, #tpu.memory_space<semaphore_mem>>) src(%arg8 : memref<128x256xi32, #tpu.memory_space<vmem>>) dst(%dma_wait3A_100 : memref<128x256xi32, #tpu.memory_space<hbm>>)
    %dma_start3A_101 = arith.constant 0 : i32
    %dma_start3A_102 = arith.constant 0 : i32
    %dma_start3A_103 = tpu.memref_slice %arg2[%dma_start3A_101, %dma_start3A_102] : memref<10000x256xi32, #tpu.memory_space<hbm>> -> memref<10000x256xi32, #tpu.memory_space<hbm>>
    tpu.enqueue_indirect_dma source(%dma_start3A_103 : memref<10000x256xi32, #tpu.memory_space<hbm>>) target(%arg8 : memref<128x256xi32, #tpu.memory_space<vmem>>) offsets(%arg6 : memref<128xi32, #tpu.memory_space<vmem>>) semaphore(%arg12 : memref<!tpu.dma_semaphore, #tpu.memory_space<semaphore_mem>>)
    %dma_wait3A_104 = arith.constant 0 : i32
    %dma_wait3A_105 = arith.constant 0 : i32
    %dma_wait3A_106 = tpu.memref_slice %arg2[%dma_wait3A_104, %dma_wait3A_105] : memref<10000x256xi32, #tpu.memory_space<hbm>> -> memref<10000x256xi32, #tpu.memory_space<hbm>>
    tpu.wait_indirect_dma semaphore(%arg12 : memref<!tpu.dma_semaphore, #tpu.memory_space<semaphore_mem>>) src(%dma_wait3A_106 : memref<10000x256xi32, #tpu.memory_space<hbm>>) dst(%arg8 : memref<128x256xi32, #tpu.memory_space<vmem>>)
    %add3A_107 = arith.constant 2528 : i32
    %add3A_108 = arith.addi %add3A_107, %add3A : i32
    %mul3A_109 = arith.constant 128 : i32
    %mul3A_110 = arith.muli %add3A_108, %mul3A_109 : i32
    %dma_start3A_111 = arith.constant 0 : i32
    %dma_start3A_112 = tpu.memref_slice %arg4[%mul3A_110, %dma_start3A_111] : memref<327680x256xi32, #tpu.memory_space<hbm>> -> memref<128x256xi32, #tpu.memory_space<hbm>>
    %dma_start3A_113 = arith.constant 0 : i32
    %dma_start3A_114 = tpu.memref_slice %arg4[%mul3A_110, %dma_start3A_113] : memref<327680x256xi32, #tpu.memory_space<hbm>> -> memref<128x256xi32, #tpu.memory_space<hbm>>
    tpu.enqueue_dma source(%arg8 : memref<128x256xi32, #tpu.memory_space<vmem>>) target(%dma_start3A_114 : memref<128x256xi32, #tpu.memory_space<hbm>>) target_semaphore(%arg14 : memref<!tpu.dma_semaphore, #tpu.memory_space<semaphore_mem>>)
    %add3A_115 = arith.constant 2496 : i32
    %add3A_116 = arith.addi %add3A_115, %add3A : i32
    %mul3A_117 = arith.constant 128 : i32
    %mul3A_118 = arith.muli %add3A_116, %mul3A_117 : i32
    %dma_wait3A_119 = arith.constant 0 : i32
    %dma_wait3A_120 = tpu.memref_slice %arg4[%mul3A_118, %dma_wait3A_119] : memref<327680x256xi32, #tpu.memory_space<hbm>> -> memref<128x256xi32, #tpu.memory_space<hbm>>
    %dma_wait3A_121 = arith.constant 0 : i32
    %dma_wait3A_122 = tpu.memref_slice %arg4[%mul3A_118, %dma_wait3A_121] : memref<327680x256xi32, #tpu.memory_space<hbm>> -> memref<128x256xi32, #tpu.memory_space<hbm>>
    tpu.wait_dma2 semaphore(%arg13 : memref<!tpu.dma_semaphore, #tpu.memory_space<semaphore_mem>>) src(%arg7 : memref<128x256xi32, #tpu.memory_space<vmem>>) dst(%dma_wait3A_122 : memref<128x256xi32, #tpu.memory_space<hbm>>)
    %add3A_123 = arith.constant 2528 : i32
    %add3A_124 = arith.addi %add3A_123, %add3A : i32
    %mul3A_125 = arith.constant 128 : i32
    %mul3A_126 = arith.muli %add3A_124, %mul3A_125 : i32
    %dma_wait3A_127 = arith.constant 0 : i32
    %dma_wait3A_128 = tpu.memref_slice %arg4[%mul3A_126, %dma_wait3A_127] : memref<327680x256xi32, #tpu.memory_space<hbm>> -> memref<128x256xi32, #tpu.memory_space<hbm>>
    %dma_wait3A_129 = arith.constant 0 : i32
    %dma_wait3A_130 = tpu.memref_slice %arg4[%mul3A_126, %dma_wait3A_129] : memref<327680x256xi32, #tpu.memory_space<hbm>> -> memref<128x256xi32, #tpu.memory_space<hbm>>
    tpu.wait_dma2 semaphore(%arg14 : memref<!tpu.dma_semaphore, #tpu.memory_space<semaphore_mem>>) src(%arg8 : memref<128x256xi32, #tpu.memory_space<vmem>>) dst(%dma_wait3A_130 : memref<128x256xi32, #tpu.memory_space<hbm>>)
    return
  }
}

#map = affine_map<(d0, d1) -> (0, 0)>
#map1 = affine_map<(d0, d1) -> (0)>
#map2 = affine_map<(d0, d1) -> (0, 0, 0)>
module attributes {stable_mosaic.version = 14 : i64} {
  func.func @k(%arg0: i32, %arg1: i32, %arg2: memref<163840x512xf32, #tpu.memory_space<hbm>>, %arg3: memref<163840xi32, #tpu.memory_space<hbm>>, %arg4: memref<10112x128xf32, #tpu.memory_space<hbm>>, %arg5: memref<2x10112x512xf32, #tpu.memory_space<hbm>>, %arg6: memref<10112x128xf32, #tpu.memory_space<vmem_shared>>, %arg7: memref<128xi32, #tpu.memory_space<vmem>>, %arg8: memref<128x128xf32, #tpu.memory_space<vmem>>) attributes {dimension_semantics = [#tpu.dimension_semantics<core_parallel>, #tpu.dimension_semantics<subcore_parallel>], iteration_bounds = array<i64: 2, 16>, scalar_prefetch = 0 : i64, scratch_operands = 3 : i64, tpu.core_type = #tpu.core_type<sc_vector_subcore>, window_params = [{transform_indices = #map}, {transform_indices = #map1}, {transform_indices = #map}, {transform_indices = #map2}]} {
    %mul3A = arith.constant 2 : i32
    %mul3A_0 = arith.muli %arg1, %mul3A : i32
    %add3A = arith.addi %mul3A_0, %arg0 : i32
    %mul3A_1 = arith.constant 632 : i32
    %mul3A_2 = arith.muli %arg1, %mul3A_1 : i32
    "tpu.region"() ({
      %run_scoped3A = tpu.sem_alloc : memref<!tpu.dma_semaphore, #tpu.memory_space<semaphore_mem>>
      %dma_start3A = arith.constant 0 : i32
      %dma_start3A_33 = tpu.memref_slice %arg6[%mul3A_2, %dma_start3A] : memref<10112x128xf32, #tpu.memory_space<vmem_shared>> -> memref<632x128xf32, #tpu.memory_space<vmem_shared>>
      %dma_start3A_34 = arith.constant 0 : i32
      %dma_start3A_35 = tpu.memref_slice %arg4[%mul3A_2, %dma_start3A_34] : memref<10112x128xf32, #tpu.memory_space<hbm>> -> memref<632x128xf32, #tpu.memory_space<hbm>>
      tpu.enqueue_dma source(%dma_start3A_35 : memref<632x128xf32, #tpu.memory_space<hbm>>) target(%dma_start3A_33 : memref<632x128xf32, #tpu.memory_space<vmem_shared>>) target_semaphore(%run_scoped3A : memref<!tpu.dma_semaphore, #tpu.memory_space<semaphore_mem>>)
      %dma_wait3A = arith.constant 0 : i32
      %dma_wait3A_36 = tpu.memref_slice %arg6[%mul3A_2, %dma_wait3A] : memref<10112x128xf32, #tpu.memory_space<vmem_shared>> -> memref<632x128xf32, #tpu.memory_space<vmem_shared>>
      %dma_wait3A_37 = arith.constant 0 : i32
      %dma_wait3A_38 = tpu.memref_slice %arg4[%mul3A_2, %dma_wait3A_37] : memref<10112x128xf32, #tpu.memory_space<hbm>> -> memref<632x128xf32, #tpu.memory_space<hbm>>
      tpu.wait_dma2 semaphore(%run_scoped3A : memref<!tpu.dma_semaphore, #tpu.memory_space<semaphore_mem>>) src(%dma_wait3A_38 : memref<632x128xf32, #tpu.memory_space<hbm>>) dst(%dma_wait3A_36 : memref<632x128xf32, #tpu.memory_space<vmem_shared>>)
      tpu.yield
    }) : () -> ()
    %barrier3A = arith.constant 0 : index
    tpu.barrier barrier_id(%barrier3A)
    %scan3A = arith.constant 0 : i32
    %scan3A_3 = arith.constant 40 : i32
    %scan3A_4 = arith.addi %scan3A, %scan3A_3 : i32
    %scan3A_5 = arith.constant 1 : i32
    scf.for %scan3A_33 = %scan3A to %scan3A_4 step %scan3A_5  : i32 {
      %mul3A_34 = arith.constant 1 : i32
      %mul3A_35 = arith.muli %scan3A_33, %mul3A_34 : i32
      %add3A_36 = arith.constant 0 : i32
      %add3A_37 = arith.addi %add3A_36, %mul3A_35 : i32
      %mul3A_38 = arith.constant 32 : i32
      %mul3A_39 = arith.muli %add3A_37, %mul3A_38 : i32
      %add3A_40 = arith.addi %mul3A_39, %add3A : i32
      %mul3A_41 = arith.constant 128 : i32
      %mul3A_42 = arith.muli %add3A_40, %mul3A_41 : i32
      "tpu.region"() ({
        %run_scoped3A = tpu.sem_alloc : memref<!tpu.dma_semaphore, #tpu.memory_space<semaphore_mem>>
        %dma_start3A = tpu.memref_slice %arg3[%mul3A_42] : memref<163840xi32, #tpu.memory_space<hbm>> -> memref<128xi32, #tpu.memory_space<hbm>>
        %dma_start3A_43 = tpu.memref_slice %arg3[%mul3A_42] : memref<163840xi32, #tpu.memory_space<hbm>> -> memref<128xi32, #tpu.memory_space<hbm>>
        tpu.enqueue_dma source(%dma_start3A_43 : memref<128xi32, #tpu.memory_space<hbm>>) target(%arg7 : memref<128xi32, #tpu.memory_space<vmem>>) target_semaphore(%run_scoped3A : memref<!tpu.dma_semaphore, #tpu.memory_space<semaphore_mem>>)
        %dma_wait3A = tpu.memref_slice %arg3[%mul3A_42] : memref<163840xi32, #tpu.memory_space<hbm>> -> memref<128xi32, #tpu.memory_space<hbm>>
        %dma_wait3A_44 = tpu.memref_slice %arg3[%mul3A_42] : memref<163840xi32, #tpu.memory_space<hbm>> -> memref<128xi32, #tpu.memory_space<hbm>>
        tpu.wait_dma2 semaphore(%run_scoped3A : memref<!tpu.dma_semaphore, #tpu.memory_space<semaphore_mem>>) src(%dma_wait3A_44 : memref<128xi32, #tpu.memory_space<hbm>>) dst(%arg7 : memref<128xi32, #tpu.memory_space<vmem>>)
        tpu.yield
      }) : () -> ()
      "tpu.region"() ({
        %run_scoped3A = tpu.sem_alloc : memref<!tpu.dma_semaphore, #tpu.memory_space<semaphore_mem>>
        %dma_start3A = arith.constant 0 : i32
        %dma_start3A_43 = tpu.memref_slice %arg2[%mul3A_42, %dma_start3A] : memref<163840x512xf32, #tpu.memory_space<hbm>> -> memref<128x128xf32, #tpu.memory_space<hbm>>
        %dma_start3A_44 = arith.constant 0 : i32
        %dma_start3A_45 = tpu.memref_slice %arg2[%mul3A_42, %dma_start3A_44] : memref<163840x512xf32, #tpu.memory_space<hbm>> -> memref<128x128xf32, #tpu.memory_space<hbm>>
        tpu.enqueue_dma source(%dma_start3A_45 : memref<128x128xf32, #tpu.memory_space<hbm>>) target(%arg8 : memref<128x128xf32, #tpu.memory_space<vmem>>) target_semaphore(%run_scoped3A : memref<!tpu.dma_semaphore, #tpu.memory_space<semaphore_mem>>)
        %dma_wait3A = arith.constant 0 : i32
        %dma_wait3A_46 = tpu.memref_slice %arg2[%mul3A_42, %dma_wait3A] : memref<163840x512xf32, #tpu.memory_space<hbm>> -> memref<128x128xf32, #tpu.memory_space<hbm>>
        %dma_wait3A_47 = arith.constant 0 : i32
        %dma_wait3A_48 = tpu.memref_slice %arg2[%mul3A_42, %dma_wait3A_47] : memref<163840x512xf32, #tpu.memory_space<hbm>> -> memref<128x128xf32, #tpu.memory_space<hbm>>
        tpu.wait_dma2 semaphore(%run_scoped3A : memref<!tpu.dma_semaphore, #tpu.memory_space<semaphore_mem>>) src(%dma_wait3A_48 : memref<128x128xf32, #tpu.memory_space<hbm>>) dst(%arg8 : memref<128x128xf32, #tpu.memory_space<vmem>>)
        tpu.yield
      }) : () -> ()
      "tpu.region"() ({
        %run_scoped3A = tpu.sem_alloc : memref<!tpu.dma_semaphore, #tpu.memory_space<semaphore_mem>>
        %dma_start3A = arith.constant 0 : i32
        %dma_start3A_43 = arith.constant 0 : i32
        %dma_start3A_44 = tpu.memref_slice %arg6[%dma_start3A, %dma_start3A_43] : memref<10112x128xf32, #tpu.memory_space<vmem_shared>> -> memref<10112x128xf32, #tpu.memory_space<vmem_shared>>
        tpu.enqueue_indirect_dma source(%arg8 : memref<128x128xf32, #tpu.memory_space<vmem>>) target(%dma_start3A_44 : memref<10112x128xf32, #tpu.memory_space<vmem_shared>>) offsets(%arg7 : memref<128xi32, #tpu.memory_space<vmem>>) semaphore(%run_scoped3A : memref<!tpu.dma_semaphore, #tpu.memory_space<semaphore_mem>>) {add = true}
        %dma_wait3A = arith.constant 0 : i32
        %dma_wait3A_45 = arith.constant 0 : i32
        %dma_wait3A_46 = tpu.memref_slice %arg6[%dma_wait3A, %dma_wait3A_45] : memref<10112x128xf32, #tpu.memory_space<vmem_shared>> -> memref<10112x128xf32, #tpu.memory_space<vmem_shared>>
        tpu.wait_indirect_dma semaphore(%run_scoped3A : memref<!tpu.dma_semaphore, #tpu.memory_space<semaphore_mem>>) src(%arg8 : memref<128x128xf32, #tpu.memory_space<vmem>>) dst(%dma_wait3A_46 : memref<10112x128xf32, #tpu.memory_space<vmem_shared>>)
        tpu.yield
      }) : () -> ()
    }
    %scan3A_6 = arith.constant 40 : i32
    %barrier3A_7 = arith.constant 0 : index
    tpu.barrier barrier_id(%barrier3A_7)
    "tpu.region"() ({
      %run_scoped3A = tpu.sem_alloc : memref<!tpu.dma_semaphore, #tpu.memory_space<semaphore_mem>>
      %dma_start3A = arith.constant 0 : i32
      %dma_start3A_33 = tpu.memref_slice %arg5[%arg0, %mul3A_2, %dma_start3A] : memref<2x10112x512xf32, #tpu.memory_space<hbm>> -> memref<1x632x128xf32, #tpu.memory_space<hbm>>
      %dma_start3A_34 = tpu.memref_squeeze %dma_start3A_33 : memref<1x632x128xf32, #tpu.memory_space<hbm>> -> memref<632x128xf32, #tpu.memory_space<hbm>>
      %dma_start3A_35 = arith.constant 0 : i32
      %dma_start3A_36 = tpu.memref_slice %arg6[%mul3A_2, %dma_start3A_35] : memref<10112x128xf32, #tpu.memory_space<vmem_shared>> -> memref<632x128xf32, #tpu.memory_space<vmem_shared>>
      tpu.enqueue_dma source(%dma_start3A_36 : memref<632x128xf32, #tpu.memory_space<vmem_shared>>) target(%dma_start3A_34 : memref<632x128xf32, #tpu.memory_space<hbm>>) target_semaphore(%run_scoped3A : memref<!tpu.dma_semaphore, #tpu.memory_space<semaphore_mem>>)
      %dma_wait3A = arith.constant 0 : i32
      %dma_wait3A_37 = tpu.memref_slice %arg5[%arg0, %mul3A_2, %dma_wait3A] : memref<2x10112x512xf32, #tpu.memory_space<hbm>> -> memref<1x632x128xf32, #tpu.memory_space<hbm>>
      %dma_wait3A_38 = tpu.memref_squeeze %dma_wait3A_37 : memref<1x632x128xf32, #tpu.memory_space<hbm>> -> memref<632x128xf32, #tpu.memory_space<hbm>>
      %dma_wait3A_39 = arith.constant 0 : i32
      %dma_wait3A_40 = tpu.memref_slice %arg6[%mul3A_2, %dma_wait3A_39] : memref<10112x128xf32, #tpu.memory_space<vmem_shared>> -> memref<632x128xf32, #tpu.memory_space<vmem_shared>>
      tpu.wait_dma2 semaphore(%run_scoped3A : memref<!tpu.dma_semaphore, #tpu.memory_space<semaphore_mem>>) src(%dma_wait3A_40 : memref<632x128xf32, #tpu.memory_space<vmem_shared>>) dst(%dma_wait3A_38 : memref<632x128xf32, #tpu.memory_space<hbm>>)
      tpu.yield
    }) : () -> ()
    %barrier3A_8 = arith.constant 0 : index
    tpu.barrier barrier_id(%barrier3A_8)
    "tpu.region"() ({
      %run_scoped3A = tpu.sem_alloc : memref<!tpu.dma_semaphore, #tpu.memory_space<semaphore_mem>>
      %dma_start3A = arith.constant 0 : i32
      %dma_start3A_33 = tpu.memref_slice %arg6[%mul3A_2, %dma_start3A] : memref<10112x128xf32, #tpu.memory_space<vmem_shared>> -> memref<632x128xf32, #tpu.memory_space<vmem_shared>>
      %dma_start3A_34 = arith.constant 0 : i32
      %dma_start3A_35 = tpu.memref_slice %arg4[%mul3A_2, %dma_start3A_34] : memref<10112x128xf32, #tpu.memory_space<hbm>> -> memref<632x128xf32, #tpu.memory_space<hbm>>
      tpu.enqueue_dma source(%dma_start3A_35 : memref<632x128xf32, #tpu.memory_space<hbm>>) target(%dma_start3A_33 : memref<632x128xf32, #tpu.memory_space<vmem_shared>>) target_semaphore(%run_scoped3A : memref<!tpu.dma_semaphore, #tpu.memory_space<semaphore_mem>>)
      %dma_wait3A = arith.constant 0 : i32
      %dma_wait3A_36 = tpu.memref_slice %arg6[%mul3A_2, %dma_wait3A] : memref<10112x128xf32, #tpu.memory_space<vmem_shared>> -> memref<632x128xf32, #tpu.memory_space<vmem_shared>>
      %dma_wait3A_37 = arith.constant 0 : i32
      %dma_wait3A_38 = tpu.memref_slice %arg4[%mul3A_2, %dma_wait3A_37] : memref<10112x128xf32, #tpu.memory_space<hbm>> -> memref<632x128xf32, #tpu.memory_space<hbm>>
      tpu.wait_dma2 semaphore(%run_scoped3A : memref<!tpu.dma_semaphore, #tpu.memory_space<semaphore_mem>>) src(%dma_wait3A_38 : memref<632x128xf32, #tpu.memory_space<hbm>>) dst(%dma_wait3A_36 : memref<632x128xf32, #tpu.memory_space<vmem_shared>>)
      tpu.yield
    }) : () -> ()
    %barrier3A_9 = arith.constant 0 : index
    tpu.barrier barrier_id(%barrier3A_9)
    %scan3A_10 = arith.constant 0 : i32
    %scan3A_11 = arith.constant 40 : i32
    %scan3A_12 = arith.addi %scan3A_10, %scan3A_11 : i32
    %scan3A_13 = arith.constant 1 : i32
    scf.for %scan3A_33 = %scan3A_10 to %scan3A_12 step %scan3A_13  : i32 {
      %mul3A_34 = arith.constant 1 : i32
      %mul3A_35 = arith.muli %scan3A_33, %mul3A_34 : i32
      %add3A_36 = arith.constant 0 : i32
      %add3A_37 = arith.addi %add3A_36, %mul3A_35 : i32
      %mul3A_38 = arith.constant 32 : i32
      %mul3A_39 = arith.muli %add3A_37, %mul3A_38 : i32
      %add3A_40 = arith.addi %mul3A_39, %add3A : i32
      %mul3A_41 = arith.constant 128 : i32
      %mul3A_42 = arith.muli %add3A_40, %mul3A_41 : i32
      "tpu.region"() ({
        %run_scoped3A = tpu.sem_alloc : memref<!tpu.dma_semaphore, #tpu.memory_space<semaphore_mem>>
        %dma_start3A = tpu.memref_slice %arg3[%mul3A_42] : memref<163840xi32, #tpu.memory_space<hbm>> -> memref<128xi32, #tpu.memory_space<hbm>>
        %dma_start3A_43 = tpu.memref_slice %arg3[%mul3A_42] : memref<163840xi32, #tpu.memory_space<hbm>> -> memref<128xi32, #tpu.memory_space<hbm>>
        tpu.enqueue_dma source(%dma_start3A_43 : memref<128xi32, #tpu.memory_space<hbm>>) target(%arg7 : memref<128xi32, #tpu.memory_space<vmem>>) target_semaphore(%run_scoped3A : memref<!tpu.dma_semaphore, #tpu.memory_space<semaphore_mem>>)
        %dma_wait3A = tpu.memref_slice %arg3[%mul3A_42] : memref<163840xi32, #tpu.memory_space<hbm>> -> memref<128xi32, #tpu.memory_space<hbm>>
        %dma_wait3A_44 = tpu.memref_slice %arg3[%mul3A_42] : memref<163840xi32, #tpu.memory_space<hbm>> -> memref<128xi32, #tpu.memory_space<hbm>>
        tpu.wait_dma2 semaphore(%run_scoped3A : memref<!tpu.dma_semaphore, #tpu.memory_space<semaphore_mem>>) src(%dma_wait3A_44 : memref<128xi32, #tpu.memory_space<hbm>>) dst(%arg7 : memref<128xi32, #tpu.memory_space<vmem>>)
        tpu.yield
      }) : () -> ()
      "tpu.region"() ({
        %run_scoped3A = tpu.sem_alloc : memref<!tpu.dma_semaphore, #tpu.memory_space<semaphore_mem>>
        %dma_start3A = arith.constant 128 : i32
        %dma_start3A_43 = tpu.memref_slice %arg2[%mul3A_42, %dma_start3A] : memref<163840x512xf32, #tpu.memory_space<hbm>> -> memref<128x128xf32, #tpu.memory_space<hbm>>
        %dma_start3A_44 = arith.constant 128 : i32
        %dma_start3A_45 = tpu.memref_slice %arg2[%mul3A_42, %dma_start3A_44] : memref<163840x512xf32, #tpu.memory_space<hbm>> -> memref<128x128xf32, #tpu.memory_space<hbm>>
        tpu.enqueue_dma source(%dma_start3A_45 : memref<128x128xf32, #tpu.memory_space<hbm>>) target(%arg8 : memref<128x128xf32, #tpu.memory_space<vmem>>) target_semaphore(%run_scoped3A : memref<!tpu.dma_semaphore, #tpu.memory_space<semaphore_mem>>)
        %dma_wait3A = arith.constant 128 : i32
        %dma_wait3A_46 = tpu.memref_slice %arg2[%mul3A_42, %dma_wait3A] : memref<163840x512xf32, #tpu.memory_space<hbm>> -> memref<128x128xf32, #tpu.memory_space<hbm>>
        %dma_wait3A_47 = arith.constant 128 : i32
        %dma_wait3A_48 = tpu.memref_slice %arg2[%mul3A_42, %dma_wait3A_47] : memref<163840x512xf32, #tpu.memory_space<hbm>> -> memref<128x128xf32, #tpu.memory_space<hbm>>
        tpu.wait_dma2 semaphore(%run_scoped3A : memref<!tpu.dma_semaphore, #tpu.memory_space<semaphore_mem>>) src(%dma_wait3A_48 : memref<128x128xf32, #tpu.memory_space<hbm>>) dst(%arg8 : memref<128x128xf32, #tpu.memory_space<vmem>>)
        tpu.yield
      }) : () -> ()
      "tpu.region"() ({
        %run_scoped3A = tpu.sem_alloc : memref<!tpu.dma_semaphore, #tpu.memory_space<semaphore_mem>>
        %dma_start3A = arith.constant 0 : i32
        %dma_start3A_43 = arith.constant 0 : i32
        %dma_start3A_44 = tpu.memref_slice %arg6[%dma_start3A, %dma_start3A_43] : memref<10112x128xf32, #tpu.memory_space<vmem_shared>> -> memref<10112x128xf32, #tpu.memory_space<vmem_shared>>
        tpu.enqueue_indirect_dma source(%arg8 : memref<128x128xf32, #tpu.memory_space<vmem>>) target(%dma_start3A_44 : memref<10112x128xf32, #tpu.memory_space<vmem_shared>>) offsets(%arg7 : memref<128xi32, #tpu.memory_space<vmem>>) semaphore(%run_scoped3A : memref<!tpu.dma_semaphore, #tpu.memory_space<semaphore_mem>>) {add = true}
        %dma_wait3A = arith.constant 0 : i32
        %dma_wait3A_45 = arith.constant 0 : i32
        %dma_wait3A_46 = tpu.memref_slice %arg6[%dma_wait3A, %dma_wait3A_45] : memref<10112x128xf32, #tpu.memory_space<vmem_shared>> -> memref<10112x128xf32, #tpu.memory_space<vmem_shared>>
        tpu.wait_indirect_dma semaphore(%run_scoped3A : memref<!tpu.dma_semaphore, #tpu.memory_space<semaphore_mem>>) src(%arg8 : memref<128x128xf32, #tpu.memory_space<vmem>>) dst(%dma_wait3A_46 : memref<10112x128xf32, #tpu.memory_space<vmem_shared>>)
        tpu.yield
      }) : () -> ()
    }
    %scan3A_14 = arith.constant 40 : i32
    %barrier3A_15 = arith.constant 0 : index
    tpu.barrier barrier_id(%barrier3A_15)
    "tpu.region"() ({
      %run_scoped3A = tpu.sem_alloc : memref<!tpu.dma_semaphore, #tpu.memory_space<semaphore_mem>>
      %dma_start3A = arith.constant 128 : i32
      %dma_start3A_33 = tpu.memref_slice %arg5[%arg0, %mul3A_2, %dma_start3A] : memref<2x10112x512xf32, #tpu.memory_space<hbm>> -> memref<1x632x128xf32, #tpu.memory_space<hbm>>
      %dma_start3A_34 = tpu.memref_squeeze %dma_start3A_33 : memref<1x632x128xf32, #tpu.memory_space<hbm>> -> memref<632x128xf32, #tpu.memory_space<hbm>>
      %dma_start3A_35 = arith.constant 0 : i32
      %dma_start3A_36 = tpu.memref_slice %arg6[%mul3A_2, %dma_start3A_35] : memref<10112x128xf32, #tpu.memory_space<vmem_shared>> -> memref<632x128xf32, #tpu.memory_space<vmem_shared>>
      tpu.enqueue_dma source(%dma_start3A_36 : memref<632x128xf32, #tpu.memory_space<vmem_shared>>) target(%dma_start3A_34 : memref<632x128xf32, #tpu.memory_space<hbm>>) target_semaphore(%run_scoped3A : memref<!tpu.dma_semaphore, #tpu.memory_space<semaphore_mem>>)
      %dma_wait3A = arith.constant 128 : i32
      %dma_wait3A_37 = tpu.memref_slice %arg5[%arg0, %mul3A_2, %dma_wait3A] : memref<2x10112x512xf32, #tpu.memory_space<hbm>> -> memref<1x632x128xf32, #tpu.memory_space<hbm>>
      %dma_wait3A_38 = tpu.memref_squeeze %dma_wait3A_37 : memref<1x632x128xf32, #tpu.memory_space<hbm>> -> memref<632x128xf32, #tpu.memory_space<hbm>>
      %dma_wait3A_39 = arith.constant 0 : i32
      %dma_wait3A_40 = tpu.memref_slice %arg6[%mul3A_2, %dma_wait3A_39] : memref<10112x128xf32, #tpu.memory_space<vmem_shared>> -> memref<632x128xf32, #tpu.memory_space<vmem_shared>>
      tpu.wait_dma2 semaphore(%run_scoped3A : memref<!tpu.dma_semaphore, #tpu.memory_space<semaphore_mem>>) src(%dma_wait3A_40 : memref<632x128xf32, #tpu.memory_space<vmem_shared>>) dst(%dma_wait3A_38 : memref<632x128xf32, #tpu.memory_space<hbm>>)
      tpu.yield
    }) : () -> ()
    %barrier3A_16 = arith.constant 0 : index
    tpu.barrier barrier_id(%barrier3A_16)
    "tpu.region"() ({
      %run_scoped3A = tpu.sem_alloc : memref<!tpu.dma_semaphore, #tpu.memory_space<semaphore_mem>>
      %dma_start3A = arith.constant 0 : i32
      %dma_start3A_33 = tpu.memref_slice %arg6[%mul3A_2, %dma_start3A] : memref<10112x128xf32, #tpu.memory_space<vmem_shared>> -> memref<632x128xf32, #tpu.memory_space<vmem_shared>>
      %dma_start3A_34 = arith.constant 0 : i32
      %dma_start3A_35 = tpu.memref_slice %arg4[%mul3A_2, %dma_start3A_34] : memref<10112x128xf32, #tpu.memory_space<hbm>> -> memref<632x128xf32, #tpu.memory_space<hbm>>
      tpu.enqueue_dma source(%dma_start3A_35 : memref<632x128xf32, #tpu.memory_space<hbm>>) target(%dma_start3A_33 : memref<632x128xf32, #tpu.memory_space<vmem_shared>>) target_semaphore(%run_scoped3A : memref<!tpu.dma_semaphore, #tpu.memory_space<semaphore_mem>>)
      %dma_wait3A = arith.constant 0 : i32
      %dma_wait3A_36 = tpu.memref_slice %arg6[%mul3A_2, %dma_wait3A] : memref<10112x128xf32, #tpu.memory_space<vmem_shared>> -> memref<632x128xf32, #tpu.memory_space<vmem_shared>>
      %dma_wait3A_37 = arith.constant 0 : i32
      %dma_wait3A_38 = tpu.memref_slice %arg4[%mul3A_2, %dma_wait3A_37] : memref<10112x128xf32, #tpu.memory_space<hbm>> -> memref<632x128xf32, #tpu.memory_space<hbm>>
      tpu.wait_dma2 semaphore(%run_scoped3A : memref<!tpu.dma_semaphore, #tpu.memory_space<semaphore_mem>>) src(%dma_wait3A_38 : memref<632x128xf32, #tpu.memory_space<hbm>>) dst(%dma_wait3A_36 : memref<632x128xf32, #tpu.memory_space<vmem_shared>>)
      tpu.yield
    }) : () -> ()
    %barrier3A_17 = arith.constant 0 : index
    tpu.barrier barrier_id(%barrier3A_17)
    %scan3A_18 = arith.constant 0 : i32
    %scan3A_19 = arith.constant 40 : i32
    %scan3A_20 = arith.addi %scan3A_18, %scan3A_19 : i32
    %scan3A_21 = arith.constant 1 : i32
    scf.for %scan3A_33 = %scan3A_18 to %scan3A_20 step %scan3A_21  : i32 {
      %mul3A_34 = arith.constant 1 : i32
      %mul3A_35 = arith.muli %scan3A_33, %mul3A_34 : i32
      %add3A_36 = arith.constant 0 : i32
      %add3A_37 = arith.addi %add3A_36, %mul3A_35 : i32
      %mul3A_38 = arith.constant 32 : i32
      %mul3A_39 = arith.muli %add3A_37, %mul3A_38 : i32
      %add3A_40 = arith.addi %mul3A_39, %add3A : i32
      %mul3A_41 = arith.constant 128 : i32
      %mul3A_42 = arith.muli %add3A_40, %mul3A_41 : i32
      "tpu.region"() ({
        %run_scoped3A = tpu.sem_alloc : memref<!tpu.dma_semaphore, #tpu.memory_space<semaphore_mem>>
        %dma_start3A = tpu.memref_slice %arg3[%mul3A_42] : memref<163840xi32, #tpu.memory_space<hbm>> -> memref<128xi32, #tpu.memory_space<hbm>>
        %dma_start3A_43 = tpu.memref_slice %arg3[%mul3A_42] : memref<163840xi32, #tpu.memory_space<hbm>> -> memref<128xi32, #tpu.memory_space<hbm>>
        tpu.enqueue_dma source(%dma_start3A_43 : memref<128xi32, #tpu.memory_space<hbm>>) target(%arg7 : memref<128xi32, #tpu.memory_space<vmem>>) target_semaphore(%run_scoped3A : memref<!tpu.dma_semaphore, #tpu.memory_space<semaphore_mem>>)
        %dma_wait3A = tpu.memref_slice %arg3[%mul3A_42] : memref<163840xi32, #tpu.memory_space<hbm>> -> memref<128xi32, #tpu.memory_space<hbm>>
        %dma_wait3A_44 = tpu.memref_slice %arg3[%mul3A_42] : memref<163840xi32, #tpu.memory_space<hbm>> -> memref<128xi32, #tpu.memory_space<hbm>>
        tpu.wait_dma2 semaphore(%run_scoped3A : memref<!tpu.dma_semaphore, #tpu.memory_space<semaphore_mem>>) src(%dma_wait3A_44 : memref<128xi32, #tpu.memory_space<hbm>>) dst(%arg7 : memref<128xi32, #tpu.memory_space<vmem>>)
        tpu.yield
      }) : () -> ()
      "tpu.region"() ({
        %run_scoped3A = tpu.sem_alloc : memref<!tpu.dma_semaphore, #tpu.memory_space<semaphore_mem>>
        %dma_start3A = arith.constant 256 : i32
        %dma_start3A_43 = tpu.memref_slice %arg2[%mul3A_42, %dma_start3A] : memref<163840x512xf32, #tpu.memory_space<hbm>> -> memref<128x128xf32, #tpu.memory_space<hbm>>
        %dma_start3A_44 = arith.constant 256 : i32
        %dma_start3A_45 = tpu.memref_slice %arg2[%mul3A_42, %dma_start3A_44] : memref<163840x512xf32, #tpu.memory_space<hbm>> -> memref<128x128xf32, #tpu.memory_space<hbm>>
        tpu.enqueue_dma source(%dma_start3A_45 : memref<128x128xf32, #tpu.memory_space<hbm>>) target(%arg8 : memref<128x128xf32, #tpu.memory_space<vmem>>) target_semaphore(%run_scoped3A : memref<!tpu.dma_semaphore, #tpu.memory_space<semaphore_mem>>)
        %dma_wait3A = arith.constant 256 : i32
        %dma_wait3A_46 = tpu.memref_slice %arg2[%mul3A_42, %dma_wait3A] : memref<163840x512xf32, #tpu.memory_space<hbm>> -> memref<128x128xf32, #tpu.memory_space<hbm>>
        %dma_wait3A_47 = arith.constant 256 : i32
        %dma_wait3A_48 = tpu.memref_slice %arg2[%mul3A_42, %dma_wait3A_47] : memref<163840x512xf32, #tpu.memory_space<hbm>> -> memref<128x128xf32, #tpu.memory_space<hbm>>
        tpu.wait_dma2 semaphore(%run_scoped3A : memref<!tpu.dma_semaphore, #tpu.memory_space<semaphore_mem>>) src(%dma_wait3A_48 : memref<128x128xf32, #tpu.memory_space<hbm>>) dst(%arg8 : memref<128x128xf32, #tpu.memory_space<vmem>>)
        tpu.yield
      }) : () -> ()
      "tpu.region"() ({
        %run_scoped3A = tpu.sem_alloc : memref<!tpu.dma_semaphore, #tpu.memory_space<semaphore_mem>>
        %dma_start3A = arith.constant 0 : i32
        %dma_start3A_43 = arith.constant 0 : i32
        %dma_start3A_44 = tpu.memref_slice %arg6[%dma_start3A, %dma_start3A_43] : memref<10112x128xf32, #tpu.memory_space<vmem_shared>> -> memref<10112x128xf32, #tpu.memory_space<vmem_shared>>
        tpu.enqueue_indirect_dma source(%arg8 : memref<128x128xf32, #tpu.memory_space<vmem>>) target(%dma_start3A_44 : memref<10112x128xf32, #tpu.memory_space<vmem_shared>>) offsets(%arg7 : memref<128xi32, #tpu.memory_space<vmem>>) semaphore(%run_scoped3A : memref<!tpu.dma_semaphore, #tpu.memory_space<semaphore_mem>>) {add = true}
        %dma_wait3A = arith.constant 0 : i32
        %dma_wait3A_45 = arith.constant 0 : i32
        %dma_wait3A_46 = tpu.memref_slice %arg6[%dma_wait3A, %dma_wait3A_45] : memref<10112x128xf32, #tpu.memory_space<vmem_shared>> -> memref<10112x128xf32, #tpu.memory_space<vmem_shared>>
        tpu.wait_indirect_dma semaphore(%run_scoped3A : memref<!tpu.dma_semaphore, #tpu.memory_space<semaphore_mem>>) src(%arg8 : memref<128x128xf32, #tpu.memory_space<vmem>>) dst(%dma_wait3A_46 : memref<10112x128xf32, #tpu.memory_space<vmem_shared>>)
        tpu.yield
      }) : () -> ()
    }
    %scan3A_22 = arith.constant 40 : i32
    %barrier3A_23 = arith.constant 0 : index
    tpu.barrier barrier_id(%barrier3A_23)
    "tpu.region"() ({
      %run_scoped3A = tpu.sem_alloc : memref<!tpu.dma_semaphore, #tpu.memory_space<semaphore_mem>>
      %dma_start3A = arith.constant 256 : i32
      %dma_start3A_33 = tpu.memref_slice %arg5[%arg0, %mul3A_2, %dma_start3A] : memref<2x10112x512xf32, #tpu.memory_space<hbm>> -> memref<1x632x128xf32, #tpu.memory_space<hbm>>
      %dma_start3A_34 = tpu.memref_squeeze %dma_start3A_33 : memref<1x632x128xf32, #tpu.memory_space<hbm>> -> memref<632x128xf32, #tpu.memory_space<hbm>>
      %dma_start3A_35 = arith.constant 0 : i32
      %dma_start3A_36 = tpu.memref_slice %arg6[%mul3A_2, %dma_start3A_35] : memref<10112x128xf32, #tpu.memory_space<vmem_shared>> -> memref<632x128xf32, #tpu.memory_space<vmem_shared>>
      tpu.enqueue_dma source(%dma_start3A_36 : memref<632x128xf32, #tpu.memory_space<vmem_shared>>) target(%dma_start3A_34 : memref<632x128xf32, #tpu.memory_space<hbm>>) target_semaphore(%run_scoped3A : memref<!tpu.dma_semaphore, #tpu.memory_space<semaphore_mem>>)
      %dma_wait3A = arith.constant 256 : i32
      %dma_wait3A_37 = tpu.memref_slice %arg5[%arg0, %mul3A_2, %dma_wait3A] : memref<2x10112x512xf32, #tpu.memory_space<hbm>> -> memref<1x632x128xf32, #tpu.memory_space<hbm>>
      %dma_wait3A_38 = tpu.memref_squeeze %dma_wait3A_37 : memref<1x632x128xf32, #tpu.memory_space<hbm>> -> memref<632x128xf32, #tpu.memory_space<hbm>>
      %dma_wait3A_39 = arith.constant 0 : i32
      %dma_wait3A_40 = tpu.memref_slice %arg6[%mul3A_2, %dma_wait3A_39] : memref<10112x128xf32, #tpu.memory_space<vmem_shared>> -> memref<632x128xf32, #tpu.memory_space<vmem_shared>>
      tpu.wait_dma2 semaphore(%run_scoped3A : memref<!tpu.dma_semaphore, #tpu.memory_space<semaphore_mem>>) src(%dma_wait3A_40 : memref<632x128xf32, #tpu.memory_space<vmem_shared>>) dst(%dma_wait3A_38 : memref<632x128xf32, #tpu.memory_space<hbm>>)
      tpu.yield
    }) : () -> ()
    %barrier3A_24 = arith.constant 0 : index
    tpu.barrier barrier_id(%barrier3A_24)
    "tpu.region"() ({
      %run_scoped3A = tpu.sem_alloc : memref<!tpu.dma_semaphore, #tpu.memory_space<semaphore_mem>>
      %dma_start3A = arith.constant 0 : i32
      %dma_start3A_33 = tpu.memref_slice %arg6[%mul3A_2, %dma_start3A] : memref<10112x128xf32, #tpu.memory_space<vmem_shared>> -> memref<632x128xf32, #tpu.memory_space<vmem_shared>>
      %dma_start3A_34 = arith.constant 0 : i32
      %dma_start3A_35 = tpu.memref_slice %arg4[%mul3A_2, %dma_start3A_34] : memref<10112x128xf32, #tpu.memory_space<hbm>> -> memref<632x128xf32, #tpu.memory_space<hbm>>
      tpu.enqueue_dma source(%dma_start3A_35 : memref<632x128xf32, #tpu.memory_space<hbm>>) target(%dma_start3A_33 : memref<632x128xf32, #tpu.memory_space<vmem_shared>>) target_semaphore(%run_scoped3A : memref<!tpu.dma_semaphore, #tpu.memory_space<semaphore_mem>>)
      %dma_wait3A = arith.constant 0 : i32
      %dma_wait3A_36 = tpu.memref_slice %arg6[%mul3A_2, %dma_wait3A] : memref<10112x128xf32, #tpu.memory_space<vmem_shared>> -> memref<632x128xf32, #tpu.memory_space<vmem_shared>>
      %dma_wait3A_37 = arith.constant 0 : i32
      %dma_wait3A_38 = tpu.memref_slice %arg4[%mul3A_2, %dma_wait3A_37] : memref<10112x128xf32, #tpu.memory_space<hbm>> -> memref<632x128xf32, #tpu.memory_space<hbm>>
      tpu.wait_dma2 semaphore(%run_scoped3A : memref<!tpu.dma_semaphore, #tpu.memory_space<semaphore_mem>>) src(%dma_wait3A_38 : memref<632x128xf32, #tpu.memory_space<hbm>>) dst(%dma_wait3A_36 : memref<632x128xf32, #tpu.memory_space<vmem_shared>>)
      tpu.yield
    }) : () -> ()
    %barrier3A_25 = arith.constant 0 : index
    tpu.barrier barrier_id(%barrier3A_25)
    %scan3A_26 = arith.constant 0 : i32
    %scan3A_27 = arith.constant 40 : i32
    %scan3A_28 = arith.addi %scan3A_26, %scan3A_27 : i32
    %scan3A_29 = arith.constant 1 : i32
    scf.for %scan3A_33 = %scan3A_26 to %scan3A_28 step %scan3A_29  : i32 {
      %mul3A_34 = arith.constant 1 : i32
      %mul3A_35 = arith.muli %scan3A_33, %mul3A_34 : i32
      %add3A_36 = arith.constant 0 : i32
      %add3A_37 = arith.addi %add3A_36, %mul3A_35 : i32
      %mul3A_38 = arith.constant 32 : i32
      %mul3A_39 = arith.muli %add3A_37, %mul3A_38 : i32
      %add3A_40 = arith.addi %mul3A_39, %add3A : i32
      %mul3A_41 = arith.constant 128 : i32
      %mul3A_42 = arith.muli %add3A_40, %mul3A_41 : i32
      "tpu.region"() ({
        %run_scoped3A = tpu.sem_alloc : memref<!tpu.dma_semaphore, #tpu.memory_space<semaphore_mem>>
        %dma_start3A = tpu.memref_slice %arg3[%mul3A_42] : memref<163840xi32, #tpu.memory_space<hbm>> -> memref<128xi32, #tpu.memory_space<hbm>>
        %dma_start3A_43 = tpu.memref_slice %arg3[%mul3A_42] : memref<163840xi32, #tpu.memory_space<hbm>> -> memref<128xi32, #tpu.memory_space<hbm>>
        tpu.enqueue_dma source(%dma_start3A_43 : memref<128xi32, #tpu.memory_space<hbm>>) target(%arg7 : memref<128xi32, #tpu.memory_space<vmem>>) target_semaphore(%run_scoped3A : memref<!tpu.dma_semaphore, #tpu.memory_space<semaphore_mem>>)
        %dma_wait3A = tpu.memref_slice %arg3[%mul3A_42] : memref<163840xi32, #tpu.memory_space<hbm>> -> memref<128xi32, #tpu.memory_space<hbm>>
        %dma_wait3A_44 = tpu.memref_slice %arg3[%mul3A_42] : memref<163840xi32, #tpu.memory_space<hbm>> -> memref<128xi32, #tpu.memory_space<hbm>>
        tpu.wait_dma2 semaphore(%run_scoped3A : memref<!tpu.dma_semaphore, #tpu.memory_space<semaphore_mem>>) src(%dma_wait3A_44 : memref<128xi32, #tpu.memory_space<hbm>>) dst(%arg7 : memref<128xi32, #tpu.memory_space<vmem>>)
        tpu.yield
      }) : () -> ()
      "tpu.region"() ({
        %run_scoped3A = tpu.sem_alloc : memref<!tpu.dma_semaphore, #tpu.memory_space<semaphore_mem>>
        %dma_start3A = arith.constant 384 : i32
        %dma_start3A_43 = tpu.memref_slice %arg2[%mul3A_42, %dma_start3A] : memref<163840x512xf32, #tpu.memory_space<hbm>> -> memref<128x128xf32, #tpu.memory_space<hbm>>
        %dma_start3A_44 = arith.constant 384 : i32
        %dma_start3A_45 = tpu.memref_slice %arg2[%mul3A_42, %dma_start3A_44] : memref<163840x512xf32, #tpu.memory_space<hbm>> -> memref<128x128xf32, #tpu.memory_space<hbm>>
        tpu.enqueue_dma source(%dma_start3A_45 : memref<128x128xf32, #tpu.memory_space<hbm>>) target(%arg8 : memref<128x128xf32, #tpu.memory_space<vmem>>) target_semaphore(%run_scoped3A : memref<!tpu.dma_semaphore, #tpu.memory_space<semaphore_mem>>)
        %dma_wait3A = arith.constant 384 : i32
        %dma_wait3A_46 = tpu.memref_slice %arg2[%mul3A_42, %dma_wait3A] : memref<163840x512xf32, #tpu.memory_space<hbm>> -> memref<128x128xf32, #tpu.memory_space<hbm>>
        %dma_wait3A_47 = arith.constant 384 : i32
        %dma_wait3A_48 = tpu.memref_slice %arg2[%mul3A_42, %dma_wait3A_47] : memref<163840x512xf32, #tpu.memory_space<hbm>> -> memref<128x128xf32, #tpu.memory_space<hbm>>
        tpu.wait_dma2 semaphore(%run_scoped3A : memref<!tpu.dma_semaphore, #tpu.memory_space<semaphore_mem>>) src(%dma_wait3A_48 : memref<128x128xf32, #tpu.memory_space<hbm>>) dst(%arg8 : memref<128x128xf32, #tpu.memory_space<vmem>>)
        tpu.yield
      }) : () -> ()
      "tpu.region"() ({
        %run_scoped3A = tpu.sem_alloc : memref<!tpu.dma_semaphore, #tpu.memory_space<semaphore_mem>>
        %dma_start3A = arith.constant 0 : i32
        %dma_start3A_43 = arith.constant 0 : i32
        %dma_start3A_44 = tpu.memref_slice %arg6[%dma_start3A, %dma_start3A_43] : memref<10112x128xf32, #tpu.memory_space<vmem_shared>> -> memref<10112x128xf32, #tpu.memory_space<vmem_shared>>
        tpu.enqueue_indirect_dma source(%arg8 : memref<128x128xf32, #tpu.memory_space<vmem>>) target(%dma_start3A_44 : memref<10112x128xf32, #tpu.memory_space<vmem_shared>>) offsets(%arg7 : memref<128xi32, #tpu.memory_space<vmem>>) semaphore(%run_scoped3A : memref<!tpu.dma_semaphore, #tpu.memory_space<semaphore_mem>>) {add = true}
        %dma_wait3A = arith.constant 0 : i32
        %dma_wait3A_45 = arith.constant 0 : i32
        %dma_wait3A_46 = tpu.memref_slice %arg6[%dma_wait3A, %dma_wait3A_45] : memref<10112x128xf32, #tpu.memory_space<vmem_shared>> -> memref<10112x128xf32, #tpu.memory_space<vmem_shared>>
        tpu.wait_indirect_dma semaphore(%run_scoped3A : memref<!tpu.dma_semaphore, #tpu.memory_space<semaphore_mem>>) src(%arg8 : memref<128x128xf32, #tpu.memory_space<vmem>>) dst(%dma_wait3A_46 : memref<10112x128xf32, #tpu.memory_space<vmem_shared>>)
        tpu.yield
      }) : () -> ()
    }
    %scan3A_30 = arith.constant 40 : i32
    %barrier3A_31 = arith.constant 0 : index
    tpu.barrier barrier_id(%barrier3A_31)
    "tpu.region"() ({
      %run_scoped3A = tpu.sem_alloc : memref<!tpu.dma_semaphore, #tpu.memory_space<semaphore_mem>>
      %dma_start3A = arith.constant 384 : i32
      %dma_start3A_33 = tpu.memref_slice %arg5[%arg0, %mul3A_2, %dma_start3A] : memref<2x10112x512xf32, #tpu.memory_space<hbm>> -> memref<1x632x128xf32, #tpu.memory_space<hbm>>
      %dma_start3A_34 = tpu.memref_squeeze %dma_start3A_33 : memref<1x632x128xf32, #tpu.memory_space<hbm>> -> memref<632x128xf32, #tpu.memory_space<hbm>>
      %dma_start3A_35 = arith.constant 0 : i32
      %dma_start3A_36 = tpu.memref_slice %arg6[%mul3A_2, %dma_start3A_35] : memref<10112x128xf32, #tpu.memory_space<vmem_shared>> -> memref<632x128xf32, #tpu.memory_space<vmem_shared>>
      tpu.enqueue_dma source(%dma_start3A_36 : memref<632x128xf32, #tpu.memory_space<vmem_shared>>) target(%dma_start3A_34 : memref<632x128xf32, #tpu.memory_space<hbm>>) target_semaphore(%run_scoped3A : memref<!tpu.dma_semaphore, #tpu.memory_space<semaphore_mem>>)
      %dma_wait3A = arith.constant 384 : i32
      %dma_wait3A_37 = tpu.memref_slice %arg5[%arg0, %mul3A_2, %dma_wait3A] : memref<2x10112x512xf32, #tpu.memory_space<hbm>> -> memref<1x632x128xf32, #tpu.memory_space<hbm>>
      %dma_wait3A_38 = tpu.memref_squeeze %dma_wait3A_37 : memref<1x632x128xf32, #tpu.memory_space<hbm>> -> memref<632x128xf32, #tpu.memory_space<hbm>>
      %dma_wait3A_39 = arith.constant 0 : i32
      %dma_wait3A_40 = tpu.memref_slice %arg6[%mul3A_2, %dma_wait3A_39] : memref<10112x128xf32, #tpu.memory_space<vmem_shared>> -> memref<632x128xf32, #tpu.memory_space<vmem_shared>>
      tpu.wait_dma2 semaphore(%run_scoped3A : memref<!tpu.dma_semaphore, #tpu.memory_space<semaphore_mem>>) src(%dma_wait3A_40 : memref<632x128xf32, #tpu.memory_space<vmem_shared>>) dst(%dma_wait3A_38 : memref<632x128xf32, #tpu.memory_space<hbm>>)
      tpu.yield
    }) : () -> ()
    %barrier3A_32 = arith.constant 0 : index
    tpu.barrier barrier_id(%barrier3A_32)
    return
  }
}

module attributes {stable_mosaic.version = 14 : i64} {
  func.func @body(%arg0: i32, %arg1: memref<1280x256xi32, #tpu.memory_space<vmem>>, %arg2: memref<1280x256xi32, #tpu.memory_space<vmem>>, %arg3: memref<1280x1xf32, #tpu.memory_space<vmem>>, %arg4: memref<1280x16xf32, #tpu.memory_space<vmem>>, %arg5: memref<1280x3xf32, #tpu.memory_space<vmem>>, %arg6: memref<17x64xf32, #tpu.memory_space<vmem>>, %arg7: memref<1x64xf32, #tpu.memory_space<vmem>>, %arg8: memref<64x512xf32, #tpu.memory_space<vmem>>, %arg9: memref<1x512xf32, #tpu.memory_space<vmem>>, %arg10: memref<17x64xf32, #tpu.memory_space<vmem>>, %arg11: memref<1x64xf32, #tpu.memory_space<vmem>>, %arg12: memref<64x512xf32, #tpu.memory_space<vmem>>, %arg13: memref<1x512xf32, #tpu.memory_space<vmem>>, %arg14: memref<256x256xf32, #tpu.memory_space<vmem>>, %arg15: memref<1x256xf32, #tpu.memory_space<vmem>>, %arg16: memref<256x128xf32, #tpu.memory_space<vmem>>, %arg17: memref<256x256xf32, #tpu.memory_space<vmem>>, %arg18: memref<1x256xf32, #tpu.memory_space<vmem>>, %arg19: memref<256x128xf32, #tpu.memory_space<vmem>>, %arg20: memref<1280x512xf32, #tpu.memory_space<vmem>>) attributes {dimension_semantics = [#tpu.dimension_semantics<arbitrary>], iteration_bounds = array<i64: 128>, scalar_prefetch = 0 : i64, scratch_operands = 0 : i64, tpu.core_type = #tpu.core_type<tc>, window_params = [{transform_indices = @transform_0, window_bounds = array<i64: 1280, 256>}, {transform_indices = @transform_1, window_bounds = array<i64: 1280, 256>}, {transform_indices = @transform_2, window_bounds = array<i64: 1280, 1>}, {transform_indices = @transform_3, window_bounds = array<i64: 1280, 16>}, {transform_indices = @transform_4, window_bounds = array<i64: 1280, 3>}, {pipeline_mode = #tpu.pipeline_mode<synchronous>, transform_indices = @transform_5, window_bounds = array<i64: 17, 64>}, {pipeline_mode = #tpu.pipeline_mode<synchronous>, transform_indices = @transform_6, window_bounds = array<i64: 1, 64>}, {pipeline_mode = #tpu.pipeline_mode<synchronous>, transform_indices = @transform_7, window_bounds = array<i64: 64, 512>}, {pipeline_mode = #tpu.pipeline_mode<synchronous>, transform_indices = @transform_8, window_bounds = array<i64: 1, 512>}, {pipeline_mode = #tpu.pipeline_mode<synchronous>, transform_indices = @transform_9, window_bounds = array<i64: 17, 64>}, {pipeline_mode = #tpu.pipeline_mode<synchronous>, transform_indices = @transform_10, window_bounds = array<i64: 1, 64>}, {pipeline_mode = #tpu.pipeline_mode<synchronous>, transform_indices = @transform_11, window_bounds = array<i64: 64, 512>}, {pipeline_mode = #tpu.pipeline_mode<synchronous>, transform_indices = @transform_12, window_bounds = array<i64: 1, 512>}, {pipeline_mode = #tpu.pipeline_mode<synchronous>, transform_indices = @transform_13, window_bounds = array<i64: 256, 256>}, {pipeline_mode = #tpu.pipeline_mode<synchronous>, transform_indices = @transform_14, window_bounds = array<i64: 1, 256>}, {pipeline_mode = #tpu.pipeline_mode<synchronous>, transform_indices = @transform_15, window_bounds = array<i64: 256, 128>}, {pipeline_mode = #tpu.pipeline_mode<synchronous>, transform_indices = @transform_16, window_bounds = array<i64: 256, 256>}, {pipeline_mode = #tpu.pipeline_mode<synchronous>, transform_indices = @transform_17, window_bounds = array<i64: 1, 256>}, {pipeline_mode = #tpu.pipeline_mode<synchronous>, transform_indices = @transform_18, window_bounds = array<i64: 256, 128>}, {transform_indices = @transform_19, window_bounds = array<i64: 1280, 512>}]} {
    %get3A = arith.constant 0 : index
    %get3A_0 = arith.constant 0 : index
    %get3A_1 = vector.load %arg1[%get3A, %get3A_0] : memref<1280x256xi32, #tpu.memory_space<vmem>>, vector<1280x256xi32>
    %shift_left3A = arith.constant 16 : i32
    %shift_left3A_2 = vector.broadcast %shift_left3A : i32 to vector<1280x256xi32>
    %shift_left3A_3 = arith.shli %get3A_1, %shift_left3A_2 : vector<1280x256xi32>
    %bitcast_convert_type3A = tpu.bitcast %shift_left3A_3 : vector<1280x256xi32> -> vector<1280x256xf32>
    %and3A = arith.constant -65536 : i32
    %and3A_4 = vector.broadcast %and3A : i32 to vector<1280x256xi32>
    %and3A_5 = arith.andi %get3A_1, %and3A_4 : vector<1280x256xi32>
    %bitcast_convert_type3A_6 = tpu.bitcast %and3A_5 : vector<1280x256xi32> -> vector<1280x256xf32>
    %concatenate3A = tpu.concatenate %bitcast_convert_type3A, %bitcast_convert_type3A_6 in 1 : vector<1280x256xf32>, vector<1280x256xf32> -> vector<1280x512xf32>
    %get3A_7 = arith.constant 0 : index
    %get3A_8 = arith.constant 0 : index
    %get3A_9 = vector.load %arg2[%get3A_7, %get3A_8] : memref<1280x256xi32, #tpu.memory_space<vmem>>, vector<1280x256xi32>
    %shift_left3A_10 = arith.constant 16 : i32
    %shift_left3A_11 = vector.broadcast %shift_left3A_10 : i32 to vector<1280x256xi32>
    %shift_left3A_12 = arith.shli %get3A_9, %shift_left3A_11 : vector<1280x256xi32>
    %bitcast_convert_type3A_13 = tpu.bitcast %shift_left3A_12 : vector<1280x256xi32> -> vector<1280x256xf32>
    %and3A_14 = arith.constant -65536 : i32
    %and3A_15 = vector.broadcast %and3A_14 : i32 to vector<1280x256xi32>
    %and3A_16 = arith.andi %get3A_9, %and3A_15 : vector<1280x256xi32>
    %bitcast_convert_type3A_17 = tpu.bitcast %and3A_16 : vector<1280x256xi32> -> vector<1280x256xf32>
    %concatenate3A_18 = tpu.concatenate %bitcast_convert_type3A_13, %bitcast_convert_type3A_17 in 1 : vector<1280x256xf32>, vector<1280x256xf32> -> vector<1280x512xf32>
    %slice3A = vector.extract_strided_slice %concatenate3A {offsets = [0, 0], sizes = [1280, 128], strides = [1, 1]} : vector<1280x512xf32> to vector<1280x128xf32>
    %slice3A_19 = vector.extract_strided_slice %concatenate3A {offsets = [0, 128], sizes = [1280, 128], strides = [1, 1]} : vector<1280x512xf32> to vector<1280x128xf32>
    %slice3A_20 = vector.extract_strided_slice %concatenate3A {offsets = [0, 256], sizes = [1280, 128], strides = [1, 1]} : vector<1280x512xf32> to vector<1280x128xf32>
    %slice3A_21 = vector.extract_strided_slice %concatenate3A {offsets = [0, 384], sizes = [1280, 128], strides = [1, 1]} : vector<1280x512xf32> to vector<1280x128xf32>
    %slice3A_22 = vector.extract_strided_slice %concatenate3A_18 {offsets = [0, 0], sizes = [1280, 128], strides = [1, 1]} : vector<1280x512xf32> to vector<1280x128xf32>
    %slice3A_23 = vector.extract_strided_slice %concatenate3A_18 {offsets = [0, 128], sizes = [1280, 128], strides = [1, 1]} : vector<1280x512xf32> to vector<1280x128xf32>
    %slice3A_24 = vector.extract_strided_slice %concatenate3A_18 {offsets = [0, 256], sizes = [1280, 128], strides = [1, 1]} : vector<1280x512xf32> to vector<1280x128xf32>
    %slice3A_25 = vector.extract_strided_slice %concatenate3A_18 {offsets = [0, 384], sizes = [1280, 128], strides = [1, 1]} : vector<1280x512xf32> to vector<1280x128xf32>
    %get3A_26 = arith.constant 0 : index
    %get3A_27 = arith.constant 0 : index
    %get3A_28 = vector.load %arg3[%get3A_26, %get3A_27] : memref<1280x1xf32, #tpu.memory_space<vmem>>, vector<1280x1xf32>
    %get3A_29 = arith.constant 0 : index
    %get3A_30 = arith.constant 0 : index
    %get3A_31 = vector.load %arg4[%get3A_29, %get3A_30] : memref<1280x16xf32, #tpu.memory_space<vmem>>, vector<1280x16xf32>
    %concatenate3A_32 = tpu.concatenate %get3A_28, %get3A_31 in 1 : vector<1280x1xf32>, vector<1280x16xf32> -> vector<1280x17xf32>
    %get3A_33 = arith.constant 0 : index
    %get3A_34 = arith.constant 0 : index
    %get3A_35 = vector.load %arg6[%get3A_33, %get3A_34] : memref<17x64xf32, #tpu.memory_space<vmem>>, vector<17x64xf32>
    %dot_general3A = arith.constant dense<0.000000e+00> : vector<1280x64xf32>
    %dot_general3A_36 = tpu.matmul %concatenate3A_32, %get3A_35, %dot_general3A {dimension_numbers = #tpu.dot_dimension_numbers<[1], [0], [0], [1], [0, 0, 1, 1], [], []>, transpose_lhs_hint = false} : vector<1280x17xf32>, vector<17x64xf32>, vector<1280x64xf32> -> vector<1280x64xf32>
    %get3A_37 = arith.constant 0 : index
    %get3A_38 = arith.constant 0 : index
    %get3A_39 = vector.load %arg7[%get3A_37, %get3A_38] : memref<1x64xf32, #tpu.memory_space<vmem>>, vector<1x64xf32>
    %add3A = vector.broadcast %get3A_39 : vector<1x64xf32> to vector<1280x64xf32>
    %add3A_40 = arith.addf %dot_general3A_36, %add3A : vector<1280x64xf32>
    %logistic3A = arith.negf %add3A_40 : vector<1280x64xf32>
    %logistic3A_41 = math.exp %logistic3A : vector<1280x64xf32>
    %logistic3A_42 = arith.constant 1.000000e+00 : f32
    %logistic3A_43 = vector.broadcast %logistic3A_42 : f32 to vector<1280x64xf32>
    %logistic3A_44 = arith.addf %logistic3A_43, %logistic3A_41 : vector<1280x64xf32>
    %logistic3A_45 = arith.divf %logistic3A_43, %logistic3A_44 : vector<1280x64xf32>
    %mul3A = arith.mulf %add3A_40, %logistic3A_45 : vector<1280x64xf32>
    %get3A_46 = arith.constant 0 : index
    %get3A_47 = arith.constant 0 : index
    %get3A_48 = vector.load %arg8[%get3A_46, %get3A_47] : memref<64x512xf32, #tpu.memory_space<vmem>>, vector<64x512xf32>
    %dot_general3A_49 = arith.constant dense<0.000000e+00> : vector<1280x512xf32>
    %dot_general3A_50 = tpu.matmul %mul3A, %get3A_48, %dot_general3A_49 {dimension_numbers = #tpu.dot_dimension_numbers<[1], [0], [0], [1], [0, 0, 1, 1], [], []>, transpose_lhs_hint = false} : vector<1280x64xf32>, vector<64x512xf32>, vector<1280x512xf32> -> vector<1280x512xf32>
    %get3A_51 = arith.constant 0 : index
    %get3A_52 = arith.constant 0 : index
    %get3A_53 = vector.load %arg9[%get3A_51, %get3A_52] : memref<1x512xf32, #tpu.memory_space<vmem>>, vector<1x512xf32>
    %add3A_54 = vector.broadcast %get3A_53 : vector<1x512xf32> to vector<1280x512xf32>
    %add3A_55 = arith.addf %dot_general3A_50, %add3A_54 : vector<1280x512xf32>
    %slice3A_56 = vector.extract_strided_slice %add3A_55 {offsets = [0, 0], sizes = [1280, 256], strides = [1, 1]} : vector<1280x512xf32> to vector<1280x256xf32>
    %slice3A_57 = vector.extract_strided_slice %add3A_55 {offsets = [0, 256], sizes = [1280, 256], strides = [1, 1]} : vector<1280x512xf32> to vector<1280x256xf32>
    %mul3A_58 = arith.mulf %slice3A, %slice3A_22 : vector<1280x128xf32>
    %mul3A_59 = arith.mulf %slice3A_19, %slice3A_23 : vector<1280x128xf32>
    %mul3A_60 = arith.mulf %slice3A_20, %slice3A_24 : vector<1280x128xf32>
    %add3A_61 = arith.addf %mul3A_59, %mul3A_60 : vector<1280x128xf32>
    %mul3A_62 = arith.mulf %slice3A_21, %slice3A_25 : vector<1280x128xf32>
    %add3A_63 = arith.addf %add3A_61, %mul3A_62 : vector<1280x128xf32>
    %concatenate3A_64 = tpu.concatenate %mul3A_58, %add3A_63 in 1 : vector<1280x128xf32>, vector<1280x128xf32> -> vector<1280x256xf32>
    %mul3A_65 = arith.mulf %concatenate3A_64, %slice3A_56 : vector<1280x256xf32>
    %get3A_66 = arith.constant 0 : index
    %get3A_67 = arith.constant 0 : index
    %get3A_68 = vector.load %arg14[%get3A_66, %get3A_67] : memref<256x256xf32, #tpu.memory_space<vmem>>, vector<256x256xf32>
    %dot_general3A_69 = arith.constant dense<0.000000e+00> : vector<1280x256xf32>
    %dot_general3A_70 = tpu.matmul %mul3A_65, %get3A_68, %dot_general3A_69 {dimension_numbers = #tpu.dot_dimension_numbers<[1], [0], [0], [1], [0, 0, 1, 1], [], []>, transpose_lhs_hint = false} : vector<1280x256xf32>, vector<256x256xf32>, vector<1280x256xf32> -> vector<1280x256xf32>
    %get3A_71 = arith.constant 0 : index
    %get3A_72 = arith.constant 0 : index
    %get3A_73 = vector.load %arg15[%get3A_71, %get3A_72] : memref<1x256xf32, #tpu.memory_space<vmem>>, vector<1x256xf32>
    %add3A_74 = vector.broadcast %get3A_73 : vector<1x256xf32> to vector<1280x256xf32>
    %add3A_75 = arith.addf %dot_general3A_70, %add3A_74 : vector<1280x256xf32>
    %mul3A_76 = arith.mulf %slice3A, %slice3A_23 : vector<1280x128xf32>
    %mul3A_77 = arith.mulf %slice3A_19, %slice3A_22 : vector<1280x128xf32>
    %concatenate3A_78 = tpu.concatenate %mul3A_76, %mul3A_77 in 1 : vector<1280x128xf32>, vector<1280x128xf32> -> vector<1280x256xf32>
    %mul3A_79 = arith.mulf %concatenate3A_78, %slice3A_57 : vector<1280x256xf32>
    %get3A_80 = arith.constant 0 : index
    %get3A_81 = arith.constant 0 : index
    %get3A_82 = vector.load %arg16[%get3A_80, %get3A_81] : memref<256x128xf32, #tpu.memory_space<vmem>>, vector<256x128xf32>
    %dot_general3A_83 = arith.constant dense<0.000000e+00> : vector<1280x128xf32>
    %dot_general3A_84 = tpu.matmul %mul3A_79, %get3A_82, %dot_general3A_83 {dimension_numbers = #tpu.dot_dimension_numbers<[1], [0], [0], [1], [0, 0, 1, 1], [], []>, transpose_lhs_hint = false} : vector<1280x256xf32>, vector<256x128xf32>, vector<1280x128xf32> -> vector<1280x128xf32>
    %mul3A_85 = arith.mulf %slice3A, %slice3A_24 : vector<1280x128xf32>
    %mul3A_86 = arith.mulf %slice3A_20, %slice3A_22 : vector<1280x128xf32>
    %concatenate3A_87 = tpu.concatenate %mul3A_85, %mul3A_86 in 1 : vector<1280x128xf32>, vector<1280x128xf32> -> vector<1280x256xf32>
    %mul3A_88 = arith.mulf %concatenate3A_87, %slice3A_57 : vector<1280x256xf32>
    %get3A_89 = arith.constant 0 : index
    %get3A_90 = arith.constant 0 : index
    %get3A_91 = vector.load %arg16[%get3A_89, %get3A_90] : memref<256x128xf32, #tpu.memory_space<vmem>>, vector<256x128xf32>
    %dot_general3A_92 = arith.constant dense<0.000000e+00> : vector<1280x128xf32>
    %dot_general3A_93 = tpu.matmul %mul3A_88, %get3A_91, %dot_general3A_92 {dimension_numbers = #tpu.dot_dimension_numbers<[1], [0], [0], [1], [0, 0, 1, 1], [], []>, transpose_lhs_hint = false} : vector<1280x256xf32>, vector<256x128xf32>, vector<1280x128xf32> -> vector<1280x128xf32>
    %mul3A_94 = arith.mulf %slice3A, %slice3A_25 : vector<1280x128xf32>
    %mul3A_95 = arith.mulf %slice3A_21, %slice3A_22 : vector<1280x128xf32>
    %concatenate3A_96 = tpu.concatenate %mul3A_94, %mul3A_95 in 1 : vector<1280x128xf32>, vector<1280x128xf32> -> vector<1280x256xf32>
    %mul3A_97 = arith.mulf %concatenate3A_96, %slice3A_57 : vector<1280x256xf32>
    %get3A_98 = arith.constant 0 : index
    %get3A_99 = arith.constant 0 : index
    %get3A_100 = vector.load %arg16[%get3A_98, %get3A_99] : memref<256x128xf32, #tpu.memory_space<vmem>>, vector<256x128xf32>
    %dot_general3A_101 = arith.constant dense<0.000000e+00> : vector<1280x128xf32>
    %dot_general3A_102 = tpu.matmul %mul3A_97, %get3A_100, %dot_general3A_101 {dimension_numbers = #tpu.dot_dimension_numbers<[1], [0], [0], [1], [0, 0, 1, 1], [], []>, transpose_lhs_hint = false} : vector<1280x256xf32>, vector<256x128xf32>, vector<1280x128xf32> -> vector<1280x128xf32>
    %slice3A_103 = vector.extract_strided_slice %add3A_75 {offsets = [0, 0], sizes = [1280, 128], strides = [1, 1]} : vector<1280x256xf32> to vector<1280x128xf32>
    %logistic3A_104 = arith.negf %slice3A_103 : vector<1280x128xf32>
    %logistic3A_105 = math.exp %logistic3A_104 : vector<1280x128xf32>
    %logistic3A_106 = arith.constant 1.000000e+00 : f32
    %logistic3A_107 = vector.broadcast %logistic3A_106 : f32 to vector<1280x128xf32>
    %logistic3A_108 = arith.addf %logistic3A_107, %logistic3A_105 : vector<1280x128xf32>
    %logistic3A_109 = arith.divf %logistic3A_107, %logistic3A_108 : vector<1280x128xf32>
    %mul3A_110 = arith.mulf %slice3A_103, %logistic3A_109 : vector<1280x128xf32>
    %slice3A_111 = vector.extract_strided_slice %add3A_75 {offsets = [0, 128], sizes = [1280, 128], strides = [1, 1]} : vector<1280x256xf32> to vector<1280x128xf32>
    %logistic3A_112 = arith.negf %slice3A_111 : vector<1280x128xf32>
    %logistic3A_113 = math.exp %logistic3A_112 : vector<1280x128xf32>
    %logistic3A_114 = arith.constant 1.000000e+00 : f32
    %logistic3A_115 = vector.broadcast %logistic3A_114 : f32 to vector<1280x128xf32>
    %logistic3A_116 = arith.addf %logistic3A_115, %logistic3A_113 : vector<1280x128xf32>
    %logistic3A_117 = arith.divf %logistic3A_115, %logistic3A_116 : vector<1280x128xf32>
    %mul3A_118 = arith.mulf %logistic3A_117, %dot_general3A_84 : vector<1280x128xf32>
    %mul3A_119 = arith.mulf %logistic3A_117, %dot_general3A_93 : vector<1280x128xf32>
    %mul3A_120 = arith.mulf %logistic3A_117, %dot_general3A_102 : vector<1280x128xf32>
    %get3A_121 = arith.constant 0 : index
    %get3A_122 = arith.constant 0 : index
    %get3A_123 = vector.load %arg5[%get3A_121, %get3A_122] : memref<1280x3xf32, #tpu.memory_space<vmem>>, vector<1280x3xf32>
    %slice3A_124 = vector.extract_strided_slice %get3A_123 {offsets = [0, 0], sizes = [1280, 1], strides = [1, 1]} : vector<1280x3xf32> to vector<1280x1xf32>
    %slice3A_125 = vector.extract_strided_slice %get3A_123 {offsets = [0, 1], sizes = [1280, 1], strides = [1, 1]} : vector<1280x3xf32> to vector<1280x1xf32>
    %slice3A_126 = vector.extract_strided_slice %get3A_123 {offsets = [0, 2], sizes = [1280, 1], strides = [1, 1]} : vector<1280x3xf32> to vector<1280x1xf32>
    %get3A_127 = arith.constant 0 : index
    %get3A_128 = arith.constant 0 : index
    %get3A_129 = vector.load %arg10[%get3A_127, %get3A_128] : memref<17x64xf32, #tpu.memory_space<vmem>>, vector<17x64xf32>
    %dot_general3A_130 = arith.constant dense<0.000000e+00> : vector<1280x64xf32>
    %dot_general3A_131 = tpu.matmul %concatenate3A_32, %get3A_129, %dot_general3A_130 {dimension_numbers = #tpu.dot_dimension_numbers<[1], [0], [0], [1], [0, 0, 1, 1], [], []>, transpose_lhs_hint = false} : vector<1280x17xf32>, vector<17x64xf32>, vector<1280x64xf32> -> vector<1280x64xf32>
    %get3A_132 = arith.constant 0 : index
    %get3A_133 = arith.constant 0 : index
    %get3A_134 = vector.load %arg11[%get3A_132, %get3A_133] : memref<1x64xf32, #tpu.memory_space<vmem>>, vector<1x64xf32>
    %add3A_135 = vector.broadcast %get3A_134 : vector<1x64xf32> to vector<1280x64xf32>
    %add3A_136 = arith.addf %dot_general3A_131, %add3A_135 : vector<1280x64xf32>
    %logistic3A_137 = arith.negf %add3A_136 : vector<1280x64xf32>
    %logistic3A_138 = math.exp %logistic3A_137 : vector<1280x64xf32>
    %logistic3A_139 = arith.constant 1.000000e+00 : f32
    %logistic3A_140 = vector.broadcast %logistic3A_139 : f32 to vector<1280x64xf32>
    %logistic3A_141 = arith.addf %logistic3A_140, %logistic3A_138 : vector<1280x64xf32>
    %logistic3A_142 = arith.divf %logistic3A_140, %logistic3A_141 : vector<1280x64xf32>
    %mul3A_143 = arith.mulf %add3A_136, %logistic3A_142 : vector<1280x64xf32>
    %get3A_144 = arith.constant 0 : index
    %get3A_145 = arith.constant 0 : index
    %get3A_146 = vector.load %arg12[%get3A_144, %get3A_145] : memref<64x512xf32, #tpu.memory_space<vmem>>, vector<64x512xf32>
    %dot_general3A_147 = arith.constant dense<0.000000e+00> : vector<1280x512xf32>
    %dot_general3A_148 = tpu.matmul %mul3A_143, %get3A_146, %dot_general3A_147 {dimension_numbers = #tpu.dot_dimension_numbers<[1], [0], [0], [1], [0, 0, 1, 1], [], []>, transpose_lhs_hint = false} : vector<1280x64xf32>, vector<64x512xf32>, vector<1280x512xf32> -> vector<1280x512xf32>
    %get3A_149 = arith.constant 0 : index
    %get3A_150 = arith.constant 0 : index
    %get3A_151 = vector.load %arg13[%get3A_149, %get3A_150] : memref<1x512xf32, #tpu.memory_space<vmem>>, vector<1x512xf32>
    %add3A_152 = vector.broadcast %get3A_151 : vector<1x512xf32> to vector<1280x512xf32>
    %add3A_153 = arith.addf %dot_general3A_148, %add3A_152 : vector<1280x512xf32>
    %slice3A_154 = vector.extract_strided_slice %add3A_153 {offsets = [0, 0], sizes = [1280, 256], strides = [1, 1]} : vector<1280x512xf32> to vector<1280x256xf32>
    %slice3A_155 = vector.extract_strided_slice %add3A_153 {offsets = [0, 256], sizes = [1280, 256], strides = [1, 1]} : vector<1280x512xf32> to vector<1280x256xf32>
    %mul3A_156 = vector.broadcast %slice3A_124 : vector<1280x1xf32> to vector<1280x128xf32>
    %mul3A_157 = arith.mulf %mul3A_118, %mul3A_156 : vector<1280x128xf32>
    %mul3A_158 = vector.broadcast %slice3A_125 : vector<1280x1xf32> to vector<1280x128xf32>
    %mul3A_159 = arith.mulf %mul3A_119, %mul3A_158 : vector<1280x128xf32>
    %add3A_160 = arith.addf %mul3A_157, %mul3A_159 : vector<1280x128xf32>
    %mul3A_161 = vector.broadcast %slice3A_126 : vector<1280x1xf32> to vector<1280x128xf32>
    %mul3A_162 = arith.mulf %mul3A_120, %mul3A_161 : vector<1280x128xf32>
    %add3A_163 = arith.addf %add3A_160, %mul3A_162 : vector<1280x128xf32>
    %concatenate3A_164 = tpu.concatenate %mul3A_110, %add3A_163 in 1 : vector<1280x128xf32>, vector<1280x128xf32> -> vector<1280x256xf32>
    %mul3A_165 = arith.mulf %concatenate3A_164, %slice3A_154 : vector<1280x256xf32>
    %get3A_166 = arith.constant 0 : index
    %get3A_167 = arith.constant 0 : index
    %get3A_168 = vector.load %arg17[%get3A_166, %get3A_167] : memref<256x256xf32, #tpu.memory_space<vmem>>, vector<256x256xf32>
    %dot_general3A_169 = arith.constant dense<0.000000e+00> : vector<1280x256xf32>
    %dot_general3A_170 = tpu.matmul %mul3A_165, %get3A_168, %dot_general3A_169 {dimension_numbers = #tpu.dot_dimension_numbers<[1], [0], [0], [1], [0, 0, 1, 1], [], []>, transpose_lhs_hint = false} : vector<1280x256xf32>, vector<256x256xf32>, vector<1280x256xf32> -> vector<1280x256xf32>
    %get3A_171 = arith.constant 0 : index
    %get3A_172 = arith.constant 0 : index
    %get3A_173 = vector.load %arg18[%get3A_171, %get3A_172] : memref<1x256xf32, #tpu.memory_space<vmem>>, vector<1x256xf32>
    %add3A_174 = vector.broadcast %get3A_173 : vector<1x256xf32> to vector<1280x256xf32>
    %add3A_175 = arith.addf %dot_general3A_170, %add3A_174 : vector<1280x256xf32>
    %mul3A_176 = vector.broadcast %slice3A_124 : vector<1280x1xf32> to vector<1280x128xf32>
    %mul3A_177 = arith.mulf %mul3A_110, %mul3A_176 : vector<1280x128xf32>
    %concatenate3A_178 = tpu.concatenate %mul3A_177, %mul3A_118 in 1 : vector<1280x128xf32>, vector<1280x128xf32> -> vector<1280x256xf32>
    %mul3A_179 = arith.mulf %concatenate3A_178, %slice3A_155 : vector<1280x256xf32>
    %get3A_180 = arith.constant 0 : index
    %get3A_181 = arith.constant 0 : index
    %get3A_182 = vector.load %arg19[%get3A_180, %get3A_181] : memref<256x128xf32, #tpu.memory_space<vmem>>, vector<256x128xf32>
    %dot_general3A_183 = arith.constant dense<0.000000e+00> : vector<1280x128xf32>
    %dot_general3A_184 = tpu.matmul %mul3A_179, %get3A_182, %dot_general3A_183 {dimension_numbers = #tpu.dot_dimension_numbers<[1], [0], [0], [1], [0, 0, 1, 1], [], []>, transpose_lhs_hint = false} : vector<1280x256xf32>, vector<256x128xf32>, vector<1280x128xf32> -> vector<1280x128xf32>
    %mul3A_185 = vector.broadcast %slice3A_125 : vector<1280x1xf32> to vector<1280x128xf32>
    %mul3A_186 = arith.mulf %mul3A_110, %mul3A_185 : vector<1280x128xf32>
    %concatenate3A_187 = tpu.concatenate %mul3A_186, %mul3A_119 in 1 : vector<1280x128xf32>, vector<1280x128xf32> -> vector<1280x256xf32>
    %mul3A_188 = arith.mulf %concatenate3A_187, %slice3A_155 : vector<1280x256xf32>
    %get3A_189 = arith.constant 0 : index
    %get3A_190 = arith.constant 0 : index
    %get3A_191 = vector.load %arg19[%get3A_189, %get3A_190] : memref<256x128xf32, #tpu.memory_space<vmem>>, vector<256x128xf32>
    %dot_general3A_192 = arith.constant dense<0.000000e+00> : vector<1280x128xf32>
    %dot_general3A_193 = tpu.matmul %mul3A_188, %get3A_191, %dot_general3A_192 {dimension_numbers = #tpu.dot_dimension_numbers<[1], [0], [0], [1], [0, 0, 1, 1], [], []>, transpose_lhs_hint = false} : vector<1280x256xf32>, vector<256x128xf32>, vector<1280x128xf32> -> vector<1280x128xf32>
    %mul3A_194 = vector.broadcast %slice3A_126 : vector<1280x1xf32> to vector<1280x128xf32>
    %mul3A_195 = arith.mulf %mul3A_110, %mul3A_194 : vector<1280x128xf32>
    %concatenate3A_196 = tpu.concatenate %mul3A_195, %mul3A_120 in 1 : vector<1280x128xf32>, vector<1280x128xf32> -> vector<1280x256xf32>
    %mul3A_197 = arith.mulf %concatenate3A_196, %slice3A_155 : vector<1280x256xf32>
    %get3A_198 = arith.constant 0 : index
    %get3A_199 = arith.constant 0 : index
    %get3A_200 = vector.load %arg19[%get3A_198, %get3A_199] : memref<256x128xf32, #tpu.memory_space<vmem>>, vector<256x128xf32>
    %dot_general3A_201 = arith.constant dense<0.000000e+00> : vector<1280x128xf32>
    %dot_general3A_202 = tpu.matmul %mul3A_197, %get3A_200, %dot_general3A_201 {dimension_numbers = #tpu.dot_dimension_numbers<[1], [0], [0], [1], [0, 0, 1, 1], [], []>, transpose_lhs_hint = false} : vector<1280x256xf32>, vector<256x128xf32>, vector<1280x128xf32> -> vector<1280x128xf32>
    %slice3A_203 = vector.extract_strided_slice %add3A_175 {offsets = [0, 0], sizes = [1280, 128], strides = [1, 1]} : vector<1280x256xf32> to vector<1280x128xf32>
    %logistic3A_204 = arith.negf %slice3A_203 : vector<1280x128xf32>
    %logistic3A_205 = math.exp %logistic3A_204 : vector<1280x128xf32>
    %logistic3A_206 = arith.constant 1.000000e+00 : f32
    %logistic3A_207 = vector.broadcast %logistic3A_206 : f32 to vector<1280x128xf32>
    %logistic3A_208 = arith.addf %logistic3A_207, %logistic3A_205 : vector<1280x128xf32>
    %logistic3A_209 = arith.divf %logistic3A_207, %logistic3A_208 : vector<1280x128xf32>
    %mul3A_210 = arith.mulf %slice3A_203, %logistic3A_209 : vector<1280x128xf32>
    %slice3A_211 = vector.extract_strided_slice %add3A_175 {offsets = [0, 128], sizes = [1280, 128], strides = [1, 1]} : vector<1280x256xf32> to vector<1280x128xf32>
    %logistic3A_212 = arith.negf %slice3A_211 : vector<1280x128xf32>
    %logistic3A_213 = math.exp %logistic3A_212 : vector<1280x128xf32>
    %logistic3A_214 = arith.constant 1.000000e+00 : f32
    %logistic3A_215 = vector.broadcast %logistic3A_214 : f32 to vector<1280x128xf32>
    %logistic3A_216 = arith.addf %logistic3A_215, %logistic3A_213 : vector<1280x128xf32>
    %logistic3A_217 = arith.divf %logistic3A_215, %logistic3A_216 : vector<1280x128xf32>
    %mul3A_218 = arith.mulf %logistic3A_217, %dot_general3A_184 : vector<1280x128xf32>
    %mul3A_219 = arith.mulf %logistic3A_217, %dot_general3A_193 : vector<1280x128xf32>
    %mul3A_220 = arith.mulf %logistic3A_217, %dot_general3A_202 : vector<1280x128xf32>
    %concatenate3A_221 = tpu.concatenate %mul3A_210, %mul3A_218, %mul3A_219, %mul3A_220 in 1 : vector<1280x128xf32>, vector<1280x128xf32>, vector<1280x128xf32>, vector<1280x128xf32> -> vector<1280x512xf32>
    %lt3A = arith.constant 125 : i32
    %lt3A_222 = arith.cmpi slt, %arg0, %lt3A : i32
    %convert_element_type3A = arith.extui %lt3A_222 : i1 to i32
    %convert_element_type3A_223 = arith.sitofp %convert_element_type3A : i32 to f32
    %mul3A_224 = vector.broadcast %convert_element_type3A_223 : f32 to vector<1280x512xf32>
    %mul3A_225 = arith.mulf %concatenate3A_221, %mul3A_224 : vector<1280x512xf32>
    %swap3A = arith.constant 0 : index
    %swap3A_226 = arith.constant 0 : index
    %swap3A_227 = vector.load %arg20[%swap3A, %swap3A_226] : memref<1280x512xf32, #tpu.memory_space<vmem>>, vector<1280x512xf32>
    tpu.vector_store %arg20[%swap3A, %swap3A_226], %mul3A_225 {strides = array<i32>} : memref<1280x512xf32, #tpu.memory_space<vmem>>, vector<1280x512xf32>,
    return
  }
  func.func @transform_0(%arg0: i32) -> (i32, i32) {
    %c0_i32 = arith.constant 0 : i32
    %c0_i32_0 = arith.constant 0 : i32
    return %arg0, %c0_i32 : i32, i32
  }
  func.func @transform_1(%arg0: i32) -> (i32, i32) {
    %add3A = arith.constant 128 : i32
    %add3A_0 = arith.addi %arg0, %add3A : i32
    %c0_i32 = arith.constant 0 : i32
    %c0_i32_1 = arith.constant 0 : i32
    return %add3A_0, %c0_i32 : i32, i32
  }
  func.func @transform_2(%arg0: i32) -> (i32, i32) {
    %c0_i32 = arith.constant 0 : i32
    %c0_i32_0 = arith.constant 0 : i32
    return %arg0, %c0_i32 : i32, i32
  }
  func.func @transform_3(%arg0: i32) -> (i32, i32) {
    %c0_i32 = arith.constant 0 : i32
    %c0_i32_0 = arith.constant 0 : i32
    return %arg0, %c0_i32 : i32, i32
  }
  func.func @transform_4(%arg0: i32) -> (i32, i32) {
    %c0_i32 = arith.constant 0 : i32
    %c0_i32_0 = arith.constant 0 : i32
    return %arg0, %c0_i32 : i32, i32
  }
  func.func @transform_5(%arg0: i32) -> (i32, i32) {
    %c0_i32 = arith.constant 0 : i32
    %c0_i32_0 = arith.constant 0 : i32
    %c0_i32_1 = arith.constant 0 : i32
    return %c0_i32, %c0_i32_0 : i32, i32
  }
  func.func @transform_6(%arg0: i32) -> (i32, i32) {
    %c0_i32 = arith.constant 0 : i32
    %c0_i32_0 = arith.constant 0 : i32
    %c0_i32_1 = arith.constant 0 : i32
    return %c0_i32, %c0_i32_0 : i32, i32
  }
  func.func @transform_7(%arg0: i32) -> (i32, i32) {
    %c0_i32 = arith.constant 0 : i32
    %c0_i32_0 = arith.constant 0 : i32
    %c0_i32_1 = arith.constant 0 : i32
    return %c0_i32, %c0_i32_0 : i32, i32
  }
  func.func @transform_8(%arg0: i32) -> (i32, i32) {
    %c0_i32 = arith.constant 0 : i32
    %c0_i32_0 = arith.constant 0 : i32
    %c0_i32_1 = arith.constant 0 : i32
    return %c0_i32, %c0_i32_0 : i32, i32
  }
  func.func @transform_9(%arg0: i32) -> (i32, i32) {
    %c0_i32 = arith.constant 0 : i32
    %c0_i32_0 = arith.constant 0 : i32
    %c0_i32_1 = arith.constant 0 : i32
    return %c0_i32, %c0_i32_0 : i32, i32
  }
  func.func @transform_10(%arg0: i32) -> (i32, i32) {
    %c0_i32 = arith.constant 0 : i32
    %c0_i32_0 = arith.constant 0 : i32
    %c0_i32_1 = arith.constant 0 : i32
    return %c0_i32, %c0_i32_0 : i32, i32
  }
  func.func @transform_11(%arg0: i32) -> (i32, i32) {
    %c0_i32 = arith.constant 0 : i32
    %c0_i32_0 = arith.constant 0 : i32
    %c0_i32_1 = arith.constant 0 : i32
    return %c0_i32, %c0_i32_0 : i32, i32
  }
  func.func @transform_12(%arg0: i32) -> (i32, i32) {
    %c0_i32 = arith.constant 0 : i32
    %c0_i32_0 = arith.constant 0 : i32
    %c0_i32_1 = arith.constant 0 : i32
    return %c0_i32, %c0_i32_0 : i32, i32
  }
  func.func @transform_13(%arg0: i32) -> (i32, i32) {
    %c0_i32 = arith.constant 0 : i32
    %c0_i32_0 = arith.constant 0 : i32
    %c0_i32_1 = arith.constant 0 : i32
    return %c0_i32, %c0_i32_0 : i32, i32
  }
  func.func @transform_14(%arg0: i32) -> (i32, i32) {
    %c0_i32 = arith.constant 0 : i32
    %c0_i32_0 = arith.constant 0 : i32
    %c0_i32_1 = arith.constant 0 : i32
    return %c0_i32, %c0_i32_0 : i32, i32
  }
  func.func @transform_15(%arg0: i32) -> (i32, i32) {
    %c0_i32 = arith.constant 0 : i32
    %c0_i32_0 = arith.constant 0 : i32
    %c0_i32_1 = arith.constant 0 : i32
    return %c0_i32, %c0_i32_0 : i32, i32
  }
  func.func @transform_16(%arg0: i32) -> (i32, i32) {
    %c0_i32 = arith.constant 0 : i32
    %c0_i32_0 = arith.constant 0 : i32
    %c0_i32_1 = arith.constant 0 : i32
    return %c0_i32, %c0_i32_0 : i32, i32
  }
  func.func @transform_17(%arg0: i32) -> (i32, i32) {
    %c0_i32 = arith.constant 0 : i32
    %c0_i32_0 = arith.constant 0 : i32
    %c0_i32_1 = arith.constant 0 : i32
    return %c0_i32, %c0_i32_0 : i32, i32
  }
  func.func @transform_18(%arg0: i32) -> (i32, i32) {
    %c0_i32 = arith.constant 0 : i32
    %c0_i32_0 = arith.constant 0 : i32
    %c0_i32_1 = arith.constant 0 : i32
    return %c0_i32, %c0_i32_0 : i32, i32
  }
  func.func @transform_19(%arg0: i32) -> (i32, i32) {
    %c0_i32 = arith.constant 0 : i32
    %c0_i32_0 = arith.constant 0 : i32
    return %arg0, %c0_i32 : i32, i32
  }
}

module attributes {stable_mosaic.version = 14 : i64} {
  func.func @body(%arg0: i32, %arg1: memref<1x2000x512xf32, #tpu.memory_space<vmem>>, %arg2: memref<1x2000x512xf32, #tpu.memory_space<vmem>>, %arg3: memref<2000x512xf32, #tpu.memory_space<vmem>>, %arg4: memref<128x128xf32, #tpu.memory_space<vmem>>, %arg5: memref<1x128xf32, #tpu.memory_space<vmem>>, %arg6: memref<128x128xf32, #tpu.memory_space<vmem>>, %arg7: memref<128x128xf32, #tpu.memory_space<vmem>>, %arg8: memref<128x128xf32, #tpu.memory_space<vmem>>, %arg9: memref<2000x128xf32, #tpu.memory_space<vmem>>, %arg10: memref<2000x384xf32, #tpu.memory_space<vmem>>) attributes {dimension_semantics = [#tpu.dimension_semantics<arbitrary>], iteration_bounds = array<i64: 5>, scalar_prefetch = 0 : i64, scratch_operands = 0 : i64, tpu.core_type = #tpu.core_type<tc>, window_params = [{transform_indices = @transform_0, window_bounds = array<i64: 1, 2000, 512>}, {transform_indices = @transform_1, window_bounds = array<i64: 1, 2000, 512>}, {transform_indices = @transform_2, window_bounds = array<i64: 2000, 512>}, {pipeline_mode = #tpu.pipeline_mode<synchronous>, transform_indices = @transform_3, window_bounds = array<i64: 128, 128>}, {pipeline_mode = #tpu.pipeline_mode<synchronous>, transform_indices = @transform_4, window_bounds = array<i64: 1, 128>}, {pipeline_mode = #tpu.pipeline_mode<synchronous>, transform_indices = @transform_5, window_bounds = array<i64: 128, 128>}, {pipeline_mode = #tpu.pipeline_mode<synchronous>, transform_indices = @transform_6, window_bounds = array<i64: 128, 128>}, {pipeline_mode = #tpu.pipeline_mode<synchronous>, transform_indices = @transform_7, window_bounds = array<i64: 128, 128>}, {transform_indices = @transform_8, window_bounds = array<i64: 2000, 128>}, {transform_indices = @transform_9, window_bounds = array<i64: 2000, 384>}]} {
    %get3A = arith.constant 0 : index
    %get3A_0 = arith.constant 0 : index
    %get3A_1 = arith.constant 0 : index
    %get3A_2 = vector.load %arg1[%get3A, %get3A_0, %get3A_1] : memref<1x2000x512xf32, #tpu.memory_space<vmem>>, vector<1x2000x512xf32>
    %get3A_3 = vector.shape_cast %get3A_2 : vector<1x2000x512xf32> to vector<2000x512xf32>
    %get3A_4 = arith.constant 0 : index
    %get3A_5 = arith.constant 0 : index
    %get3A_6 = arith.constant 0 : index
    %get3A_7 = vector.load %arg2[%get3A_4, %get3A_5, %get3A_6] : memref<1x2000x512xf32, #tpu.memory_space<vmem>>, vector<1x2000x512xf32>
    %get3A_8 = vector.shape_cast %get3A_7 : vector<1x2000x512xf32> to vector<2000x512xf32>
    %add3A = arith.addf %get3A_3, %get3A_8 : vector<2000x512xf32>
    %mul3A = arith.constant 6.250000e-02 : f32
    %mul3A_9 = vector.broadcast %mul3A : f32 to vector<2000x512xf32>
    %mul3A_10 = arith.mulf %add3A, %mul3A_9 : vector<2000x512xf32>
    %get3A_11 = arith.constant 0 : index
    %get3A_12 = arith.constant 0 : index
    %get3A_13 = vector.load %arg3[%get3A_11, %get3A_12] : memref<2000x512xf32, #tpu.memory_space<vmem>>, vector<2000x512xf32>
    %slice3A = vector.extract_strided_slice %mul3A_10 {offsets = [0, 0], sizes = [2000, 128], strides = [1, 1]} : vector<2000x512xf32> to vector<2000x128xf32>
    %get3A_14 = arith.constant 0 : index
    %get3A_15 = arith.constant 0 : index
    %get3A_16 = vector.load %arg4[%get3A_14, %get3A_15] : memref<128x128xf32, #tpu.memory_space<vmem>>, vector<128x128xf32>
    %dot_general3A = arith.constant dense<0.000000e+00> : vector<2000x128xf32>
    %dot_general3A_17 = tpu.matmul %slice3A, %get3A_16, %dot_general3A {dimension_numbers = #tpu.dot_dimension_numbers<[1], [0], [0], [1], [0, 0, 1, 1], [], []>, transpose_lhs_hint = false} : vector<2000x128xf32>, vector<128x128xf32>, vector<2000x128xf32> -> vector<2000x128xf32>
    %get3A_18 = arith.constant 0 : index
    %get3A_19 = arith.constant 0 : index
    %get3A_20 = vector.load %arg5[%get3A_18, %get3A_19] : memref<1x128xf32, #tpu.memory_space<vmem>>, vector<1x128xf32>
    %add3A_21 = vector.broadcast %get3A_20 : vector<1x128xf32> to vector<2000x128xf32>
    %add3A_22 = arith.addf %dot_general3A_17, %add3A_21 : vector<2000x128xf32>
    %slice3A_23 = vector.extract_strided_slice %get3A_13 {offsets = [0, 0], sizes = [2000, 128], strides = [1, 1]} : vector<2000x512xf32> to vector<2000x128xf32>
    %get3A_24 = arith.constant 0 : index
    %get3A_25 = arith.constant 0 : index
    %get3A_26 = vector.load %arg7[%get3A_24, %get3A_25] : memref<128x128xf32, #tpu.memory_space<vmem>>, vector<128x128xf32>
    %dot_general3A_27 = arith.constant dense<0.000000e+00> : vector<2000x128xf32>
    %dot_general3A_28 = tpu.matmul %slice3A_23, %get3A_26, %dot_general3A_27 {dimension_numbers = #tpu.dot_dimension_numbers<[1], [0], [0], [1], [0, 0, 1, 1], [], []>, transpose_lhs_hint = false} : vector<2000x128xf32>, vector<128x128xf32>, vector<2000x128xf32> -> vector<2000x128xf32>
    %add3A_29 = arith.addf %add3A_22, %dot_general3A_28 : vector<2000x128xf32>
    %swap3A = arith.constant 0 : index
    %swap3A_30 = arith.constant 0 : index
    %swap3A_31 = vector.load %arg9[%swap3A, %swap3A_30] : memref<2000x128xf32, #tpu.memory_space<vmem>>, vector<2000x128xf32>
    tpu.vector_store %arg9[%swap3A, %swap3A_30], %add3A_29 {strides = array<i32>} : memref<2000x128xf32, #tpu.memory_space<vmem>>, vector<2000x128xf32>,
    %slice3A_32 = vector.extract_strided_slice %mul3A_10 {offsets = [0, 128], sizes = [2000, 128], strides = [1, 1]} : vector<2000x512xf32> to vector<2000x128xf32>
    %get3A_33 = arith.constant 0 : index
    %get3A_34 = arith.constant 0 : index
    %get3A_35 = vector.load %arg6[%get3A_33, %get3A_34] : memref<128x128xf32, #tpu.memory_space<vmem>>, vector<128x128xf32>
    %dot_general3A_36 = arith.constant dense<0.000000e+00> : vector<2000x128xf32>
    %dot_general3A_37 = tpu.matmul %slice3A_32, %get3A_35, %dot_general3A_36 {dimension_numbers = #tpu.dot_dimension_numbers<[1], [0], [0], [1], [0, 0, 1, 1], [], []>, transpose_lhs_hint = false} : vector<2000x128xf32>, vector<128x128xf32>, vector<2000x128xf32> -> vector<2000x128xf32>
    %slice3A_38 = vector.extract_strided_slice %get3A_13 {offsets = [0, 128], sizes = [2000, 128], strides = [1, 1]} : vector<2000x512xf32> to vector<2000x128xf32>
    %get3A_39 = arith.constant 0 : index
    %get3A_40 = arith.constant 0 : index
    %get3A_41 = vector.load %arg8[%get3A_39, %get3A_40] : memref<128x128xf32, #tpu.memory_space<vmem>>, vector<128x128xf32>
    %dot_general3A_42 = arith.constant dense<0.000000e+00> : vector<2000x128xf32>
    %dot_general3A_43 = tpu.matmul %slice3A_38, %get3A_41, %dot_general3A_42 {dimension_numbers = #tpu.dot_dimension_numbers<[1], [0], [0], [1], [0, 0, 1, 1], [], []>, transpose_lhs_hint = false} : vector<2000x128xf32>, vector<128x128xf32>, vector<2000x128xf32> -> vector<2000x128xf32>
    %add3A_44 = arith.addf %dot_general3A_37, %dot_general3A_43 : vector<2000x128xf32>
    %slice3A_45 = vector.extract_strided_slice %mul3A_10 {offsets = [0, 256], sizes = [2000, 128], strides = [1, 1]} : vector<2000x512xf32> to vector<2000x128xf32>
    %get3A_46 = arith.constant 0 : index
    %get3A_47 = arith.constant 0 : index
    %get3A_48 = vector.load %arg6[%get3A_46, %get3A_47] : memref<128x128xf32, #tpu.memory_space<vmem>>, vector<128x128xf32>
    %dot_general3A_49 = arith.constant dense<0.000000e+00> : vector<2000x128xf32>
    %dot_general3A_50 = tpu.matmul %slice3A_45, %get3A_48, %dot_general3A_49 {dimension_numbers = #tpu.dot_dimension_numbers<[1], [0], [0], [1], [0, 0, 1, 1], [], []>, transpose_lhs_hint = false} : vector<2000x128xf32>, vector<128x128xf32>, vector<2000x128xf32> -> vector<2000x128xf32>
    %slice3A_51 = vector.extract_strided_slice %get3A_13 {offsets = [0, 256], sizes = [2000, 128], strides = [1, 1]} : vector<2000x512xf32> to vector<2000x128xf32>
    %get3A_52 = arith.constant 0 : index
    %get3A_53 = arith.constant 0 : index
    %get3A_54 = vector.load %arg8[%get3A_52, %get3A_53] : memref<128x128xf32, #tpu.memory_space<vmem>>, vector<128x128xf32>
    %dot_general3A_55 = arith.constant dense<0.000000e+00> : vector<2000x128xf32>
    %dot_general3A_56 = tpu.matmul %slice3A_51, %get3A_54, %dot_general3A_55 {dimension_numbers = #tpu.dot_dimension_numbers<[1], [0], [0], [1], [0, 0, 1, 1], [], []>, transpose_lhs_hint = false} : vector<2000x128xf32>, vector<128x128xf32>, vector<2000x128xf32> -> vector<2000x128xf32>
    %add3A_57 = arith.addf %dot_general3A_50, %dot_general3A_56 : vector<2000x128xf32>
    %slice3A_58 = vector.extract_strided_slice %mul3A_10 {offsets = [0, 384], sizes = [2000, 128], strides = [1, 1]} : vector<2000x512xf32> to vector<2000x128xf32>
    %get3A_59 = arith.constant 0 : index
    %get3A_60 = arith.constant 0 : index
    %get3A_61 = vector.load %arg6[%get3A_59, %get3A_60] : memref<128x128xf32, #tpu.memory_space<vmem>>, vector<128x128xf32>
    %dot_general3A_62 = arith.constant dense<0.000000e+00> : vector<2000x128xf32>
    %dot_general3A_63 = tpu.matmul %slice3A_58, %get3A_61, %dot_general3A_62 {dimension_numbers = #tpu.dot_dimension_numbers<[1], [0], [0], [1], [0, 0, 1, 1], [], []>, transpose_lhs_hint = false} : vector<2000x128xf32>, vector<128x128xf32>, vector<2000x128xf32> -> vector<2000x128xf32>
    %slice3A_64 = vector.extract_strided_slice %get3A_13 {offsets = [0, 384], sizes = [2000, 128], strides = [1, 1]} : vector<2000x512xf32> to vector<2000x128xf32>
    %get3A_65 = arith.constant 0 : index
    %get3A_66 = arith.constant 0 : index
    %get3A_67 = vector.load %arg8[%get3A_65, %get3A_66] : memref<128x128xf32, #tpu.memory_space<vmem>>, vector<128x128xf32>
    %dot_general3A_68 = arith.constant dense<0.000000e+00> : vector<2000x128xf32>
    %dot_general3A_69 = tpu.matmul %slice3A_64, %get3A_67, %dot_general3A_68 {dimension_numbers = #tpu.dot_dimension_numbers<[1], [0], [0], [1], [0, 0, 1, 1], [], []>, transpose_lhs_hint = false} : vector<2000x128xf32>, vector<128x128xf32>, vector<2000x128xf32> -> vector<2000x128xf32>
    %add3A_70 = arith.addf %dot_general3A_63, %dot_general3A_69 : vector<2000x128xf32>
    %concatenate3A = tpu.concatenate %add3A_44, %add3A_57, %add3A_70 in 1 : vector<2000x128xf32>, vector<2000x128xf32>, vector<2000x128xf32> -> vector<2000x384xf32>
    %swap3A_71 = arith.constant 0 : index
    %swap3A_72 = arith.constant 0 : index
    %swap3A_73 = vector.load %arg10[%swap3A_71, %swap3A_72] : memref<2000x384xf32, #tpu.memory_space<vmem>>, vector<2000x384xf32>
    tpu.vector_store %arg10[%swap3A_71, %swap3A_72], %concatenate3A {strides = array<i32>} : memref<2000x384xf32, #tpu.memory_space<vmem>>, vector<2000x384xf32>,
    return
  }
  func.func @transform_0(%arg0: i32) -> (i32, i32, i32) {
    %c0_i32 = arith.constant 0 : i32
    %c0_i32_0 = arith.constant 0 : i32
    %c0_i32_1 = arith.constant 0 : i32
    return %c0_i32, %arg0, %c0_i32_0 : i32, i32, i32
  }
  func.func @transform_1(%arg0: i32) -> (i32, i32, i32) {
    %c1_i32 = arith.constant 1 : i32
    %c0_i32 = arith.constant 0 : i32
    %c0_i32_0 = arith.constant 0 : i32
    return %c1_i32, %arg0, %c0_i32 : i32, i32, i32
  }
  func.func @transform_2(%arg0: i32) -> (i32, i32) {
    %c0_i32 = arith.constant 0 : i32
    %c0_i32_0 = arith.constant 0 : i32
    return %arg0, %c0_i32 : i32, i32
  }
  func.func @transform_3(%arg0: i32) -> (i32, i32) {
    %c0_i32 = arith.constant 0 : i32
    %c0_i32_0 = arith.constant 0 : i32
    %c0_i32_1 = arith.constant 0 : i32
    return %c0_i32, %c0_i32_0 : i32, i32
  }
  func.func @transform_4(%arg0: i32) -> (i32, i32) {
    %c0_i32 = arith.constant 0 : i32
    %c0_i32_0 = arith.constant 0 : i32
    %c0_i32_1 = arith.constant 0 : i32
    return %c0_i32, %c0_i32_0 : i32, i32
  }
  func.func @transform_5(%arg0: i32) -> (i32, i32) {
    %c0_i32 = arith.constant 0 : i32
    %c0_i32_0 = arith.constant 0 : i32
    %c0_i32_1 = arith.constant 0 : i32
    return %c0_i32, %c0_i32_0 : i32, i32
  }
  func.func @transform_6(%arg0: i32) -> (i32, i32) {
    %c0_i32 = arith.constant 0 : i32
    %c0_i32_0 = arith.constant 0 : i32
    %c0_i32_1 = arith.constant 0 : i32
    return %c0_i32, %c0_i32_0 : i32, i32
  }
  func.func @transform_7(%arg0: i32) -> (i32, i32) {
    %c0_i32 = arith.constant 0 : i32
    %c0_i32_0 = arith.constant 0 : i32
    %c0_i32_1 = arith.constant 0 : i32
    return %c0_i32, %c0_i32_0 : i32, i32
  }
  func.func @transform_8(%arg0: i32) -> (i32, i32) {
    %c0_i32 = arith.constant 0 : i32
    %c0_i32_0 = arith.constant 0 : i32
    return %arg0, %c0_i32 : i32, i32
  }
  func.func @transform_9(%arg0: i32) -> (i32, i32) {
    %c0_i32 = arith.constant 0 : i32
    %c0_i32_0 = arith.constant 0 : i32
    return %arg0, %c0_i32 : i32, i32
  }
}

</mosaic_0001>

<sc_bundles>
// kernel: kernel.6.cloned.1.call-start
scs
__scs_entry_jumppad:
0x0: {  	(pc) =	sbr.rel $0x88, $3  }
0x1: {  	(tag) =	ssettag $0x0;
	lr =	simm.s32 $0x1  }
0x2: {  	[smem:$0x3F87] =	sst lr;
	_ =	strace $0xD0000000  }
0x3: {  	_ = 	snop  }
0x4: {  	_ = 	snop  }
0x5: {  	_ = 	snop  }
0x6: {  	_ = 	snop  }
0x7: {  	_ = 	snop  }
__scs_overlays_trampoline_lowered:
0x8: {  	[smem:$0x3F96] =	sst s0  }
0x9: {  	[smem:$0x3F97] =	sst s1  }
0xa: {  	[smem:$0x3F98] =	sst s2  }
0xb: {  	[smem:$0x3F99] =	sst s3  }
0xc: {  	[smem:$0x3F9A] =	sst s4  }
0xd: {  	[smem:$0x3F9B] =	sst s5  }
0xe: {  	[smem:$0x3F9C] =	sst s6  }
0xf: {  	[smem:$0x3F9D] =	sst s7  }
0x10: {  	[smem:$0x3F9E] =	sst s8  }
0x11: {  	[smem:$0x3F9F] =	sst s9;
	s0 =	simm.s32 @!p0 $0x0  }
0x12: {  	s1 =	sld [smem:$0x3F85];
	s0 =	simm.s32 @p0 $0x1  }
0x13: {  	[smem:$0x3FA0] =	sst s0;
	s0 =	simm.s32 @!p1 $0x0  }
0x14: {  	s2 =	sld [smem:$0x3F84];
	s0 =	simm.s32 @p1 $0x1  }
0x15: {  	[smem:$0x3FA1] =	sst s0;
	s0 =	simm.s32 @!p2 $0x0  }
0x16: {  	s3 =	sld [smem:$0x3FDB];
	s0 =	simm.s32 @p2 $0x1  }
0x17: {  	s4 =	simm.s32 $0x1BF5;
	[smem:$0x3FA3] =	sst s0  }
0x18: {  	s0 =	sld [smem:$0x3F86];
	_ =	swait.ge [sflag:s4], $0x0  }
0x19: {  	s7 =	sld [smem:$0x3F87]  }
0x1a: {  	s8 =	sadd.s32 $0xFFFFE003, lr  }
0x1b: {  	s9 =	sadd.s32 $0xFFFFFEF7, lr;
	s5 =	simm.s32 $0xFFFFFFFF;
	p2 =	slt.u32 s8, $0xFFFFF086  }
0x1c: {  	p1 =	slt.u32 s9, $0xF7A;
	s5 =	simm.s32 @!p2 $0x0  }
0x1d: {  	s5 =	simm.s32 @p1 $0x1;
	p0 =	seq.s32 s7, s2  }
0x1e: {  	s7 =	smul.u32 @!p0 $0xF7A, s2;
	p2 =	seq.s32 @!p0 s5, $0x0  }
0x1f: {  	s9 =	smul.u32 $0xF7A, s1;
	s8 =	simm.s32 @!p0 $0x1BF5;
	p2 =	por !p2, p0  }
0x20: {  	[sflag:s8] =	ssyncset.s32 @!p0 $0xFFFFF086;
	s6 =	sadd.s32 @!p0 s3, s7;
	s7 =	simm.s32 @!p0 $0x108  }
0x21: {  	s3 =	sadd.s32 s3, s9;
	s6 =	sadd.s32 @!p0 $0x88, s6;
	s7 =	simm.s32 @p2 $0x1082  }
0x22: {  	[simem:s7], [sflag:s8] =	dma.local @!p0 [hbm:s6], $0xF7A  }
0x23: {  	s9 =	sor.u32 $0xD0000000, s2;
	s6 =	simm.s32 $0x108;
	_ =	swait.ge @!p0 [sflag:s8], $0x0  }
0x24: {  	s3 =	sadd.s32 $0x88, s3;
	s6 =	simm.s32 @!p1 $0x1082;
	[sflag:s4] =	ssyncset.s32 $0xFFFFF086  }
0x25: {  	[simem:s6], [sflag:s4] =	dma.local [hbm:s3], $0xF7A  }
0x26: {  	[smem:$0x3F87] =	sst s1;
	(tag) =	ssettag s2;
	_ =	strace s9  }
0x27: {  	s1 =	sld [smem:$0x3F97]  }
0x28: {  	s2 =	sld [smem:$0x3F98]  }
0x29: {  	s4 =	sld [smem:$0x3F9A]  }
0x2a: {  	p0 =	seq.s32 s5, $0x0;
	s5 =	sld [smem:$0x3F9B]  }
0x2b: {  	s6 =	sld [smem:$0x3F9C]  }
0x2c: {  	s7 =	sld [smem:$0x3F9D]  }
0x2d: {  	s3 =	simm.s32 $0x108;
	s8 =	sld [smem:$0x3F9E]  }
0x2e: {  	s3 =	simm.s32 @!p0 $0x1082;
	s9 =	sld [smem:$0x3F9F]  }
0x2f: {  	lr =	sadd.s32 s0, s3;
	s0 =	sld [smem:$0x3F96]  }
0x30: {  	s3 =	sld [smem:$0x3F99]  }
0x31: {  	[smem:$0x3FA2] =	sst s10  }
0x32: {  	s10 =	sld [smem:$0x3FA0];
	_ =	sdelay $0x3  }
0x33: {  	p0 =	seq.s32 s10, $0x1;
	s10 =	sld [smem:$0x3FA2];
	_ =	sdelay $0x3  }
0x34: {  	[smem:$0x3FA2] =	sst s10  }
0x35: {  	s10 =	sld [smem:$0x3FA1];
	_ =	sdelay $0x3  }
0x36: {  	p1 =	seq.s32 s10, $0x1;
	s10 =	sld [smem:$0x3FA2];
	_ =	sdelay $0x3  }
0x37: {  	[smem:$0x3FA2] =	sst s10  }
0x38: {  	s10 =	sld [smem:$0x3FA3]  }
0x39: {  	_ = 	snop;
	(pc) =	sbr.ind lr, $3  }
0x3a: {  	_ = 	snop  }
0x3b: {  	_ = 	snop  }
0x3c: {  	p2 =	seq.s32 s10, $0x1;
	s10 =	sld [smem:$0x3FA2]  }
0x3d: {  	_ =	shalt  }
0x3e: {  	_ =	shalt  }
0x3f: {  	_ =	shalt  }
0x40: {  	_ =	shalt  }
0x41: {  	_ =	shalt  }
0x42: {  	_ =	shalt  }
0x43: {  	_ =	shalt  }
0x44: {  	_ =	shalt  }
0x45: {  	_ =	shalt  }
0x46: {  	_ =	shalt  }
0x47: {  	_ =	shalt  }
0x48: {  	_ =	shalt  }
0x49: {  	_ =	shalt  }
0x4a: {  	_ =	shalt  }
0x4b: {  	_ =	shalt  }
0x4c: {  	_ =	shalt  }
0x4d: {  	_ =	shalt  }
0x4e: {  	_ =	shalt  }
0x4f: {  	_ =	shalt  }
0x50: {  	_ =	shalt  }
0x51: {  	_ =	shalt  }
0x52: {  	_ =	shalt  }
0x53: {  	_ =	shalt  }
0x54: {  	_ =	shalt  }
0x55: {  	_ =	shalt  }
0x56: {  	_ =	shalt  }
0x57: {  	_ =	shalt  }
0x58: {  	_ =	shalt  }
0x59: {  	_ =	shalt  }
0x5a: {  	_ =	shalt  }
0x5b: {  	_ =	shalt  }
0x5c: {  	_ =	shalt  }
0x5d: {  	_ =	shalt  }
0x5e: {  	_ =	shalt  }
0x5f: {  	_ =	shalt  }
0x60: {  	_ =	shalt  }
0x61: {  	_ =	shalt  }
0x62: {  	_ =	shalt  }
0x63: {  	_ =	shalt  }
0x64: {  	_ =	shalt  }
0x65: {  	_ =	shalt  }
0x66: {  	_ =	shalt  }
0x67: {  	_ =	shalt  }
0x68: {  	_ =	shalt  }
0x69: {  	_ =	shalt  }
0x6a: {  	_ =	shalt  }
0x6b: {  	_ =	shalt  }
0x6c: {  	_ =	shalt  }
0x6d: {  	_ =	shalt  }
0x6e: {  	_ =	shalt  }
0x6f: {  	_ =	shalt  }
0x70: {  	_ =	shalt  }
0x71: {  	_ =	shalt  }
0x72: {  	_ =	shalt  }
0x73: {  	_ =	shalt  }
0x74: {  	_ =	shalt  }
0x75: {  	_ =	shalt  }
0x76: {  	_ =	shalt  }
0x77: {  	_ =	shalt  }
0x78: {  	_ =	shalt  }
0x79: {  	_ =	shalt  }
0x7a: {  	_ =	shalt  }
0x7b: {  	_ =	shalt  }
0x7c: {  	_ =	shalt  }
0x7d: {  	_ =	shalt  }
0x7e: {  	_ =	shalt  }
0x7f: {  	_ =	shalt  }
0x80: {  	_ =	shalt  }
0x81: {  	_ =	shalt  }
0x82: {  	_ =	shalt  }
0x83: {  	_ =	shalt  }
0x84: {  	_ =	shalt  }
0x85: {  	_ =	shalt  }
0x86: {  	_ =	shalt  }
0x87: {  	_ =	shalt  }
.Lfunc_end0:
.L_simem_size_0:
called_computation_lowered:
.L_overlay_start_0:
0x88: {  	s2 =	sld [smem:$0x3FD9]  }
0x89: {  	s3 =	sld [smem:$0x3FFE];
	_ =	sdelay $0x1  }
0x8a: {  	s1 =	srdreg.scid  }
0x8b: {  	s0 =	sand.u32 $0x1, s1  }
0x8c: {  	s14 =	sshll.u32 s0, $0xA;
	s2 =	sadd.s32 s3, s2  }
0x8d: {  	s2 =	sadd.s32 s2, s14  }
0x8e: {  	[smem:$0x3FAE] =	sst s2  }
0x8f: {  	_ = 	snop  }
0x90: {  	s2 =	sld [smem:$0x3FD0];
	_ =	sdelay $0x2  }
0x91: {  	s15 =	simm.s32 $0xA;
	s4 =	simm.s32 $0x10  }
0x92: {  	[smem:s4], [sflag:s15] =	dma.local [hbm:s2], $0x1  }
0x93: {  	_ =	swait.eq [sflag:s15], $0x1  }
0x94: {  	[sflag:s15] =	ssyncset.done $0x0  }
0x95: {  	[sflag:s15] =	ssyncadd.s32 $0xFFFFFFFF  }
0x96: {  	s16 =	sld [smem:$0x10];
	(tm) =	ssettm $0x1  }
0x97: {  	s17 =	sld [smem:$0x3FFB];
	_ =	sdelay $0x3  }
0x98: {  	_ =	strace s17  }
0x99: {  	s3 =	sld [smem:$0x3FFC];
	_ =	sdelay $0x3  }
0x9a: {  	_ =	strace s3  }
0x9b: {  	s3 =	sld [smem:$0x3FFD];
	_ =	sdelay $0x3  }
0x9c: {  	_ =	strace s3  }
0x9d: {  	_ =	strace $0x8FFFFFFF  }
0x9e: {  	s18 =	sld [smem:$0x3FDB];
	_ =	sdelay $0x1  }
0x9f: {  	s19 =	simm.s32 $_scs_section_size  }
0xa0: {  	s5 =	simm.s32 $_size__tile_overlayer_lowered;
	s6 =	simm.s32 $_tile_overlayer_lowered  }
0xa1: {  	s22 =	simm.s32 $0x1BFF;
	s21 =	sshll.u32 s6, $0x1;
	s3 =	sadd.s32 s19, s18  }
0xa2: {  	s7 =	simm.s32 $0x0;
	s20 =	sshll.u32 s5, $0x1;
	s5 =	sadd.s32 s21, s3  }
0xa3: {  	[timem:s7], [sflag:s22] =	dma.local [hbm:s5], s20  }
0xa4: {  	_ =	swait.ge [sflag:s22], s20  }
0xa5: {  	s4 =	ssub.s32 $0x0, s20;
	[sflag:s22] =	ssyncset.done $0x0  }
0xa6: {  	[sflag:s22] =	ssyncadd.s32 s4;
	_ =	sdelay $0x1  }
0xa7: {  	s23 =	simm.s32 $0x1B8B  }
0xa8: {  	_ =	swait.ge [sflag:s23], $0x1  }
0xa9: {  	[sflag:s23] =	ssyncset.done $0x0  }
0xaa: {  	s25 =	simm.s32 $0x1B8E;
	s24 =	sld [smem:$0x3FFE];
	[sflag:s23] =	ssyncadd.s32 $0xFFFFFFFF  }
0xab: {  	s26 =	simm.s32 $execute0_lowered;
	[smem:$0x3FD2] =	sst s25  }
0xac: {  	s5 =	sshll.u32 s26, $0x1;
	_ =	strace $0x80000046;
	[dreg:$0x1] =	wrdreg $0xFFFFFFFF  }
0xad: {  	s28 =	simm.s32 $_size_execute0_lowered;
	s3 =	sadd.s32 s3, s5;
	[dreg:$0x0] =	wrdreg $0x0  }
0xae: {  	s5 =	sshll.u32 s28, $0x1;
	[dreg:$0x2] =	wrdreg s3  }
0xaf: {  	[dreg:$0x3] =	wrdreg s5  }
0xb0: {  	[dreg:$0x4] =	wrdreg $0xC0  }
0xb1: {  	_ =	task [dreg:s7], $0x5FFFF  }
0xb2: {  	[dreg:$0x1] =	wrdreg $0xFFFFFFFF  }
0xb3: {  	[dreg:$0x0] =	wrdreg $0x60  }
0xb4: {  	[dreg:$0x2] =	wrdreg s24  }
0xb5: {  	[dreg:$0x3] =	wrdreg s16  }
0xb6: {  	[dreg:$0x4] =	wrdreg $0x9  }
0xb7: {  	_ =	task.clear_ibuf [dreg:s7], $0x5FFFF;
	_ =	strace $0x90000046  }
0xb8: {  	s29 =	simm.s32 $0x9;
	_ =	strace $0x80000048  }
0xb9: {  	_ =	swait.ge [sflag:s29], $0x1  }
0xba: {  	[sflag:s29] =	ssyncadd.s32 $0xFFFFFFFF  }
0xbb: {  	_ =	strace $0x90000048  }
0xbc: {  	_ =	sfence  }
0xbd: {  	s30 =	sld [smem:$0x0];
	_ =	sdelay $0x2  }
0xbe: {  	s31 =	sshll.u32 s1, $0xD;
	s1 =	sshrl.u32 s1, $0x2  }
0xbf: {  	s3 =	sand.u32 $0x4000, s31;
	s1 =	sadd.s32 s1, s30  }
0xc0: {  	s0 =	sor.u32 s3, s0;
	s1 =	sshll.u32 s1, $0x11  }
0xc1: {  	s0 =	sor.u32 s1, s0  }
0xc2: {  	s0 =	sadd.s32 $0x8F2B, s0  }
0xc3: {  	[sflag:s0] =	ssyncadd.remote.s32 $0x1  }
0xc4: {  	_ =	sfence.sel $0xFFFF  }
0xc5: {  	[dreg:$0x0] =	wrdreg $0xFFFFFFFF;
	(pc) =	sbr.abs _section_cstart, $3  }
0xc6: {  	[dreg:$0x1] =	wrdreg $0xFFFFFFFF  }
0xc7: {  	_ =	task.clear_ibuf [dreg:s7], $0x2FFFF;
	_ =	strace $0x9FFFFFFF  }
0xc8: {  	(tm) =	ssettm $0x7FFFFFFF  }
0xc9: {  	_ =	shalt  }
tec
execute0_lowered:
.L_overlay_start_1:
0x0: {  	(tag) =	ssettag $0x1  }
0x1: {  	s0 =	rddreg [dreg:$0x0]  }
0x2: {  	s1 =	rddreg [dreg:$0x1];
	s2 =	simm.s32 $0x0;
	s3 =	srdreg.scid  }
0x3: {  	s9 =	stileid.u32;
	s15 =	simm.s32 $0x100;
	s31 =	simm.s32 $0x7900  }
0x4: {  	s11 =	simm.s32 $0xA100;
	s12 =	simm.s32 $0xA900;
	s13 =	simm.s32 $0xB100  }
0x5: {  	s14 =	simm.s32 $0xC900;
	s16 =	simm.s32 $0xD100;
	s17 =	simm.s32 $0xD900  }
0x6: {  	s28 =	simm.s32 $0x0;
	[smem:$0x7FF] =	sst s2;
	s4 =	sand.u32 $0x1, s3  }
0x7: {  	s5 =	sshll.u32 s9, $0x1;
	s3 =	sadd.s32 $0x4A00, s0;
	s0 =	sadd.s32 $0x52C00, s0  }
0x8: {  	s25 =	sshll.u32 s9, $0x5;
	s29 =	sshll.u32 s9, $0xD;
	s9 =	simm.s32 $0x9100  }
0x9: {  	_ =	strace $0x80000047;
	s6 =	ssub.s32 $0x2, s4;
	s5 =	sor.u32 s4, s5  }
0xa: {  	s26 =	sshll.u32 s4, $0x4;
	s4 =	sshll.u32 s4, $0xC;
	s7 =	sshrl.u32 s6, $0x1  }
0xb: {  	s8 =	sshll.u32 s5, $0x4;
	s18 =	sshll.u32 s5, $0x7;
	s5 =	sshll.u32 s5, $0xC  }
0xc: {  	s6 =	ssub.s32 s6, s7;
	s8 =	sadd.s32 s1, s8;
	s7 =	sor.u32 $0x4F000, s18  }
0xd: {  	s19 =	sadd.s32 s0, s5;
	s18 =	simm.s32 $0xE100;
	s10 =	sadd.s32 $0x200, s8  }
0xe: {  	[dreg:$0x4] =	wrdreg s8;
	s20 =	sadd.s32 $0x400, s8;
	s21 =	sshrl.u32 s7, $0x3  }
0xf: {  	s22 =	sadd.s32 $0x9A0000, s19;
	s23 =	sshll.u32 s7, $0x5;
	[dreg:$0x6] =	wrdreg s19  }
0x10: {  	s24 =	sadd.s32 $0x9C0000, s19;
	s30 =	smax.u32 s6, $0x1;
	[dreg:$0x5] =	wrdreg s10  }
0x11: {  	s7 =	simm.s32 $0x8100;
	s8 =	simm.s32 $0x8900;
	[dreg:$0x7] =	wrdreg s20  }
0x12: {  	s6 =	simm.s32 $0xC100;
	s19 =	simm.s32 $0xE900;
	[dreg:$0x8] =	wrdreg s22  }
0x13: {  	s5 =	sadd.s32 s1, s21;
	[dreg:$0xa] =	wrdreg s24;
	s1 =	sadd.s32 s25, s1  }
0x14: {  	[dreg:$0xc] =	wrdreg s30;
	s10 =	simm.s32 $0x9900;
	s20 =	simm.s32 $0xF100  }
0x15: {  	s21 =	simm.s32 $0xF900;
	s22 =	simm.s32 $0x4;
	s24 =	simm.s32 $0x5  }
0x16: {  	s25 =	simm.s32 $0x6;
	[dreg:$0x9] =	wrdreg s5;
	s5 =	sadd.s32 s0, s23  }
0x17: {  	s1 =	sadd.s32 s26, s1;
	s0 =	sadd.s32 s29, s0;
	[dreg:$0xb] =	wrdreg s5  }
0x18: {  	v2 =	vlaneseq.u32;
	s23 =	simm.s32 $0x1;
	[dreg:$0x3] =	wrdreg s1;
	s0 =	sadd.s32 s4, s0  }
0x19: {  	vm0 =	vmmov $0xffff;
	v1 =	vshrl.u32 v2, $0x3;
	s1 =	simm.s32 $0x3;
	s5 =	simm.s32 $0x2;
	s0 =	sadd.s32 $0x40000, s0  }
0x1a: {  	v0 =	vand.u32 $0x7, v2;
	v2 =	vor.u32 $0x8, v2;
	v1 =	vmul.u32 $0x8, v1;
	s4 =	simm.s32 $0xB900;
	[dreg:$0xd] =	wrdreg s0;
	s0 =	simm.s32 $0x80  }
.LBB2_1:
0x1b: {  	[dreg:$0xe] =	wrdreg s28  }
0x1c: {  	s26 =	rddreg [dreg:$0x4];
	s29 =	simm.s32 $0x7  }
0x1d: {  	[tilespmem:s2], [sflag:$0x7] =	stream.linear.gather [hbm4b:s26+s2], $0x80, $0x38;
	[tilespmem:$0x10100] =	vst v63  }
0x1e: {  	_ =	swait.ge [sflag:s29], $0x80  }
0x1f: {  	[sflag:s29] =	ssyncset.done $0x0  }
0x20: {  	[sflag:s29] =	ssyncadd.s32 $0xFFFFFF80  }
0x21: {  	v3 =	vld [tilespmem:$0x0];
	_ =	sdelay $0x4  }
0x22: {  	v4 =	vshll.u32 v3, $0x1  }
0x23: {  	v3 =	vand.u32 $0x7, v3;
	v4 =	vand.u32 $0xFFFFFFF0, v4  }
0x24: {  	v3 =	vor.u32 v3, v4  }
0x25: {  	v4 =	vperm.xlane v3, v0;
	_ =	sdelay $0x1  }
0x26: {  	v3 =	vperm.xlane v3, v2;
	v4 =	vadd.s32 v1, v4;
	_ =	sdelay $0x1  }
0x27: {  	v3 =	vadd.s32 v1, v3;
	_ =	sdelay $0x2  }
0x28: {  	[tilespmem:s15], [sflag:$0x3] =	stream.indirect_vreg.gather [hbm4b:s3+s2], $0x80, v4, vm0, $0xb8;
	[tilespmem:$0x10100] =	vst v63  }
0x29: {  	s30 =	simm.s32 $0x900  }
0x2a: {  	[tilespmem:s30], [sflag:$0x3] =	stream.indirect_vreg.gather [hbm4b:s3+s2], $0x80, v3, vm0, $0xb8;
	[tilespmem:$0x10100] =	vst v63  }
0x2b: {  	v3 =	vld [tilespmem:$0x10];
	_ =	sdelay $0x4  }
0x2c: {  	v49 =	vshll.u32 v3, $0x1  }
0x2d: {  	v3 =	vand.u32 $0x7, v3;
	v4 =	vand.u32 $0xFFFFFFF0, v49  }
0x2e: {  	v3 =	vor.u32 v3, v4  }
0x2f: {  	v4 =	vperm.xlane v3, v0;
	_ =	sdelay $0x1  }
0x30: {  	v3 =	vperm.xlane v3, v2;
	v4 =	vadd.s32 v1, v4;
	_ =	sdelay $0x1  }
0x31: {  	v3 =	vadd.s32 v1, v3;
	_ =	sdelay $0x1  }
0x32: {  	s29 =	simm.s32 $0x1100  }
0x33: {  	[tilespmem:s29], [sflag:$0x3] =	stream.indirect_vreg.gather [hbm4b:s3+s2], $0x80, v4, vm0, $0xb8;
	[tilespmem:$0x10100] =	vst v63  }
0x34: {  	s30 =	simm.s32 $0x1900  }
0x35: {  	[tilespmem:s30], [sflag:$0x3] =	stream.indirect_vreg.gather [hbm4b:s3+s2], $0x80, v3, vm0, $0xb8;
	[tilespmem:$0x10100] =	vst v63  }
0x36: {  	v3 =	vld [tilespmem:$0x20];
	_ =	sdelay $0x4  }
0x37: {  	v50 =	vshll.u32 v3, $0x1  }
0x38: {  	v3 =	vand.u32 $0x7, v3;
	v4 =	vand.u32 $0xFFFFFFF0, v50  }
0x39: {  	v3 =	vor.u32 v3, v4  }
0x3a: {  	v4 =	vperm.xlane v3, v0;
	_ =	sdelay $0x1  }
0x3b: {  	v3 =	vperm.xlane v3, v2;
	v4 =	vadd.s32 v1, v4;
	_ =	sdelay $0x1  }
0x3c: {  	v3 =	vadd.s32 v1, v3;
	_ =	sdelay $0x1  }
0x3d: {  	s29 =	simm.s32 $0x2100  }
0x3e: {  	[tilespmem:s29], [sflag:$0x3] =	stream.indirect_vreg.gather [hbm4b:s3+s2], $0x80, v4, vm0, $0xb8;
	[tilespmem:$0x10100] =	vst v63  }
0x3f: {  	s30 =	simm.s32 $0x2900  }
0x40: {  	[tilespmem:s30], [sflag:$0x3] =	stream.indirect_vreg.gather [hbm4b:s3+s2], $0x80, v3, vm0, $0xb8;
	[tilespmem:$0x10100] =	vst v63  }
0x41: {  	v3 =	vld [tilespmem:$0x30];
	_ =	sdelay $0x4  }
0x42: {  	v51 =	vshll.u32 v3, $0x1  }
0x43: {  	v3 =	vand.u32 $0x7, v3;
	v4 =	vand.u32 $0xFFFFFFF0, v51  }
0x44: {  	v3 =	vor.u32 v3, v4  }
0x45: {  	v4 =	vperm.xlane v3, v0;
	_ =	sdelay $0x1  }
0x46: {  	v3 =	vperm.xlane v3, v2;
	v4 =	vadd.s32 v1, v4;
	_ =	sdelay $0x1  }
0x47: {  	v3 =	vadd.s32 v1, v3;
	_ =	sdelay $0x1  }
0x48: {  	s29 =	simm.s32 $0x3100  }
0x49: {  	[tilespmem:s29], [sflag:$0x3] =	stream.indirect_vreg.gather [hbm4b:s3+s2], $0x80, v4, vm0, $0xb8;
	[tilespmem:$0x10100] =	vst v63  }
0x4a: {  	s30 =	simm.s32 $0x3900  }
0x4b: {  	[tilespmem:s30], [sflag:$0x3] =	stream.indirect_vreg.gather [hbm4b:s3+s2], $0x80, v3, vm0, $0xb8;
	[tilespmem:$0x10100] =	vst v63  }
0x4c: {  	v3 =	vld [tilespmem:$0x40];
	_ =	sdelay $0x4  }
0x4d: {  	v52 =	vshll.u32 v3, $0x1  }
0x4e: {  	v3 =	vand.u32 $0x7, v3;
	v4 =	vand.u32 $0xFFFFFFF0, v52  }
0x4f: {  	v3 =	vor.u32 v3, v4  }
0x50: {  	v4 =	vperm.xlane v3, v0;
	_ =	sdelay $0x1  }
0x51: {  	v3 =	vperm.xlane v3, v2;
	v4 =	vadd.s32 v1, v4;
	_ =	sdelay $0x1  }
0x52: {  	v3 =	vadd.s32 v1, v3;
	_ =	sdelay $0x1  }
0x53: {  	s29 =	simm.s32 $0x4100  }
0x54: {  	[tilespmem:s29], [sflag:$0x3] =	stream.indirect_vreg.gather [hbm4b:s3+s2], $0x80, v4, vm0, $0xb8;
	[tilespmem:$0x10100] =	vst v63  }
0x55: {  	s30 =	simm.s32 $0x4900  }
0x56: {  	[tilespmem:s30], [sflag:$0x3] =	stream.indirect_vreg.gather [hbm4b:s3+s2], $0x80, v3, vm0, $0xb8;
	[tilespmem:$0x10100] =	vst v63  }
0x57: {  	v3 =	vld [tilespmem:$0x50];
	_ =	sdelay $0x4  }
0x58: {  	v53 =	vshll.u32 v3, $0x1  }
0x59: {  	v3 =	vand.u32 $0x7, v3;
	v4 =	vand.u32 $0xFFFFFFF0, v53  }
0x5a: {  	v3 =	vor.u32 v3, v4  }
0x5b: {  	v4 =	vperm.xlane v3, v0;
	_ =	sdelay $0x1  }
0x5c: {  	v3 =	vperm.xlane v3, v2;
	v4 =	vadd.s32 v1, v4;
	_ =	sdelay $0x1  }
0x5d: {  	v3 =	vadd.s32 v1, v3;
	_ =	sdelay $0x1  }
0x5e: {  	s29 =	simm.s32 $0x5100  }
0x5f: {  	[tilespmem:s29], [sflag:$0x3] =	stream.indirect_vreg.gather [hbm4b:s3+s2], $0x80, v4, vm0, $0xb8;
	[tilespmem:$0x10100] =	vst v63  }
0x60: {  	s30 =	simm.s32 $0x5900  }
0x61: {  	[tilespmem:s30], [sflag:$0x3] =	stream.indirect_vreg.gather [hbm4b:s3+s2], $0x80, v3, vm0, $0xb8;
	[tilespmem:$0x10100] =	vst v63  }
0x62: {  	v3 =	vld [tilespmem:$0x60];
	_ =	sdelay $0x4  }
0x63: {  	v54 =	vshll.u32 v3, $0x1  }
0x64: {  	v3 =	vand.u32 $0x7, v3;
	v4 =	vand.u32 $0xFFFFFFF0, v54  }
0x65: {  	v3 =	vor.u32 v3, v4  }
0x66: {  	v4 =	vperm.xlane v3, v0;
	_ =	sdelay $0x1  }
0x67: {  	v3 =	vperm.xlane v3, v2;
	v4 =	vadd.s32 v1, v4;
	_ =	sdelay $0x1  }
0x68: {  	v3 =	vadd.s32 v1, v3;
	_ =	sdelay $0x1  }
0x69: {  	s29 =	simm.s32 $0x6100  }
0x6a: {  	[tilespmem:s29], [sflag:$0x3] =	stream.indirect_vreg.gather [hbm4b:s3+s2], $0x80, v4, vm0, $0xb8;
	[tilespmem:$0x10100] =	vst v63  }
0x6b: {  	s30 =	simm.s32 $0x6900  }
0x6c: {  	[tilespmem:s30], [sflag:$0x3] =	stream.indirect_vreg.gather [hbm4b:s3+s2], $0x80, v3, vm0, $0xb8;
	[tilespmem:$0x10100] =	vst v63  }
0x6d: {  	v3 =	vld [tilespmem:$0x70];
	_ =	sdelay $0x4  }
0x6e: {  	v55 =	vshll.u32 v3, $0x1  }
0x6f: {  	v3 =	vand.u32 $0x7, v3;
	v4 =	vand.u32 $0xFFFFFFF0, v55  }
0x70: {  	v3 =	vor.u32 v3, v4  }
0x71: {  	v4 =	vperm.xlane v3, v0;
	_ =	sdelay $0x1  }
0x72: {  	v3 =	vperm.xlane v3, v2;
	v4 =	vadd.s32 v1, v4;
	_ =	sdelay $0x1  }
0x73: {  	v3 =	vadd.s32 v1, v3;
	_ =	sdelay $0x1  }
0x74: {  	s29 =	simm.s32 $0x7100  }
0x75: {  	[tilespmem:s29], [sflag:$0x3] =	stream.indirect_vreg.gather [hbm4b:s3+s2], $0x80, v4, vm0, $0xb8;
	[tilespmem:$0x10100] =	vst v63  }
0x76: {  	_ = 	snop  }
0x77: {  	[tilespmem:s31], [sflag:$0x3] =	stream.indirect_vreg.gather [hbm4b:s3+s2], $0x80, v3, vm0, $0xb8;
	[tilespmem:$0x10100] =	vst v63  }
0x78: {  	s30 =	rddreg [dreg:$0x5]  }
0x79: {  	[tilespmem:s0], [sflag:$0x2] =	stream.linear.gather [hbm4b:s30+s2], $0x80, $0x38;
	[tilespmem:$0x10100] =	vst v63  }
0x7a: {  	_ =	swait.ge [sflag:s1], $0x8000  }
0x7b: {  	[sflag:s1] =	ssyncset.done $0x0  }
0x7c: {  	s29 =	rddreg [dreg:$0x6];
	[sflag:s1] =	ssyncadd.s32 $0xFFFF8000  }
0x7d: {  	[hbm4b:s29+s2] =	stream.linear.scatter [tilespmem:s15], [sflag:$0x5], $0x8000, $0x38;
	[tilespmem:$0x10100] =	vst v63  }
0x7e: {  	_ =	swait.ge [sflag:s5], $0x80  }
0x7f: {  	[sflag:s5] =	ssyncset.done $0x0  }
0x80: {  	[sflag:s5] =	ssyncadd.s32 $0xFFFFFF80  }
0x81: {  	v3 =	vld [tilespmem:$0x80];
	_ =	sdelay $0x4  }
0x82: {  	v56 =	vshll.u32 v3, $0x1  }
0x83: {  	v3 =	vand.u32 $0x7, v3;
	v4 =	vand.u32 $0xFFFFFFF0, v56  }
0x84: {  	v3 =	vor.u32 v3, v4  }
0x85: {  	v4 =	vperm.xlane v3, v0;
	_ =	sdelay $0x1  }
0x86: {  	v3 =	vperm.xlane v3, v2;
	v4 =	vadd.s32 v1, v4;
	_ =	sdelay $0x1  }
0x87: {  	v3 =	vadd.s32 v1, v3;
	_ =	sdelay $0x2  }
0x88: {  	[tilespmem:s7], [sflag:$0x4] =	stream.indirect_vreg.gather [hbm4b:s3+s2], $0x80, v4, vm0, $0xb8;
	[tilespmem:$0x10100] =	vst v63  }
0x89: {  	_ = 	snop  }
0x8a: {  	[tilespmem:s8], [sflag:$0x4] =	stream.indirect_vreg.gather [hbm4b:s3+s2], $0x80, v3, vm0, $0xb8;
	[tilespmem:$0x10100] =	vst v63  }
0x8b: {  	v3 =	vld [tilespmem:$0x90];
	_ =	sdelay $0x4  }
0x8c: {  	v57 =	vshll.u32 v3, $0x1  }
0x8d: {  	v3 =	vand.u32 $0x7, v3;
	v4 =	vand.u32 $0xFFFFFFF0, v57  }
0x8e: {  	v3 =	vor.u32 v3, v4  }
0x8f: {  	v4 =	vperm.xlane v3, v0;
	_ =	sdelay $0x1  }
0x90: {  	v3 =	vperm.xlane v3, v2;
	v4 =	vadd.s32 v1, v4;
	_ =	sdelay $0x1  }
0x91: {  	v3 =	vadd.s32 v1, v3;
	_ =	sdelay $0x2  }
0x92: {  	[tilespmem:s9], [sflag:$0x4] =	stream.indirect_vreg.gather [hbm4b:s3+s2], $0x80, v4, vm0, $0xb8;
	[tilespmem:$0x10100] =	vst v63  }
0x93: {  	_ = 	snop  }
0x94: {  	[tilespmem:s10], [sflag:$0x4] =	stream.indirect_vreg.gather [hbm4b:s3+s2], $0x80, v3, vm0, $0xb8;
	[tilespmem:$0x10100] =	vst v63  }
0x95: {  	v3 =	vld [tilespmem:$0xA0];
	_ =	sdelay $0x4  }
0x96: {  	v58 =	vshll.u32 v3, $0x1  }
0x97: {  	v3 =	vand.u32 $0x7, v3;
	v4 =	vand.u32 $0xFFFFFFF0, v58  }
0x98: {  	v3 =	vor.u32 v3, v4  }
0x99: {  	v4 =	vperm.xlane v3, v0;
	_ =	sdelay $0x1  }
0x9a: {  	v3 =	vperm.xlane v3, v2;
	v4 =	vadd.s32 v1, v4;
	_ =	sdelay $0x1  }
0x9b: {  	v3 =	vadd.s32 v1, v3;
	_ =	sdelay $0x2  }
0x9c: {  	[tilespmem:s11], [sflag:$0x4] =	stream.indirect_vreg.gather [hbm4b:s3+s2], $0x80, v4, vm0, $0xb8;
	[tilespmem:$0x10100] =	vst v63  }
0x9d: {  	_ = 	snop  }
0x9e: {  	[tilespmem:s12], [sflag:$0x4] =	stream.indirect_vreg.gather [hbm4b:s3+s2], $0x80, v3, vm0, $0xb8;
	[tilespmem:$0x10100] =	vst v63  }
0x9f: {  	v3 =	vld [tilespmem:$0xB0];
	_ =	sdelay $0x4  }
0xa0: {  	v59 =	vshll.u32 v3, $0x1  }
0xa1: {  	v3 =	vand.u32 $0x7, v3;
	v4 =	vand.u32 $0xFFFFFFF0, v59  }
0xa2: {  	v3 =	vor.u32 v3, v4  }
0xa3: {  	v4 =	vperm.xlane v3, v0;
	_ =	sdelay $0x1  }
0xa4: {  	v3 =	vperm.xlane v3, v2;
	v4 =	vadd.s32 v1, v4;
	_ =	sdelay $0x1  }
0xa5: {  	v3 =	vadd.s32 v1, v3;
	_ =	sdelay $0x2  }
0xa6: {  	[tilespmem:s13], [sflag:$0x4] =	stream.indirect_vreg.gather [hbm4b:s3+s2], $0x80, v4, vm0, $0xb8;
	[tilespmem:$0x10100] =	vst v63  }
0xa7: {  	_ = 	snop  }
0xa8: {  	[tilespmem:s4], [sflag:$0x4] =	stream.indirect_vreg.gather [hbm4b:s3+s2], $0x80, v3, vm0, $0xb8;
	[tilespmem:$0x10100] =	vst v63  }
0xa9: {  	v3 =	vld [tilespmem:$0xC0];
	_ =	sdelay $0x4  }
0xaa: {  	v60 =	vshll.u32 v3, $0x1  }
0xab: {  	v3 =	vand.u32 $0x7, v3;
	v4 =	vand.u32 $0xFFFFFFF0, v60  }
0xac: {  	v3 =	vor.u32 v3, v4  }
0xad: {  	v4 =	vperm.xlane v3, v0;
	_ =	sdelay $0x1  }
0xae: {  	v3 =	vperm.xlane v3, v2;
	v4 =	vadd.s32 v1, v4;
	_ =	sdelay $0x1  }
0xaf: {  	v3 =	vadd.s32 v1, v3;
	_ =	sdelay $0x2  }
0xb0: {  	[tilespmem:s6], [sflag:$0x4] =	stream.indirect_vreg.gather [hbm4b:s3+s2], $0x80, v4, vm0, $0xb8;
	[tilespmem:$0x10100] =	vst v63  }
0xb1: {  	_ = 	snop  }
0xb2: {  	[tilespmem:s14], [sflag:$0x4] =	stream.indirect_vreg.gather [hbm4b:s3+s2], $0x80, v3, vm0, $0xb8;
	[tilespmem:$0x10100] =	vst v63  }
0xb3: {  	v3 =	vld [tilespmem:$0xD0];
	_ =	sdelay $0x4  }
0xb4: {  	v61 =	vshll.u32 v3, $0x1  }
0xb5: {  	v3 =	vand.u32 $0x7, v3;
	v4 =	vand.u32 $0xFFFFFFF0, v61  }
0xb6: {  	v3 =	vor.u32 v3, v4  }
0xb7: {  	v4 =	vperm.xlane v3, v0;
	_ =	sdelay $0x1  }
0xb8: {  	v3 =	vperm.xlane v3, v2;
	v4 =	vadd.s32 v1, v4;
	_ =	sdelay $0x1  }
0xb9: {  	v3 =	vadd.s32 v1, v3;
	_ =	sdelay $0x2  }
0xba: {  	[tilespmem:s16], [sflag:$0x4] =	stream.indirect_vreg.gather [hbm4b:s3+s2], $0x80, v4, vm0, $0xb8;
	[tilespmem:$0x10100] =	vst v63  }
0xbb: {  	_ = 	snop  }
0xbc: {  	[tilespmem:s17], [sflag:$0x4] =	stream.indirect_vreg.gather [hbm4b:s3+s2], $0x80, v3, vm0, $0xb8;
	[tilespmem:$0x10100] =	vst v63  }
0xbd: {  	v3 =	vld [tilespmem:$0xE0];
	_ =	sdelay $0x4  }
0xbe: {  	v62 =	vshll.u32 v3, $0x1  }
0xbf: {  	v3 =	vand.u32 $0x7, v3;
	v4 =	vand.u32 $0xFFFFFFF0, v62  }
0xc0: {  	v3 =	vor.u32 v3, v4  }
0xc1: {  	v4 =	vperm.xlane v3, v0;
	_ =	sdelay $0x1  }
0xc2: {  	v3 =	vperm.xlane v3, v2;
	v4 =	vadd.s32 v1, v4;
	_ =	sdelay $0x1  }
0xc3: {  	v3 =	vadd.s32 v1, v3;
	_ =	sdelay $0x2  }
0xc4: {  	[tilespmem:s18], [sflag:$0x4] =	stream.indirect_vreg.gather [hbm4b:s3+s2], $0x80, v4, vm0, $0xb8;
	[tilespmem:$0x10100] =	vst v63  }
0xc5: {  	_ = 	snop  }
0xc6: {  	[tilespmem:s19], [sflag:$0x4] =	stream.indirect_vreg.gather [hbm4b:s3+s2], $0x80, v3, vm0, $0xb8;
	[tilespmem:$0x10100] =	vst v63  }
0xc7: {  	v3 =	vld [tilespmem:$0xF0];
	_ =	sdelay $0x4  }
0xc8: {  	v63 =	vshll.u32 v3, $0x1  }
0xc9: {  	v3 =	vand.u32 $0x7, v3;
	v4 =	vand.u32 $0xFFFFFFF0, v63  }
0xca: {  	v3 =	vor.u32 v3, v4  }
0xcb: {  	v4 =	vperm.xlane v3, v0;
	_ =	sdelay $0x1  }
0xcc: {  	v3 =	vperm.xlane v3, v2;
	v4 =	vadd.s32 v1, v4;
	_ =	sdelay $0x1  }
0xcd: {  	v3 =	vadd.s32 v1, v3;
	_ =	sdelay $0x2  }
0xce: {  	[tilespmem:s20], [sflag:$0x4] =	stream.indirect_vreg.gather [hbm4b:s3+s2], $0x80, v4, vm0, $0xb8;
	[tilespmem:$0x10100] =	vst v63  }
0xcf: {  	s30 =	rddreg [dreg:$0x7]  }
0xd0: {  	[tilespmem:s21], [sflag:$0x4] =	stream.indirect_vreg.gather [hbm4b:s3+s2], $0x80, v3, vm0, $0xb8;
	[tilespmem:$0x10100] =	vst v63  }
0xd1: {  	s28 =	simm.s32 $0x0;
	s26 =	rddreg [dreg:$0xd]  }
0xd2: {  	[tilespmem:s2], [sflag:$0x1] =	stream.linear.gather [hbm4b:s30+s2], $0x80, $0x38;
	[tilespmem:$0x10100] =	vst v63  }
.LBB2_2:
0xd3: {  	_ =	swait.ge [sflag:s22], $0x8000  }
0xd4: {  	[sflag:s22] =	ssyncset.done $0x0  }
0xd5: {  	s29 =	sadd.s32 $0xFFFE0000, s26;
	[sflag:s22] =	ssyncadd.s32 $0xFFFF8000  }
0xd6: {  	[hbm4b:s29+s2] =	stream.linear.scatter [tilespmem:s7], [sflag:$0x6], $0x8000, $0x38;
	[tilespmem:$0x10100] =	vst v63  }
0xd7: {  	_ =	swait.ge [sflag:s23], $0x80  }
0xd8: {  	[sflag:s23] =	ssyncset.done $0x0  }
0xd9: {  	[sflag:s23] =	ssyncadd.s32 $0xFFFFFF80  }
0xda: {  	_ =	swait.ge [sflag:s24], $0x8000  }
0xdb: {  	[sflag:s24] =	ssyncset.done $0x0  }
0xdc: {  	[sflag:s24] =	ssyncadd.s32 $0xFFFF8000  }
0xdd: {  	v3 =	vld [tilespmem:$0x0];
	_ =	sdelay $0x4  }
0xde: {  	v4 =	vshll.u32 v3, $0x1  }
0xdf: {  	v3 =	vand.u32 $0x7, v3;
	v4 =	vand.u32 $0xFFFFFFF0, v4  }
0xe0: {  	v3 =	vor.u32 v3, v4  }
0xe1: {  	v4 =	vperm.xlane v3, v0;
	_ =	sdelay $0x1  }
0xe2: {  	v3 =	vperm.xlane v3, v2;
	v4 =	vadd.s32 v1, v4;
	_ =	sdelay $0x1  }
0xe3: {  	v3 =	vadd.s32 v1, v3;
	_ =	sdelay $0x2  }
0xe4: {  	[tilespmem:s15], [sflag:$0x3] =	stream.indirect_vreg.gather [hbm4b:s3+s2], $0x80, v4, vm0, $0xb8;
	[tilespmem:$0x10100] =	vst v63  }
0xe5: {  	s30 =	simm.s32 $0x900  }
0xe6: {  	[tilespmem:s30], [sflag:$0x3] =	stream.indirect_vreg.gather [hbm4b:s3+s2], $0x80, v3, vm0, $0xb8;
	[tilespmem:$0x10100] =	vst v63  }
0xe7: {  	v3 =	vld [tilespmem:$0x10];
	_ =	sdelay $0x4  }
0xe8: {  	v49 =	vshll.u32 v3, $0x1  }
0xe9: {  	v3 =	vand.u32 $0x7, v3;
	v4 =	vand.u32 $0xFFFFFFF0, v49  }
0xea: {  	v3 =	vor.u32 v3, v4  }
0xeb: {  	v4 =	vperm.xlane v3, v0;
	_ =	sdelay $0x1  }
0xec: {  	v3 =	vperm.xlane v3, v2;
	v4 =	vadd.s32 v1, v4;
	_ =	sdelay $0x1  }
0xed: {  	v3 =	vadd.s32 v1, v3;
	_ =	sdelay $0x1  }
0xee: {  	s30 =	simm.s32 $0x1100  }
0xef: {  	[tilespmem:s30], [sflag:$0x3] =	stream.indirect_vreg.gather [hbm4b:s3+s2], $0x80, v4, vm0, $0xb8;
	[tilespmem:$0x10100] =	vst v63  }
0xf0: {  	s30 =	simm.s32 $0x1900  }
0xf1: {  	[tilespmem:s30], [sflag:$0x3] =	stream.indirect_vreg.gather [hbm4b:s3+s2], $0x80, v3, vm0, $0xb8;
	[tilespmem:$0x10100] =	vst v63  }
0xf2: {  	v3 =	vld [tilespmem:$0x20];
	_ =	sdelay $0x4  }
0xf3: {  	v50 =	vshll.u32 v3, $0x1  }
0xf4: {  	v3 =	vand.u32 $0x7, v3;
	v4 =	vand.u32 $0xFFFFFFF0, v50  }
0xf5: {  	v3 =	vor.u32 v3, v4  }
0xf6: {  	v4 =	vperm.xlane v3, v0;
	_ =	sdelay $0x1  }
0xf7: {  	v3 =	vperm.xlane v3, v2;
	v4 =	vadd.s32 v1, v4;
	_ =	sdelay $0x1  }
0xf8: {  	v3 =	vadd.s32 v1, v3;
	_ =	sdelay $0x1  }
0xf9: {  	s30 =	simm.s32 $0x2100  }
0xfa: {  	[tilespmem:s30], [sflag:$0x3] =	stream.indirect_vreg.gather [hbm4b:s3+s2], $0x80, v4, vm0, $0xb8;
	[tilespmem:$0x10100] =	vst v63  }
0xfb: {  	s30 =	simm.s32 $0x2900  }
0xfc: {  	[tilespmem:s30], [sflag:$0x3] =	stream.indirect_vreg.gather [hbm4b:s3+s2], $0x80, v3, vm0, $0xb8;
	[tilespmem:$0x10100] =	vst v63  }
0xfd: {  	v3 =	vld [tilespmem:$0x30];
	_ =	sdelay $0x4  }
0xfe: {  	v51 =	vshll.u32 v3, $0x1  }
0xff: {  	v3 =	vand.u32 $0x7, v3;
	v4 =	vand.u32 $0xFFFFFFF0, v51  }
0x100: {  	v3 =	vor.u32 v3, v4  }
0x101: {  	v4 =	vperm.xlane v3, v0;
	_ =	sdelay $0x1  }
0x102: {  	v3 =	vperm.xlane v3, v2;
	v4 =	vadd.s32 v1, v4;
	_ =	sdelay $0x1  }
0x103: {  	v3 =	vadd.s32 v1, v3;
	_ =	sdelay $0x1  }
0x104: {  	s30 =	simm.s32 $0x3100  }
0x105: {  	[tilespmem:s30], [sflag:$0x3] =	stream.indirect_vreg.gather [hbm4b:s3+s2], $0x80, v4, vm0, $0xb8;
	[tilespmem:$0x10100] =	vst v63  }
0x106: {  	s30 =	simm.s32 $0x3900  }
0x107: {  	[tilespmem:s30], [sflag:$0x3] =	stream.indirect_vreg.gather [hbm4b:s3+s2], $0x80, v3, vm0, $0xb8;
	[tilespmem:$0x10100] =	vst v63  }
0x108: {  	v3 =	vld [tilespmem:$0x40];
	_ =	sdelay $0x4  }
0x109: {  	v52 =	vshll.u32 v3, $0x1  }
0x10a: {  	v3 =	vand.u32 $0x7, v3;
	v4 =	vand.u32 $0xFFFFFFF0, v52  }
0x10b: {  	v3 =	vor.u32 v3, v4  }
0x10c: {  	v4 =	vperm.xlane v3, v0;
	_ =	sdelay $0x1  }
0x10d: {  	v3 =	vperm.xlane v3, v2;
	v4 =	vadd.s32 v1, v4;
	_ =	sdelay $0x1  }
0x10e: {  	v3 =	vadd.s32 v1, v3;
	_ =	sdelay $0x1  }
0x10f: {  	s30 =	simm.s32 $0x4100  }
0x110: {  	[tilespmem:s30], [sflag:$0x3] =	stream.indirect_vreg.gather [hbm4b:s3+s2], $0x80, v4, vm0, $0xb8;
	[tilespmem:$0x10100] =	vst v63  }
0x111: {  	s30 =	simm.s32 $0x4900  }
0x112: {  	[tilespmem:s30], [sflag:$0x3] =	stream.indirect_vreg.gather [hbm4b:s3+s2], $0x80, v3, vm0, $0xb8;
	[tilespmem:$0x10100] =	vst v63  }
0x113: {  	v3 =	vld [tilespmem:$0x50];
	_ =	sdelay $0x4  }
0x114: {  	v53 =	vshll.u32 v3, $0x1  }
0x115: {  	v3 =	vand.u32 $0x7, v3;
	v4 =	vand.u32 $0xFFFFFFF0, v53  }
0x116: {  	v3 =	vor.u32 v3, v4  }
0x117: {  	v4 =	vperm.xlane v3, v0;
	_ =	sdelay $0x1  }
0x118: {  	v3 =	vperm.xlane v3, v2;
	v4 =	vadd.s32 v1, v4;
	_ =	sdelay $0x1  }
0x119: {  	v3 =	vadd.s32 v1, v3;
	_ =	sdelay $0x1  }
0x11a: {  	s30 =	simm.s32 $0x5100  }
0x11b: {  	[tilespmem:s30], [sflag:$0x3] =	stream.indirect_vreg.gather [hbm4b:s3+s2], $0x80, v4, vm0, $0xb8;
	[tilespmem:$0x10100] =	vst v63  }
0x11c: {  	s30 =	simm.s32 $0x5900  }
0x11d: {  	[tilespmem:s30], [sflag:$0x3] =	stream.indirect_vreg.gather [hbm4b:s3+s2], $0x80, v3, vm0, $0xb8;
	[tilespmem:$0x10100] =	vst v63  }
0x11e: {  	v3 =	vld [tilespmem:$0x60];
	_ =	sdelay $0x4  }
0x11f: {  	v54 =	vshll.u32 v3, $0x1  }
0x120: {  	v3 =	vand.u32 $0x7, v3;
	v4 =	vand.u32 $0xFFFFFFF0, v54  }
0x121: {  	v3 =	vor.u32 v3, v4  }
0x122: {  	v4 =	vperm.xlane v3, v0;
	_ =	sdelay $0x1  }
0x123: {  	v3 =	vperm.xlane v3, v2;
	v4 =	vadd.s32 v1, v4;
	_ =	sdelay $0x1  }
0x124: {  	v3 =	vadd.s32 v1, v3;
	_ =	sdelay $0x1  }
0x125: {  	s30 =	simm.s32 $0x6100  }
0x126: {  	[tilespmem:s30], [sflag:$0x3] =	stream.indirect_vreg.gather [hbm4b:s3+s2], $0x80, v4, vm0, $0xb8;
	[tilespmem:$0x10100] =	vst v63  }
0x127: {  	s30 =	simm.s32 $0x6900  }
0x128: {  	[tilespmem:s30], [sflag:$0x3] =	stream.indirect_vreg.gather [hbm4b:s3+s2], $0x80, v3, vm0, $0xb8;
	[tilespmem:$0x10100] =	vst v63  }
0x129: {  	v3 =	vld [tilespmem:$0x70];
	_ =	sdelay $0x4  }
0x12a: {  	v55 =	vshll.u32 v3, $0x1  }
0x12b: {  	v3 =	vand.u32 $0x7, v3;
	v4 =	vand.u32 $0xFFFFFFF0, v55  }
0x12c: {  	v3 =	vor.u32 v3, v4  }
0x12d: {  	v4 =	vperm.xlane v3, v0;
	_ =	sdelay $0x1  }
0x12e: {  	v4 =	vadd.s32 v1, v4  }
0x12f: {  	v3 =	vperm.xlane v3, v2;
	_ =	sdelay $0x1  }
0x130: {  	v3 =	vadd.s32 v1, v3  }
0x131: {  	s30 =	simm.s32 $0x7100  }
0x132: {  	[tilespmem:s30], [sflag:$0x3] =	stream.indirect_vreg.gather [hbm4b:s3+s2], $0x80, v4, vm0, $0xb8;
	[tilespmem:$0x10100] =	vst v63  }
0x133: {  	s30 =	rddreg [dreg:$0x3]  }
0x134: {  	s29 =	sadd.s32 s28, s30  }
0x135: {  	[tilespmem:s31], [sflag:$0x3] =	stream.indirect_vreg.gather [hbm4b:s3+s2], $0x80, v3, vm0, $0xb8;
	[tilespmem:$0x10100] =	vst v63  }
0x136: {  	s30 =	sadd.s32 $0x600, s29  }
0x137: {  	[tilespmem:s0], [sflag:$0x2] =	stream.linear.gather [hbm4b:s30+s2], $0x80, $0x38;
	[tilespmem:$0x10100] =	vst v63  }
0x138: {  	_ =	swait.ge [sflag:s1], $0x8000  }
0x139: {  	[sflag:s1] =	ssyncset.done $0x0  }
0x13a: {  	[sflag:s1] =	ssyncadd.s32 $0xFFFF8000  }
0x13b: {  	[hbm4b:s26+s2] =	stream.linear.scatter [tilespmem:s15], [sflag:$0x5], $0x8000, $0x38;
	[tilespmem:$0x10100] =	vst v63  }
0x13c: {  	_ =	swait.ge [sflag:s5], $0x80  }
0x13d: {  	[sflag:s5] =	ssyncset.done $0x0  }
0x13e: {  	[sflag:s5] =	ssyncadd.s32 $0xFFFFFF80  }
0x13f: {  	_ =	swait.ge [sflag:s25], $0x8000  }
0x140: {  	[sflag:s25] =	ssyncset.done $0x0  }
0x141: {  	[sflag:s25] =	ssyncadd.s32 $0xFFFF8000  }
0x142: {  	v3 =	vld [tilespmem:$0x80];
	_ =	sdelay $0x4  }
0x143: {  	v56 =	vshll.u32 v3, $0x1  }
0x144: {  	v3 =	vand.u32 $0x7, v3;
	v4 =	vand.u32 $0xFFFFFFF0, v56  }
0x145: {  	v3 =	vor.u32 v3, v4  }
0x146: {  	v4 =	vperm.xlane v3, v0;
	_ =	sdelay $0x1  }
0x147: {  	v3 =	vperm.xlane v3, v2;
	v4 =	vadd.s32 v1, v4;
	_ =	sdelay $0x1  }
0x148: {  	v3 =	vadd.s32 v1, v3;
	_ =	sdelay $0x2  }
0x149: {  	[tilespmem:s7], [sflag:$0x4] =	stream.indirect_vreg.gather [hbm4b:s3+s2], $0x80, v4, vm0, $0xb8;
	[tilespmem:$0x10100] =	vst v63  }
0x14a: {  	_ = 	snop  }
0x14b: {  	[tilespmem:s8], [sflag:$0x4] =	stream.indirect_vreg.gather [hbm4b:s3+s2], $0x80, v3, vm0, $0xb8;
	[tilespmem:$0x10100] =	vst v63  }
0x14c: {  	v3 =	vld [tilespmem:$0x90];
	_ =	sdelay $0x4  }
0x14d: {  	v57 =	vshll.u32 v3, $0x1  }
0x14e: {  	v3 =	vand.u32 $0x7, v3;
	v4 =	vand.u32 $0xFFFFFFF0, v57  }
0x14f: {  	v3 =	vor.u32 v3, v4  }
0x150: {  	v4 =	vperm.xlane v3, v0;
	_ =	sdelay $0x1  }
0x151: {  	v3 =	vperm.xlane v3, v2;
	v4 =	vadd.s32 v1, v4;
	_ =	sdelay $0x1  }
0x152: {  	v3 =	vadd.s32 v1, v3;
	_ =	sdelay $0x2  }
0x153: {  	[tilespmem:s9], [sflag:$0x4] =	stream.indirect_vreg.gather [hbm4b:s3+s2], $0x80, v4, vm0, $0xb8;
	[tilespmem:$0x10100] =	vst v63  }
0x154: {  	_ = 	snop  }
0x155: {  	[tilespmem:s10], [sflag:$0x4] =	stream.indirect_vreg.gather [hbm4b:s3+s2], $0x80, v3, vm0, $0xb8;
	[tilespmem:$0x10100] =	vst v63  }
0x156: {  	v3 =	vld [tilespmem:$0xA0];
	_ =	sdelay $0x4  }
0x157: {  	v58 =	vshll.u32 v3, $0x1  }
0x158: {  	v3 =	vand.u32 $0x7, v3;
	v4 =	vand.u32 $0xFFFFFFF0, v58  }
0x159: {  	v3 =	vor.u32 v3, v4  }
0x15a: {  	v4 =	vperm.xlane v3, v0;
	_ =	sdelay $0x1  }
0x15b: {  	v3 =	vperm.xlane v3, v2;
	v4 =	vadd.s32 v1, v4;
	_ =	sdelay $0x1  }
0x15c: {  	v3 =	vadd.s32 v1, v3;
	_ =	sdelay $0x2  }
0x15d: {  	[tilespmem:s11], [sflag:$0x4] =	stream.indirect_vreg.gather [hbm4b:s3+s2], $0x80, v4, vm0, $0xb8;
	[tilespmem:$0x10100] =	vst v63  }
0x15e: {  	_ = 	snop  }
0x15f: {  	[tilespmem:s12], [sflag:$0x4] =	stream.indirect_vreg.gather [hbm4b:s3+s2], $0x80, v3, vm0, $0xb8;
	[tilespmem:$0x10100] =	vst v63  }
0x160: {  	v3 =	vld [tilespmem:$0xB0];
	_ =	sdelay $0x4  }
0x161: {  	v59 =	vshll.u32 v3, $0x1  }
0x162: {  	v3 =	vand.u32 $0x7, v3;
	v4 =	vand.u32 $0xFFFFFFF0, v59  }
0x163: {  	v3 =	vor.u32 v3, v4  }
0x164: {  	v4 =	vperm.xlane v3, v0;
	_ =	sdelay $0x1  }
0x165: {  	v3 =	vperm.xlane v3, v2;
	v4 =	vadd.s32 v1, v4;
	_ =	sdelay $0x1  }
0x166: {  	v3 =	vadd.s32 v1, v3;
	_ =	sdelay $0x2  }
0x167: {  	[tilespmem:s13], [sflag:$0x4] =	stream.indirect_vreg.gather [hbm4b:s3+s2], $0x80, v4, vm0, $0xb8;
	[tilespmem:$0x10100] =	vst v63  }
0x168: {  	_ = 	snop  }
0x169: {  	[tilespmem:s4], [sflag:$0x4] =	stream.indirect_vreg.gather [hbm4b:s3+s2], $0x80, v3, vm0, $0xb8;
	[tilespmem:$0x10100] =	vst v63  }
0x16a: {  	v3 =	vld [tilespmem:$0xC0];
	_ =	sdelay $0x4  }
0x16b: {  	v60 =	vshll.u32 v3, $0x1  }
0x16c: {  	v3 =	vand.u32 $0x7, v3;
	v4 =	vand.u32 $0xFFFFFFF0, v60  }
0x16d: {  	v3 =	vor.u32 v3, v4  }
0x16e: {  	v4 =	vperm.xlane v3, v0;
	_ =	sdelay $0x1  }
0x16f: {  	v3 =	vperm.xlane v3, v2;
	v4 =	vadd.s32 v1, v4;
	_ =	sdelay $0x1  }
0x170: {  	v3 =	vadd.s32 v1, v3;
	_ =	sdelay $0x2  }
0x171: {  	[tilespmem:s6], [sflag:$0x4] =	stream.indirect_vreg.gather [hbm4b:s3+s2], $0x80, v4, vm0, $0xb8;
	[tilespmem:$0x10100] =	vst v63  }
0x172: {  	_ = 	snop  }
0x173: {  	[tilespmem:s14], [sflag:$0x4] =	stream.indirect_vreg.gather [hbm4b:s3+s2], $0x80, v3, vm0, $0xb8;
	[tilespmem:$0x10100] =	vst v63  }
0x174: {  	v3 =	vld [tilespmem:$0xD0];
	_ =	sdelay $0x4  }
0x175: {  	v61 =	vshll.u32 v3, $0x1  }
0x176: {  	v3 =	vand.u32 $0x7, v3;
	v4 =	vand.u32 $0xFFFFFFF0, v61  }
0x177: {  	v3 =	vor.u32 v3, v4  }
0x178: {  	v4 =	vperm.xlane v3, v0;
	_ =	sdelay $0x1  }
0x179: {  	v3 =	vperm.xlane v3, v2;
	v4 =	vadd.s32 v1, v4;
	_ =	sdelay $0x1  }
0x17a: {  	v3 =	vadd.s32 v1, v3;
	_ =	sdelay $0x2  }
0x17b: {  	[tilespmem:s16], [sflag:$0x4] =	stream.indirect_vreg.gather [hbm4b:s3+s2], $0x80, v4, vm0, $0xb8;
	[tilespmem:$0x10100] =	vst v63  }
0x17c: {  	_ = 	snop  }
0x17d: {  	[tilespmem:s17], [sflag:$0x4] =	stream.indirect_vreg.gather [hbm4b:s3+s2], $0x80, v3, vm0, $0xb8;
	[tilespmem:$0x10100] =	vst v63  }
0x17e: {  	v3 =	vld [tilespmem:$0xE0];
	_ =	sdelay $0x4  }
0x17f: {  	v62 =	vshll.u32 v3, $0x1  }
0x180: {  	v3 =	vand.u32 $0x7, v3;
	v4 =	vand.u32 $0xFFFFFFF0, v62  }
0x181: {  	v3 =	vor.u32 v3, v4  }
0x182: {  	v4 =	vperm.xlane v3, v0;
	_ =	sdelay $0x1  }
0x183: {  	v3 =	vperm.xlane v3, v2;
	v4 =	vadd.s32 v1, v4;
	_ =	sdelay $0x1  }
0x184: {  	v3 =	vadd.s32 v1, v3;
	_ =	sdelay $0x2  }
0x185: {  	[tilespmem:s18], [sflag:$0x4] =	stream.indirect_vreg.gather [hbm4b:s3+s2], $0x80, v4, vm0, $0xb8;
	[tilespmem:$0x10100] =	vst v63  }
0x186: {  	_ = 	snop  }
0x187: {  	[tilespmem:s19], [sflag:$0x4] =	stream.indirect_vreg.gather [hbm4b:s3+s2], $0x80, v3, vm0, $0xb8;
	[tilespmem:$0x10100] =	vst v63  }
0x188: {  	v3 =	vld [tilespmem:$0xF0];
	_ =	sdelay $0x4  }
0x189: {  	v63 =	vshll.u32 v3, $0x1  }
0x18a: {  	v3 =	vand.u32 $0x7, v3;
	v4 =	vand.u32 $0xFFFFFFF0, v63  }
0x18b: {  	v3 =	vor.u32 v3, v4  }
0x18c: {  	v4 =	vperm.xlane v3, v0;
	_ =	sdelay $0x1  }
0x18d: {  	v4 =	vadd.s32 v1, v4  }
0x18e: {  	v3 =	vperm.xlane v3, v2;
	_ =	sdelay $0x1  }
0x18f: {  	v3 =	vadd.s32 v1, v3  }
0x190: {  	p0 =	sne.s32 s28, $0x9400  }
0x191: {  	[tilespmem:s20], [sflag:$0x4] =	stream.indirect_vreg.gather [hbm4b:s3+s2], $0x80, v4, vm0, $0xb8;
	[tilespmem:$0x10100] =	vst v63  }
.Ltmp0:
0x192: {  	_ = 	snop;
	(pc) =	sbr.rel @p0 .LBB2_2-.Ltmp0, $4  }
0x193: {  	_ = 	snop  }
0x194: {  	[tilespmem:s21], [sflag:$0x4] =	stream.indirect_vreg.gather [hbm4b:s3+s2], $0x80, v3, vm0, $0xb8;
	[tilespmem:$0x10100] =	vst v63  }
0x195: {  	s28 =	sadd.s32 $0x400, s28;
	s29 =	sadd.s32 $0x800, s29;
	s26 =	sadd.s32 $0x40000, s26  }
0x196: {  	[tilespmem:s2], [sflag:$0x1] =	stream.linear.gather [hbm4b:s29+s2], $0x80, $0x38;
	[tilespmem:$0x10100] =	vst v63  }
0x197: {  	_ =	swait.ge [sflag:s22], $0x8000  }
0x198: {  	[sflag:s22] =	ssyncset.done $0x0  }
0x199: {  	s26 =	rddreg [dreg:$0x8];
	[sflag:s22] =	ssyncadd.s32 $0xFFFF8000  }
0x19a: {  	[hbm4b:s26+s2] =	stream.linear.scatter [tilespmem:s7], [sflag:$0x6], $0x8000, $0x38;
	[tilespmem:$0x10100] =	vst v63  }
0x19b: {  	_ =	swait.ge [sflag:s23], $0x80  }
0x19c: {  	[sflag:s23] =	ssyncset.done $0x0  }
0x19d: {  	[sflag:s23] =	ssyncadd.s32 $0xFFFFFF80  }
0x19e: {  	_ =	swait.ge [sflag:s24], $0x8000  }
0x19f: {  	[sflag:s24] =	ssyncset.done $0x0  }
0x1a0: {  	[sflag:s24] =	ssyncadd.s32 $0xFFFF8000  }
0x1a1: {  	v3 =	vld [tilespmem:$0x0];
	_ =	sdelay $0x4  }
0x1a2: {  	v4 =	vshll.u32 v3, $0x1  }
0x1a3: {  	v3 =	vand.u32 $0x7, v3;
	v4 =	vand.u32 $0xFFFFFFF0, v4  }
0x1a4: {  	v3 =	vor.u32 v3, v4  }
0x1a5: {  	v4 =	vperm.xlane v3, v0;
	_ =	sdelay $0x1  }
0x1a6: {  	v3 =	vperm.xlane v3, v2;
	v4 =	vadd.s32 v1, v4;
	_ =	sdelay $0x1  }
0x1a7: {  	v3 =	vadd.s32 v1, v3;
	_ =	sdelay $0x2  }
0x1a8: {  	[tilespmem:s15], [sflag:$0x3] =	stream.indirect_vreg.gather [hbm4b:s3+s2], $0x80, v4, vm0, $0xb8;
	[tilespmem:$0x10100] =	vst v63  }
0x1a9: {  	s29 =	simm.s32 $0x900  }
0x1aa: {  	[tilespmem:s29], [sflag:$0x3] =	stream.indirect_vreg.gather [hbm4b:s3+s2], $0x80, v3, vm0, $0xb8;
	[tilespmem:$0x10100] =	vst v63  }
0x1ab: {  	v3 =	vld [tilespmem:$0x10];
	_ =	sdelay $0x4  }
0x1ac: {  	v49 =	vshll.u32 v3, $0x1  }
0x1ad: {  	v3 =	vand.u32 $0x7, v3;
	v4 =	vand.u32 $0xFFFFFFF0, v49  }
0x1ae: {  	v3 =	vor.u32 v3, v4  }
0x1af: {  	v4 =	vperm.xlane v3, v0;
	_ =	sdelay $0x1  }
0x1b0: {  	v3 =	vperm.xlane v3, v2;
	v4 =	vadd.s32 v1, v4;
	_ =	sdelay $0x1  }
0x1b1: {  	v3 =	vadd.s32 v1, v3;
	_ =	sdelay $0x1  }
0x1b2: {  	s30 =	simm.s32 $0x1100  }
0x1b3: {  	[tilespmem:s30], [sflag:$0x3] =	stream.indirect_vreg.gather [hbm4b:s3+s2], $0x80, v4, vm0, $0xb8;
	[tilespmem:$0x10100] =	vst v63  }
0x1b4: {  	s29 =	simm.s32 $0x1900  }
0x1b5: {  	[tilespmem:s29], [sflag:$0x3] =	stream.indirect_vreg.gather [hbm4b:s3+s2], $0x80, v3, vm0, $0xb8;
	[tilespmem:$0x10100] =	vst v63  }
0x1b6: {  	v3 =	vld [tilespmem:$0x20];
	_ =	sdelay $0x4  }
0x1b7: {  	v50 =	vshll.u32 v3, $0x1  }
0x1b8: {  	v3 =	vand.u32 $0x7, v3;
	v4 =	vand.u32 $0xFFFFFFF0, v50  }
0x1b9: {  	v3 =	vor.u32 v3, v4  }
0x1ba: {  	v4 =	vperm.xlane v3, v0;
	_ =	sdelay $0x1  }
0x1bb: {  	v3 =	vperm.xlane v3, v2;
	v4 =	vadd.s32 v1, v4;
	_ =	sdelay $0x1  }
0x1bc: {  	v3 =	vadd.s32 v1, v3;
	_ =	sdelay $0x1  }
0x1bd: {  	s30 =	simm.s32 $0x2100  }
0x1be: {  	[tilespmem:s30], [sflag:$0x3] =	stream.indirect_vreg.gather [hbm4b:s3+s2], $0x80, v4, vm0, $0xb8;
	[tilespmem:$0x10100] =	vst v63  }
0x1bf: {  	s29 =	simm.s32 $0x2900  }
0x1c0: {  	[tilespmem:s29], [sflag:$0x3] =	stream.indirect_vreg.gather [hbm4b:s3+s2], $0x80, v3, vm0, $0xb8;
	[tilespmem:$0x10100] =	vst v63  }
0x1c1: {  	v3 =	vld [tilespmem:$0x30];
	_ =	sdelay $0x4  }
0x1c2: {  	v51 =	vshll.u32 v3, $0x1  }
0x1c3: {  	v3 =	vand.u32 $0x7, v3;
	v4 =	vand.u32 $0xFFFFFFF0, v51  }
0x1c4: {  	v3 =	vor.u32 v3, v4  }
0x1c5: {  	v4 =	vperm.xlane v3, v0;
	_ =	sdelay $0x1  }
0x1c6: {  	v3 =	vperm.xlane v3, v2;
	v4 =	vadd.s32 v1, v4;
	_ =	sdelay $0x1  }
0x1c7: {  	v3 =	vadd.s32 v1, v3;
	_ =	sdelay $0x1  }
0x1c8: {  	s30 =	simm.s32 $0x3100  }
0x1c9: {  	[tilespmem:s30], [sflag:$0x3] =	stream.indirect_vreg.gather [hbm4b:s3+s2], $0x80, v4, vm0, $0xb8;
	[tilespmem:$0x10100] =	vst v63  }
0x1ca: {  	s29 =	simm.s32 $0x3900  }
0x1cb: {  	[tilespmem:s29], [sflag:$0x3] =	stream.indirect_vreg.gather [hbm4b:s3+s2], $0x80, v3, vm0, $0xb8;
	[tilespmem:$0x10100] =	vst v63  }
0x1cc: {  	v3 =	vld [tilespmem:$0x40];
	_ =	sdelay $0x4  }
0x1cd: {  	v52 =	vshll.u32 v3, $0x1  }
0x1ce: {  	v3 =	vand.u32 $0x7, v3;
	v4 =	vand.u32 $0xFFFFFFF0, v52  }
0x1cf: {  	v3 =	vor.u32 v3, v4  }
0x1d0: {  	v4 =	vperm.xlane v3, v0;
	_ =	sdelay $0x1  }
0x1d1: {  	v3 =	vperm.xlane v3, v2;
	v4 =	vadd.s32 v1, v4;
	_ =	sdelay $0x1  }
0x1d2: {  	v3 =	vadd.s32 v1, v3;
	_ =	sdelay $0x1  }
0x1d3: {  	s30 =	simm.s32 $0x4100  }
0x1d4: {  	[tilespmem:s30], [sflag:$0x3] =	stream.indirect_vreg.gather [hbm4b:s3+s2], $0x80, v4, vm0, $0xb8;
	[tilespmem:$0x10100] =	vst v63  }
0x1d5: {  	s29 =	simm.s32 $0x4900  }
0x1d6: {  	[tilespmem:s29], [sflag:$0x3] =	stream.indirect_vreg.gather [hbm4b:s3+s2], $0x80, v3, vm0, $0xb8;
	[tilespmem:$0x10100] =	vst v63  }
0x1d7: {  	v3 =	vld [tilespmem:$0x50];
	_ =	sdelay $0x4  }
0x1d8: {  	v53 =	vshll.u32 v3, $0x1  }
0x1d9: {  	v3 =	vand.u32 $0x7, v3;
	v4 =	vand.u32 $0xFFFFFFF0, v53  }
0x1da: {  	v3 =	vor.u32 v3, v4  }
0x1db: {  	v4 =	vperm.xlane v3, v0;
	_ =	sdelay $0x1  }
0x1dc: {  	v3 =	vperm.xlane v3, v2;
	v4 =	vadd.s32 v1, v4;
	_ =	sdelay $0x1  }
0x1dd: {  	v3 =	vadd.s32 v1, v3;
	_ =	sdelay $0x1  }
0x1de: {  	s30 =	simm.s32 $0x5100  }
0x1df: {  	[tilespmem:s30], [sflag:$0x3] =	stream.indirect_vreg.gather [hbm4b:s3+s2], $0x80, v4, vm0, $0xb8;
	[tilespmem:$0x10100] =	vst v63  }
0x1e0: {  	s29 =	simm.s32 $0x5900  }
0x1e1: {  	[tilespmem:s29], [sflag:$0x3] =	stream.indirect_vreg.gather [hbm4b:s3+s2], $0x80, v3, vm0, $0xb8;
	[tilespmem:$0x10100] =	vst v63  }
0x1e2: {  	v3 =	vld [tilespmem:$0x60];
	_ =	sdelay $0x4  }
0x1e3: {  	v54 =	vshll.u32 v3, $0x1  }
0x1e4: {  	v3 =	vand.u32 $0x7, v3;
	v4 =	vand.u32 $0xFFFFFFF0, v54  }
0x1e5: {  	v3 =	vor.u32 v3, v4  }
0x1e6: {  	v4 =	vperm.xlane v3, v0;
	_ =	sdelay $0x1  }
0x1e7: {  	v3 =	vperm.xlane v3, v2;
	v4 =	vadd.s32 v1, v4;
	_ =	sdelay $0x1  }
0x1e8: {  	v3 =	vadd.s32 v1, v3;
	_ =	sdelay $0x1  }
0x1e9: {  	s30 =	simm.s32 $0x6100  }
0x1ea: {  	[tilespmem:s30], [sflag:$0x3] =	stream.indirect_vreg.gather [hbm4b:s3+s2], $0x80, v4, vm0, $0xb8;
	[tilespmem:$0x10100] =	vst v63  }
0x1eb: {  	s29 =	simm.s32 $0x6900  }
0x1ec: {  	[tilespmem:s29], [sflag:$0x3] =	stream.indirect_vreg.gather [hbm4b:s3+s2], $0x80, v3, vm0, $0xb8;
	[tilespmem:$0x10100] =	vst v63  }
0x1ed: {  	v3 =	vld [tilespmem:$0x70];
	_ =	sdelay $0x4  }
0x1ee: {  	v55 =	vshll.u32 v3, $0x1  }
0x1ef: {  	v3 =	vand.u32 $0x7, v3;
	v4 =	vand.u32 $0xFFFFFFF0, v55  }
0x1f0: {  	v3 =	vor.u32 v3, v4  }
0x1f1: {  	v4 =	vperm.xlane v3, v0;
	_ =	sdelay $0x1  }
0x1f2: {  	v3 =	vperm.xlane v3, v2;
	v4 =	vadd.s32 v1, v4;
	_ =	sdelay $0x1  }
0x1f3: {  	v3 =	vadd.s32 v1, v3;
	_ =	sdelay $0x1  }
0x1f4: {  	s30 =	simm.s32 $0x7100  }
0x1f5: {  	[tilespmem:s30], [sflag:$0x3] =	stream.indirect_vreg.gather [hbm4b:s3+s2], $0x80, v4, vm0, $0xb8;
	[tilespmem:$0x10100] =	vst v63  }
0x1f6: {  	_ = 	snop  }
0x1f7: {  	[tilespmem:s31], [sflag:$0x3] =	stream.indirect_vreg.gather [hbm4b:s3+s2], $0x80, v3, vm0, $0xb8;
	[tilespmem:$0x10100] =	vst v63  }
0x1f8: {  	s29 =	rddreg [dreg:$0x9]  }
0x1f9: {  	[tilespmem:s0], [sflag:$0x2] =	stream.linear.gather [hbm4b:s29+s2], $0x80, $0x38;
	[tilespmem:$0x10100] =	vst v63  }
0x1fa: {  	_ =	swait.ge [sflag:s1], $0x8000  }
0x1fb: {  	[sflag:s1] =	ssyncset.done $0x0  }
0x1fc: {  	s30 =	rddreg [dreg:$0xa];
	[sflag:s1] =	ssyncadd.s32 $0xFFFF8000  }
0x1fd: {  	[hbm4b:s30+s2] =	stream.linear.scatter [tilespmem:s15], [sflag:$0x5], $0x8000, $0x38;
	[tilespmem:$0x10100] =	vst v63  }
0x1fe: {  	_ =	swait.ge [sflag:s5], $0x80  }
0x1ff: {  	[sflag:s5] =	ssyncset.done $0x0  }
0x200: {  	[sflag:s5] =	ssyncadd.s32 $0xFFFFFF80  }
0x201: {  	_ =	swait.ge [sflag:s25], $0x8000  }
0x202: {  	[sflag:s25] =	ssyncset.done $0x0  }
0x203: {  	[sflag:s25] =	ssyncadd.s32 $0xFFFF8000  }
0x204: {  	v3 =	vld [tilespmem:$0x80];
	_ =	sdelay $0x4  }
0x205: {  	v56 =	vshll.u32 v3, $0x1  }
0x206: {  	v3 =	vand.u32 $0x7, v3;
	v4 =	vand.u32 $0xFFFFFFF0, v56  }
0x207: {  	v3 =	vor.u32 v3, v4  }
0x208: {  	v4 =	vperm.xlane v3, v0;
	_ =	sdelay $0x1  }
0x209: {  	v3 =	vperm.xlane v3, v2;
	v4 =	vadd.s32 v1, v4;
	_ =	sdelay $0x1  }
0x20a: {  	v3 =	vadd.s32 v1, v3;
	_ =	sdelay $0x2  }
0x20b: {  	[tilespmem:s7], [sflag:$0x4] =	stream.indirect_vreg.gather [hbm4b:s3+s2], $0x80, v4, vm0, $0xb8;
	[tilespmem:$0x10100] =	vst v63  }
0x20c: {  	_ = 	snop  }
0x20d: {  	[tilespmem:s8], [sflag:$0x4] =	stream.indirect_vreg.gather [hbm4b:s3+s2], $0x80, v3, vm0, $0xb8;
	[tilespmem:$0x10100] =	vst v63  }
0x20e: {  	v3 =	vld [tilespmem:$0x90];
	_ =	sdelay $0x4  }
0x20f: {  	v57 =	vshll.u32 v3, $0x1  }
0x210: {  	v3 =	vand.u32 $0x7, v3;
	v4 =	vand.u32 $0xFFFFFFF0, v57  }
0x211: {  	v3 =	vor.u32 v3, v4  }
0x212: {  	v4 =	vperm.xlane v3, v0;
	_ =	sdelay $0x1  }
0x213: {  	v3 =	vperm.xlane v3, v2;
	v4 =	vadd.s32 v1, v4;
	_ =	sdelay $0x1  }
0x214: {  	v3 =	vadd.s32 v1, v3;
	_ =	sdelay $0x2  }
0x215: {  	[tilespmem:s9], [sflag:$0x4] =	stream.indirect_vreg.gather [hbm4b:s3+s2], $0x80, v4, vm0, $0xb8;
	[tilespmem:$0x10100] =	vst v63  }
0x216: {  	_ = 	snop  }
0x217: {  	[tilespmem:s10], [sflag:$0x4] =	stream.indirect_vreg.gather [hbm4b:s3+s2], $0x80, v3, vm0, $0xb8;
	[tilespmem:$0x10100] =	vst v63  }
0x218: {  	v3 =	vld [tilespmem:$0xA0];
	_ =	sdelay $0x4  }
0x219: {  	v58 =	vshll.u32 v3, $0x1  }
0x21a: {  	v3 =	vand.u32 $0x7, v3;
	v4 =	vand.u32 $0xFFFFFFF0, v58  }
0x21b: {  	v3 =	vor.u32 v3, v4  }
0x21c: {  	v4 =	vperm.xlane v3, v0;
	_ =	sdelay $0x1  }
0x21d: {  	v3 =	vperm.xlane v3, v2;
	v4 =	vadd.s32 v1, v4;
	_ =	sdelay $0x1  }
0x21e: {  	v3 =	vadd.s32 v1, v3;
	_ =	sdelay $0x2  }
0x21f: {  	[tilespmem:s11], [sflag:$0x4] =	stream.indirect_vreg.gather [hbm4b:s3+s2], $0x80, v4, vm0, $0xb8;
	[tilespmem:$0x10100] =	vst v63  }
0x220: {  	_ = 	snop  }
0x221: {  	[tilespmem:s12], [sflag:$0x4] =	stream.indirect_vreg.gather [hbm4b:s3+s2], $0x80, v3, vm0, $0xb8;
	[tilespmem:$0x10100] =	vst v63  }
0x222: {  	v3 =	vld [tilespmem:$0xB0];
	_ =	sdelay $0x4  }
0x223: {  	v59 =	vshll.u32 v3, $0x1  }
0x224: {  	v3 =	vand.u32 $0x7, v3;
	v4 =	vand.u32 $0xFFFFFFF0, v59  }
0x225: {  	v3 =	vor.u32 v3, v4  }
0x226: {  	v4 =	vperm.xlane v3, v0;
	_ =	sdelay $0x1  }
0x227: {  	v3 =	vperm.xlane v3, v2;
	v4 =	vadd.s32 v1, v4;
	_ =	sdelay $0x1  }
0x228: {  	v3 =	vadd.s32 v1, v3;
	_ =	sdelay $0x2  }
0x229: {  	[tilespmem:s13], [sflag:$0x4] =	stream.indirect_vreg.gather [hbm4b:s3+s2], $0x80, v4, vm0, $0xb8;
	[tilespmem:$0x10100] =	vst v63  }
0x22a: {  	_ = 	snop  }
0x22b: {  	[tilespmem:s4], [sflag:$0x4] =	stream.indirect_vreg.gather [hbm4b:s3+s2], $0x80, v3, vm0, $0xb8;
	[tilespmem:$0x10100] =	vst v63  }
0x22c: {  	v3 =	vld [tilespmem:$0xC0];
	_ =	sdelay $0x4  }
0x22d: {  	v60 =	vshll.u32 v3, $0x1  }
0x22e: {  	v3 =	vand.u32 $0x7, v3;
	v4 =	vand.u32 $0xFFFFFFF0, v60  }
0x22f: {  	v3 =	vor.u32 v3, v4  }
0x230: {  	v4 =	vperm.xlane v3, v0;
	_ =	sdelay $0x1  }
0x231: {  	v3 =	vperm.xlane v3, v2;
	v4 =	vadd.s32 v1, v4;
	_ =	sdelay $0x1  }
0x232: {  	v3 =	vadd.s32 v1, v3;
	_ =	sdelay $0x2  }
0x233: {  	[tilespmem:s6], [sflag:$0x4] =	stream.indirect_vreg.gather [hbm4b:s3+s2], $0x80, v4, vm0, $0xb8;
	[tilespmem:$0x10100] =	vst v63  }
0x234: {  	_ = 	snop  }
0x235: {  	[tilespmem:s14], [sflag:$0x4] =	stream.indirect_vreg.gather [hbm4b:s3+s2], $0x80, v3, vm0, $0xb8;
	[tilespmem:$0x10100] =	vst v63  }
0x236: {  	v3 =	vld [tilespmem:$0xD0];
	_ =	sdelay $0x4  }
0x237: {  	v61 =	vshll.u32 v3, $0x1  }
0x238: {  	v3 =	vand.u32 $0x7, v3;
	v4 =	vand.u32 $0xFFFFFFF0, v61  }
0x239: {  	v3 =	vor.u32 v3, v4  }
0x23a: {  	v4 =	vperm.xlane v3, v0;
	_ =	sdelay $0x1  }
0x23b: {  	v3 =	vperm.xlane v3, v2;
	v4 =	vadd.s32 v1, v4;
	_ =	sdelay $0x1  }
0x23c: {  	v3 =	vadd.s32 v1, v3;
	_ =	sdelay $0x2  }
0x23d: {  	[tilespmem:s16], [sflag:$0x4] =	stream.indirect_vreg.gather [hbm4b:s3+s2], $0x80, v4, vm0, $0xb8;
	[tilespmem:$0x10100] =	vst v63  }
0x23e: {  	_ = 	snop  }
0x23f: {  	[tilespmem:s17], [sflag:$0x4] =	stream.indirect_vreg.gather [hbm4b:s3+s2], $0x80, v3, vm0, $0xb8;
	[tilespmem:$0x10100] =	vst v63  }
0x240: {  	v3 =	vld [tilespmem:$0xE0];
	_ =	sdelay $0x4  }
0x241: {  	v62 =	vshll.u32 v3, $0x1  }
0x242: {  	v3 =	vand.u32 $0x7, v3;
	v4 =	vand.u32 $0xFFFFFFF0, v62  }
0x243: {  	v3 =	vor.u32 v3, v4  }
0x244: {  	v4 =	vperm.xlane v3, v0;
	_ =	sdelay $0x1  }
0x245: {  	v3 =	vperm.xlane v3, v2;
	v4 =	vadd.s32 v1, v4;
	_ =	sdelay $0x1  }
0x246: {  	v3 =	vadd.s32 v1, v3;
	_ =	sdelay $0x2  }
0x247: {  	[tilespmem:s18], [sflag:$0x4] =	stream.indirect_vreg.gather [hbm4b:s3+s2], $0x80, v4, vm0, $0xb8;
	[tilespmem:$0x10100] =	vst v63  }
0x248: {  	_ = 	snop  }
0x249: {  	[tilespmem:s19], [sflag:$0x4] =	stream.indirect_vreg.gather [hbm4b:s3+s2], $0x80, v3, vm0, $0xb8;
	[tilespmem:$0x10100] =	vst v63  }
0x24a: {  	v3 =	vld [tilespmem:$0xF0];
	_ =	sdelay $0x4  }
0x24b: {  	v63 =	vshll.u32 v3, $0x1  }
0x24c: {  	v3 =	vand.u32 $0x7, v3;
	v4 =	vand.u32 $0xFFFFFFF0, v63  }
0x24d: {  	v3 =	vor.u32 v3, v4  }
0x24e: {  	v4 =	vperm.xlane v3, v0;
	_ =	sdelay $0x1  }
0x24f: {  	v3 =	vperm.xlane v3, v2;
	v4 =	vadd.s32 v1, v4;
	_ =	sdelay $0x1  }
0x250: {  	v3 =	vadd.s32 v1, v3;
	_ =	sdelay $0x2  }
0x251: {  	[tilespmem:s20], [sflag:$0x4] =	stream.indirect_vreg.gather [hbm4b:s3+s2], $0x80, v4, vm0, $0xb8;
	[tilespmem:$0x10100] =	vst v63  }
0x252: {  	_ = 	snop  }
0x253: {  	[tilespmem:s21], [sflag:$0x4] =	stream.indirect_vreg.gather [hbm4b:s3+s2], $0x80, v3, vm0, $0xb8;
	[tilespmem:$0x10100] =	vst v63  }
0x254: {  	_ =	swait.ge [sflag:s22], $0x8000  }
0x255: {  	[sflag:s22] =	ssyncset.done $0x0  }
0x256: {  	s29 =	rddreg [dreg:$0xb];
	[sflag:s22] =	ssyncadd.s32 $0xFFFF8000  }
0x257: {  	[hbm4b:s29+s2] =	stream.linear.scatter [tilespmem:s7], [sflag:$0x6], $0x8000, $0x38;
	[tilespmem:$0x10100] =	vst v63  }
0x258: {  	_ =	swait.ge [sflag:s24], $0x8000  }
0x259: {  	[sflag:s24] =	ssyncset.done $0x0  }
0x25a: {  	[sflag:s24] =	ssyncadd.s32 $0xFFFF8000  }
0x25b: {  	_ =	swait.ge [sflag:s25], $0x8000  }
0x25c: {  	s28 =	rddreg [dreg:$0xe]  }
0x25d: {  	s30 =	rddreg [dreg:$0xc];
	s28 =	sadd.s32 $0x1, s28  }
0x25e: {  	p0 =	sne.s32 s28, s30  }
.Ltmp1:
0x25f: {  	_ = 	snop;
	(pc) =	sbr.rel @p0 .LBB2_1-.Ltmp1, $3  }
0x260: {  	_ =	sdelay $0x1  }
0x261: {  	[sflag:s25] =	ssyncset.done $0x0  }
0x262: {  	[sflag:s25] =	ssyncadd.s32 $0xFFFF8000  }
0x263: {  	_ =	sfence.sel $0x180000  }
0x264: {  	[bflag:$0x0] =	sbarrier.arrive $0xFFFF  }
0x265: {  	_ =	strace $0x90000047  }
0x266: {  	s0 =	stileid.u32;
	[bflag:$0x2] =	sbarrier.arrive $0xFFFF  }
0x267: {  	p0 =	sne.s32 s0, $0x0;
	s0 =	rddreg [dreg:$0x2]  }
0x268: {  	s0 =	sadd.s32 @!p0 $0x100000, s0  }
0x269: {  	[sflag:s0] =	ssyncadd.tile.s32 @!p0 $0x1;
	_ =	shalt  }
.Lfunc_end2:
_tile_overlayer_lowered:
.L_overlay_start_2:
0x26a: {  	(tag) =	ssettag $0x2  }
0x26b: {  	s0 =	rddreg [dreg:$0x0];
	s2 =	stileid.u32  }
0x26c: {  	s1 =	rddreg [dreg:$0x1];
	p0 =	sne.s32 s2, $0x0  }
0x26d: {  	s3 =	rddreg [dreg:$0x2];
	[bflag:$0x3] =	sbarrier.arrive $0xFFFF;
	s2 =	simm.s32 @!p0 $0x1C07  }
0x26e: {  	[timem:s3], [sflag:s2] =	dma.local @!p0 [hbm:s0], s1  }
0x26f: {  	s0 =	simm.s32 @!p0 $0x7  }
0x270: {  	_ =	swait.ge @!p0 [sflag:s0], s1  }
0x271: {  	s1 =	ssub.s32 @!p0 $0x0, s1;
	[sflag:s0] =	ssyncset.done @!p0 $0x0  }
0x272: {  	[sflag:s0] =	ssyncadd.s32 @!p0 s1  }
0x273: {  	[bflag:$0x3] =	sbarrier.arrive $0xFFFF  }
0x274: {  	_ =	shalt  }

// kernel: kernel.9.cloned.1.call-start
scs
__scs_entry_jumppad:
0x0: {  	(pc) =	sbr.rel $0x88, $3  }
0x1: {  	(tag) =	ssettag $0x0;
	lr =	simm.s32 $0x1  }
0x2: {  	[smem:$0x3F87] =	sst lr;
	_ =	strace $0xD0000000  }
0x3: {  	_ = 	snop  }
0x4: {  	_ = 	snop  }
0x5: {  	_ = 	snop  }
0x6: {  	_ = 	snop  }
0x7: {  	_ = 	snop  }
__scs_overlays_trampoline_lowered:
0x8: {  	[smem:$0x3F96] =	sst s0  }
0x9: {  	[smem:$0x3F97] =	sst s1  }
0xa: {  	[smem:$0x3F98] =	sst s2  }
0xb: {  	[smem:$0x3F99] =	sst s3  }
0xc: {  	[smem:$0x3F9A] =	sst s4  }
0xd: {  	[smem:$0x3F9B] =	sst s5  }
0xe: {  	[smem:$0x3F9C] =	sst s6  }
0xf: {  	[smem:$0x3F9D] =	sst s7  }
0x10: {  	[smem:$0x3F9E] =	sst s8  }
0x11: {  	[smem:$0x3F9F] =	sst s9;
	s0 =	simm.s32 @!p0 $0x0  }
0x12: {  	s1 =	sld [smem:$0x3F85];
	s0 =	simm.s32 @p0 $0x1  }
0x13: {  	[smem:$0x3FA0] =	sst s0;
	s0 =	simm.s32 @!p1 $0x0  }
0x14: {  	s2 =	sld [smem:$0x3F84];
	s0 =	simm.s32 @p1 $0x1  }
0x15: {  	[smem:$0x3FA1] =	sst s0;
	s0 =	simm.s32 @!p2 $0x0  }
0x16: {  	s3 =	sld [smem:$0x3FDB];
	s0 =	simm.s32 @p2 $0x1  }
0x17: {  	s4 =	simm.s32 $0x1BF5;
	[smem:$0x3FA3] =	sst s0  }
0x18: {  	s0 =	sld [smem:$0x3F86];
	_ =	swait.ge [sflag:s4], $0x0  }
0x19: {  	s7 =	sld [smem:$0x3F87]  }
0x1a: {  	s8 =	sadd.s32 $0xFFFFE003, lr  }
0x1b: {  	s9 =	sadd.s32 $0xFFFFFEF7, lr;
	s5 =	simm.s32 $0xFFFFFFFF;
	p2 =	slt.u32 s8, $0xFFFFF086  }
0x1c: {  	p1 =	slt.u32 s9, $0xF7A;
	s5 =	simm.s32 @!p2 $0x0  }
0x1d: {  	s5 =	simm.s32 @p1 $0x1;
	p0 =	seq.s32 s7, s2  }
0x1e: {  	s7 =	smul.u32 @!p0 $0xF7A, s2;
	p2 =	seq.s32 @!p0 s5, $0x0  }
0x1f: {  	s9 =	smul.u32 $0xF7A, s1;
	s8 =	simm.s32 @!p0 $0x1BF5;
	p2 =	por !p2, p0  }
0x20: {  	[sflag:s8] =	ssyncset.s32 @!p0 $0xFFFFF086;
	s6 =	sadd.s32 @!p0 s3, s7;
	s7 =	simm.s32 @!p0 $0x108  }
0x21: {  	s3 =	sadd.s32 s3, s9;
	s6 =	sadd.s32 @!p0 $0x88, s6;
	s7 =	simm.s32 @p2 $0x1082  }
0x22: {  	[simem:s7], [sflag:s8] =	dma.local @!p0 [hbm:s6], $0xF7A  }
0x23: {  	s9 =	sor.u32 $0xD0000000, s2;
	s6 =	simm.s32 $0x108;
	_ =	swait.ge @!p0 [sflag:s8], $0x0  }
0x24: {  	s3 =	sadd.s32 $0x88, s3;
	s6 =	simm.s32 @!p1 $0x1082;
	[sflag:s4] =	ssyncset.s32 $0xFFFFF086  }
0x25: {  	[simem:s6], [sflag:s4] =	dma.local [hbm:s3], $0xF7A  }
0x26: {  	[smem:$0x3F87] =	sst s1;
	(tag) =	ssettag s2;
	_ =	strace s9  }
0x27: {  	s1 =	sld [smem:$0x3F97]  }
0x28: {  	s2 =	sld [smem:$0x3F98]  }
0x29: {  	s4 =	sld [smem:$0x3F9A]  }
0x2a: {  	p0 =	seq.s32 s5, $0x0;
	s5 =	sld [smem:$0x3F9B]  }
0x2b: {  	s6 =	sld [smem:$0x3F9C]  }
0x2c: {  	s7 =	sld [smem:$0x3F9D]  }
0x2d: {  	s3 =	simm.s32 $0x108;
	s8 =	sld [smem:$0x3F9E]  }
0x2e: {  	s3 =	simm.s32 @!p0 $0x1082;
	s9 =	sld [smem:$0x3F9F]  }
0x2f: {  	lr =	sadd.s32 s0, s3;
	s0 =	sld [smem:$0x3F96]  }
0x30: {  	s3 =	sld [smem:$0x3F99]  }
0x31: {  	[smem:$0x3FA2] =	sst s10  }
0x32: {  	s10 =	sld [smem:$0x3FA0];
	_ =	sdelay $0x3  }
0x33: {  	p0 =	seq.s32 s10, $0x1;
	s10 =	sld [smem:$0x3FA2];
	_ =	sdelay $0x3  }
0x34: {  	[smem:$0x3FA2] =	sst s10  }
0x35: {  	s10 =	sld [smem:$0x3FA1];
	_ =	sdelay $0x3  }
0x36: {  	p1 =	seq.s32 s10, $0x1;
	s10 =	sld [smem:$0x3FA2];
	_ =	sdelay $0x3  }
0x37: {  	[smem:$0x3FA2] =	sst s10  }
0x38: {  	s10 =	sld [smem:$0x3FA3]  }
0x39: {  	_ = 	snop;
	(pc) =	sbr.ind lr, $3  }
0x3a: {  	_ = 	snop  }
0x3b: {  	_ = 	snop  }
0x3c: {  	p2 =	seq.s32 s10, $0x1;
	s10 =	sld [smem:$0x3FA2]  }
0x3d: {  	_ =	shalt  }
0x3e: {  	_ =	shalt  }
0x3f: {  	_ =	shalt  }
0x40: {  	_ =	shalt  }
0x41: {  	_ =	shalt  }
0x42: {  	_ =	shalt  }
0x43: {  	_ =	shalt  }
0x44: {  	_ =	shalt  }
0x45: {  	_ =	shalt  }
0x46: {  	_ =	shalt  }
0x47: {  	_ =	shalt  }
0x48: {  	_ =	shalt  }
0x49: {  	_ =	shalt  }
0x4a: {  	_ =	shalt  }
0x4b: {  	_ =	shalt  }
0x4c: {  	_ =	shalt  }
0x4d: {  	_ =	shalt  }
0x4e: {  	_ =	shalt  }
0x4f: {  	_ =	shalt  }
0x50: {  	_ =	shalt  }
0x51: {  	_ =	shalt  }
0x52: {  	_ =	shalt  }
0x53: {  	_ =	shalt  }
0x54: {  	_ =	shalt  }
0x55: {  	_ =	shalt  }
0x56: {  	_ =	shalt  }
0x57: {  	_ =	shalt  }
0x58: {  	_ =	shalt  }
0x59: {  	_ =	shalt  }
0x5a: {  	_ =	shalt  }
0x5b: {  	_ =	shalt  }
0x5c: {  	_ =	shalt  }
0x5d: {  	_ =	shalt  }
0x5e: {  	_ =	shalt  }
0x5f: {  	_ =	shalt  }
0x60: {  	_ =	shalt  }
0x61: {  	_ =	shalt  }
0x62: {  	_ =	shalt  }
0x63: {  	_ =	shalt  }
0x64: {  	_ =	shalt  }
0x65: {  	_ =	shalt  }
0x66: {  	_ =	shalt  }
0x67: {  	_ =	shalt  }
0x68: {  	_ =	shalt  }
0x69: {  	_ =	shalt  }
0x6a: {  	_ =	shalt  }
0x6b: {  	_ =	shalt  }
0x6c: {  	_ =	shalt  }
0x6d: {  	_ =	shalt  }
0x6e: {  	_ =	shalt  }
0x6f: {  	_ =	shalt  }
0x70: {  	_ =	shalt  }
0x71: {  	_ =	shalt  }
0x72: {  	_ =	shalt  }
0x73: {  	_ =	shalt  }
0x74: {  	_ =	shalt  }
0x75: {  	_ =	shalt  }
0x76: {  	_ =	shalt  }
0x77: {  	_ =	shalt  }
0x78: {  	_ =	shalt  }
0x79: {  	_ =	shalt  }
0x7a: {  	_ =	shalt  }
0x7b: {  	_ =	shalt  }
0x7c: {  	_ =	shalt  }
0x7d: {  	_ =	shalt  }
0x7e: {  	_ =	shalt  }
0x7f: {  	_ =	shalt  }
0x80: {  	_ =	shalt  }
0x81: {  	_ =	shalt  }
0x82: {  	_ =	shalt  }
0x83: {  	_ =	shalt  }
0x84: {  	_ =	shalt  }
0x85: {  	_ =	shalt  }
0x86: {  	_ =	shalt  }
0x87: {  	_ =	shalt  }
.Lfunc_end0:
.L_simem_size_0:
called_computation.1_lowered:
.L_overlay_start_0:
0x88: {  	s2 =	sld [smem:$0x3FD9]  }
0x89: {  	s3 =	sld [smem:$0x3FFE];
	_ =	sdelay $0x1  }
0x8a: {  	s1 =	srdreg.scid  }
0x8b: {  	s0 =	sand.u32 $0x1, s1  }
0x8c: {  	s16 =	sshll.u32 s0, $0xA;
	s2 =	sadd.s32 s3, s2  }
0x8d: {  	s2 =	sadd.s32 s2, s16  }
0x8e: {  	[smem:$0x3FAE] =	sst s2  }
0x8f: {  	_ = 	snop  }
0x90: {  	(tm) =	ssettm $0x1  }
0x91: {  	s17 =	sld [smem:$0x3FFB];
	_ =	sdelay $0x3  }
0x92: {  	_ =	strace s17  }
0x93: {  	s2 =	sld [smem:$0x3FFC];
	_ =	sdelay $0x3  }
0x94: {  	_ =	strace s2  }
0x95: {  	s2 =	sld [smem:$0x3FFD];
	_ =	sdelay $0x3  }
0x96: {  	_ =	strace s2  }
0x97: {  	_ =	strace $0x8FFFFFFF  }
0x98: {  	s18 =	sld [smem:$0x3FDB];
	_ =	sdelay $0x1  }
0x99: {  	s19 =	simm.s32 $_scs_section_size  }
0x9a: {  	s4 =	simm.s32 $_size__tile_overlayer_lowered;
	s5 =	simm.s32 $_tile_overlayer_lowered  }
0x9b: {  	s22 =	simm.s32 $0x1BFF;
	s21 =	sshll.u32 s5, $0x1;
	s2 =	sadd.s32 s19, s18  }
0x9c: {  	s6 =	simm.s32 $0x0;
	s20 =	sshll.u32 s4, $0x1;
	s4 =	sadd.s32 s21, s2  }
0x9d: {  	[timem:s6], [sflag:s22] =	dma.local [hbm:s4], s20  }
0x9e: {  	_ =	swait.ge [sflag:s22], s20  }
0x9f: {  	s3 =	ssub.s32 $0x0, s20;
	[sflag:s22] =	ssyncset.done $0x0  }
0xa0: {  	[sflag:s22] =	ssyncadd.s32 s3;
	_ =	sdelay $0x1  }
0xa1: {  	s23 =	simm.s32 $0x1B8B  }
0xa2: {  	_ =	swait.ge [sflag:s23], $0x1  }
0xa3: {  	[sflag:s23] =	ssyncset.done $0x0  }
0xa4: {  	s25 =	simm.s32 $0x1B8E;
	s24 =	sld [smem:$0x3FFE];
	[sflag:s23] =	ssyncadd.s32 $0xFFFFFFFF  }
0xa5: {  	s26 =	simm.s32 $execute0_lowered;
	[smem:$0x3FD2] =	sst s25  }
0xa6: {  	s4 =	sshll.u32 s26, $0x1;
	_ =	strace $0x80000049;
	[dreg:$0x1] =	wrdreg $0xFFFFFFFF  }
0xa7: {  	s28 =	simm.s32 $_size_execute0_lowered;
	s2 =	sadd.s32 s2, s4;
	[dreg:$0x0] =	wrdreg $0x0  }
0xa8: {  	s4 =	sshll.u32 s28, $0x1;
	[dreg:$0x2] =	wrdreg s2  }
0xa9: {  	[dreg:$0x3] =	wrdreg s4  }
0xaa: {  	[dreg:$0x4] =	wrdreg $0xC0  }
0xab: {  	_ =	task [dreg:s6], $0x5FFFF  }
0xac: {  	[dreg:$0x1] =	wrdreg $0xFFFFFFFF  }
0xad: {  	[dreg:$0x0] =	wrdreg $0x60  }
0xae: {  	[dreg:$0x2] =	wrdreg s24  }
0xaf: {  	[dreg:$0x3] =	wrdreg $0x0  }
0xb0: {  	[dreg:$0x4] =	wrdreg $0x9  }
0xb1: {  	_ =	task.clear_ibuf [dreg:s6], $0x5FFFF;
	_ =	strace $0x90000049  }
0xb2: {  	s29 =	simm.s32 $0x9;
	_ =	strace $0x8000004B  }
0xb3: {  	_ =	swait.ge [sflag:s29], $0x1  }
0xb4: {  	[sflag:s29] =	ssyncadd.s32 $0xFFFFFFFF  }
0xb5: {  	_ =	strace $0x9000004B  }
0xb6: {  	_ =	sfence  }
0xb7: {  	s30 =	sld [smem:$0x0];
	_ =	sdelay $0x2  }
0xb8: {  	s31 =	sshll.u32 s1, $0xD;
	s1 =	sshrl.u32 s1, $0x2  }
0xb9: {  	s3 =	sand.u32 $0x4000, s31;
	s1 =	sadd.s32 s1, s30  }
0xba: {  	s0 =	sor.u32 s3, s0;
	s1 =	sshll.u32 s1, $0x11  }
0xbb: {  	s0 =	sor.u32 s1, s0  }
0xbc: {  	s0 =	sadd.s32 $0x8F2B, s0  }
0xbd: {  	[sflag:s0] =	ssyncadd.remote.s32 $0x1  }
0xbe: {  	_ =	sfence.sel $0xFFFF  }
0xbf: {  	[dreg:$0x0] =	wrdreg $0xFFFFFFFF;
	(pc) =	sbr.abs _section_cstart, $3  }
0xc0: {  	[dreg:$0x1] =	wrdreg $0xFFFFFFFF  }
0xc1: {  	_ =	task.clear_ibuf [dreg:s6], $0x2FFFF;
	_ =	strace $0x9FFFFFFF  }
0xc2: {  	(tm) =	ssettm $0x7FFFFFFF  }
0xc3: {  	_ =	shalt  }
tec
execute0_lowered:
.L_overlay_start_1:
0x0: {  	(tag) =	ssettag $0x1  }
0x1: {  	s4 =	rddreg [dreg:$0x0]  }
0x2: {  	s1 =	rddreg [dreg:$0x1]  }
0x3: {  	s0 =	rddreg [dreg:$0x2];
	s3 =	simm.s32 $0x0;
	s5 =	srdreg.scid  }
0x4: {  	s2 =	stileid.u32;
	s17 =	simm.s32 $0x1;
	s18 =	simm.s32 $0x13C00  }
0x5: {  	s19 =	simm.s32 $0x400;
	s20 =	simm.s32 $0x1000;
	s21 =	simm.s32 $0x13C80  }
0x6: {  	[smem:$0x7FF] =	sst s3;
	s6 =	sand.u32 $0x1, s5;
	s8 =	smul.u32 $0x4F000, s2  }
0x7: {  	s22 =	sshll.u32 s2, $0x8;
	s9 =	sshll.u32 s2, $0xE;
	s10 =	smul.u32 $0x2780, s2  }
0x8: {  	s30 =	sshll.u32 s2, $0x6;
	s7 =	sshll.u32 s6, $0x7;
	_ =	strace $0x8000004A  }
0x9: {  	s23 =	smul.u32 $0x4F0000, s6;
	s9 =	sadd.s32 s9, s4;
	s26 =	ssub.s32 $0x2, s6  }
0xa: {  	s31 =	sshll.u32 s6, $0xD;
	s5 =	sor.u32 s7, s22;
	s25 =	sadd.s32 s10, s4  }
0xb: {  	s28 =	sshrl.u32 s26, $0x1;
	s29 =	sshrl.u32 s8, $0x2;
	s15 =	sadd.s32 s31, s9  }
0xc: {  	s22 =	simm.s32 $0x80;
	s5 =	sshrl.u32 s5, $0x3;
	s24 =	sadd.s32 s8, s23  }
0xd: {  	s13 =	ssub.s32 s26, s28;
	s16 =	sadd.s32 s29, s1;
	s10 =	sadd.s32 $0x16B9C00, s15  }
0xe: {  	s14 =	sadd.s32 $0x16B9D00, s15;
	s23 =	simm.s32 $0x8;
	s12 =	sadd.s32 s5, s4  }
0xf: {  	s5 =	sshrl.u32 s24, $0x3;
	s16 =	sshrl.u32 s16, $0x3;
	s24 =	simm.s32 $0x200  }
0x10: {  	s11 =	sadd.s32 s5, s4;
	s4 =	sadd.s32 $0x4A00, s25;
	s5 =	sor.u32 $0x1C01, s30  }
0x11: {  	s12 =	sadd.s32 $0xA52C00, s12;
	s25 =	simm.s32 $0x0;
	s6 =	sadd.s32 $0x2C200, s11  }
0x12: {  	s7 =	sadd.s32 $0x2C280, s11;
	s8 =	sadd.s32 $0x2C300, s11;
	s9 =	sadd.s32 $0x2C380, s11  }
0x13: {  	s11 =	smax.u32 s13, $0x1;
	s13 =	sadd.s32 $0x16B9C80, s15;
	s15 =	sadd.s32 $0x16B9D80, s15  }
.LBB2_1:
0x14: {  	[spmem:s16], [sflag:s5] =	dma.local [hbm:s4], $0x2780  }
0x15: {  	_ =	swait.ge [sflag:s17], $0x2780  }
0x16: {  	[sflag:s17] =	ssyncset.done $0x0  }
0x17: {  	[sflag:s17] =	ssyncadd.s32 $0xFFFFD880  }
0x18: {  	s26 =	sadd.s32 $0x0, s12;
	[bflag:$0x0] =	sbarrier.arrive $0xFFFF  }
0x19: {  	[tilespmem:s18], [sflag:$0x1] =	stream.linear.gather [hbm4b:s26+s3], $0x80, $0x38;
	[tilespmem:$0x17C80] =	vst v63  }
0x1a: {  	_ =	swait.ge [sflag:s17], $0x80  }
0x1b: {  	[sflag:s17] =	ssyncset.done $0x0  }
0x1c: {  	[sflag:s17] =	ssyncadd.s32 $0xFFFFFF80  }
0x1d: {  	[tilespmem:s21], [sflag:$0x1] =	stream.strided.gather [hbm4b:s10+s19], $0x4000, s20, s19, $0x38;
	[tilespmem:$0x17C80] =	vst v63  }
0x1e: {  	_ =	swait.ge [sflag:s17], $0x4000  }
0x1f: {  	[sflag:s17] =	ssyncset.done $0x0  }
0x20: {  	[sflag:s17] =	ssyncadd.s32 $0xFFFFC000  }
0x21: {  	[spmem:s1] =	stream.indirect.scatter.add.f32 [tilespmem:s21], [sflag:$0x1], $0x80, s18, s22, $0xb8;
	[tilespmem:$0x17C80] =	vst v63  }
0x22: {  	s28 =	simm.s32 $0x200;
	_ =	swait.ge [sflag:s17], $0x4000  }
0x23: {  	s29 =	simm.s32 $0x400;
	s26 =	sadd.s32 $0x40000, s10;
	[sflag:s17] =	ssyncset.done $0x0  }
.LBB2_2:
0x24: {  	s30 =	sadd.s32 s28, s12  }
0x25: {  	[sflag:s17] =	ssyncadd.s32 $0xFFFFC000;
	s28 =	smov.u32 s29;
	s31 =	sadd.s32 $0x200, s29  }
0x26: {  	[tilespmem:s18], [sflag:$0x1] =	stream.linear.gather [hbm4b:s30+s3], $0x80, $0x38;
	[tilespmem:$0x17C80] =	vst v63  }
0x27: {  	p0 =	sne.s32 s29, $0x4E00;
	_ =	swait.ge [sflag:s17], $0x80  }
0x28: {  	[sflag:s17] =	ssyncset.done $0x0  }
0x29: {  	[sflag:s17] =	ssyncadd.s32 $0xFFFFFF80  }
0x2a: {  	[tilespmem:s21], [sflag:$0x1] =	stream.strided.gather [hbm4b:s26+s19], $0x4000, s20, s19, $0x38;
	[tilespmem:$0x17C80] =	vst v63  }
0x2b: {  	_ =	swait.ge [sflag:s17], $0x4000  }
.Ltmp0:
0x2c: {  	[sflag:s17] =	ssyncset.done $0x0;
	(pc) =	sbr.rel @p0 .LBB2_2-.Ltmp0, $4  }
0x2d: {  	[sflag:s17] =	ssyncadd.s32 $0xFFFFC000  }
0x2e: {  	[spmem:s1] =	stream.indirect.scatter.add.f32 [tilespmem:s21], [sflag:$0x1], $0x80, s18, s22, $0xb8;
	[tilespmem:$0x17C80] =	vst v63  }
0x2f: {  	_ =	swait.ge [sflag:s17], $0x4000  }
0x30: {  	s29 =	smov.u32 s31;
	s26 =	sadd.s32 $0x40000, s26;
	[sflag:s17] =	ssyncset.done $0x0  }
0x31: {  	s28 =	sadd.s32 s28, s12;
	[sflag:s17] =	ssyncadd.s32 $0xFFFFC000  }
0x32: {  	[tilespmem:s18], [sflag:$0x1] =	stream.linear.gather [hbm4b:s28+s3], $0x80, $0x38;
	[tilespmem:$0x17C80] =	vst v63  }
0x33: {  	_ =	swait.ge [sflag:s17], $0x80  }
0x34: {  	[sflag:s17] =	ssyncset.done $0x0  }
0x35: {  	[sflag:s17] =	ssyncadd.s32 $0xFFFFFF80  }
0x36: {  	[tilespmem:s21], [sflag:$0x1] =	stream.strided.gather [hbm4b:s26+s19], $0x4000, s20, s19, $0x38;
	[tilespmem:$0x17C80] =	vst v63  }
0x37: {  	_ =	swait.ge [sflag:s17], $0x4000  }
0x38: {  	[sflag:s17] =	ssyncset.done $0x0  }
0x39: {  	[sflag:s17] =	ssyncadd.s32 $0xFFFFC000  }
0x3a: {  	[spmem:s1] =	stream.indirect.scatter.add.f32 [tilespmem:s21], [sflag:$0x1], $0x80, s18, s22, $0xb8;
	[tilespmem:$0x17C80] =	vst v63  }
0x3b: {  	_ =	swait.ge [sflag:s17], $0x4000  }
0x3c: {  	[sflag:s17] =	ssyncset.done $0x0  }
0x3d: {  	[sflag:s17] =	ssyncadd.s32 $0xFFFFC000  }
0x3e: {  	[bflag:$0x0] =	sbarrier.arrive $0xFFFF  }
0x3f: {  	[hbm:s6@s24], [sflag:s5] =	dma.strided [spmem:s16@s22], $0x2780, s23, $0x10   }
0x40: {  	_ =	swait.ge [sflag:s17], $0x2780  }
0x41: {  	[sflag:s17] =	ssyncset.done $0x0  }
0x42: {  	[sflag:s17] =	ssyncadd.s32 $0xFFFFD880  }
0x43: {  	[bflag:$0x0] =	sbarrier.arrive $0xFFFF  }
0x44: {  	[spmem:s16], [sflag:s5] =	dma.local [hbm:s4], $0x2780  }
0x45: {  	_ =	swait.ge [sflag:s17], $0x2780  }
0x46: {  	[sflag:s17] =	ssyncset.done $0x0  }
0x47: {  	[sflag:s17] =	ssyncadd.s32 $0xFFFFD880  }
0x48: {  	s31 =	sadd.s32 $0x0, s12;
	[bflag:$0x0] =	sbarrier.arrive $0xFFFF  }
0x49: {  	[tilespmem:s18], [sflag:$0x1] =	stream.linear.gather [hbm4b:s31+s3], $0x80, $0x38;
	[tilespmem:$0x17C80] =	vst v63  }
0x4a: {  	_ =	swait.ge [sflag:s17], $0x80  }
0x4b: {  	[sflag:s17] =	ssyncset.done $0x0  }
0x4c: {  	[sflag:s17] =	ssyncadd.s32 $0xFFFFFF80  }
0x4d: {  	[tilespmem:s21], [sflag:$0x1] =	stream.strided.gather [hbm4b:s13+s19], $0x4000, s20, s19, $0x38;
	[tilespmem:$0x17C80] =	vst v63  }
0x4e: {  	_ =	swait.ge [sflag:s17], $0x4000  }
0x4f: {  	[sflag:s17] =	ssyncset.done $0x0  }
0x50: {  	[sflag:s17] =	ssyncadd.s32 $0xFFFFC000  }
0x51: {  	[spmem:s1] =	stream.indirect.scatter.add.f32 [tilespmem:s21], [sflag:$0x1], $0x80, s18, s22, $0xb8;
	[tilespmem:$0x17C80] =	vst v63  }
0x52: {  	s29 =	simm.s32 $0x400;
	_ =	swait.ge [sflag:s17], $0x4000  }
0x53: {  	s28 =	simm.s32 $0x200;
	s26 =	sadd.s32 $0x40000, s13;
	[sflag:s17] =	ssyncset.done $0x0  }
.LBB2_4:
0x54: {  	s30 =	sadd.s32 s28, s12  }
0x55: {  	[sflag:s17] =	ssyncadd.s32 $0xFFFFC000;
	s28 =	smov.u32 s29;
	s31 =	sadd.s32 $0x200, s29  }
0x56: {  	[tilespmem:s18], [sflag:$0x1] =	stream.linear.gather [hbm4b:s30+s3], $0x80, $0x38;
	[tilespmem:$0x17C80] =	vst v63  }
0x57: {  	p0 =	sne.s32 s29, $0x4E00;
	_ =	swait.ge [sflag:s17], $0x80  }
0x58: {  	[sflag:s17] =	ssyncset.done $0x0  }
0x59: {  	[sflag:s17] =	ssyncadd.s32 $0xFFFFFF80  }
0x5a: {  	[tilespmem:s21], [sflag:$0x1] =	stream.strided.gather [hbm4b:s26+s19], $0x4000, s20, s19, $0x38;
	[tilespmem:$0x17C80] =	vst v63  }
0x5b: {  	_ =	swait.ge [sflag:s17], $0x4000  }
.Ltmp1:
0x5c: {  	[sflag:s17] =	ssyncset.done $0x0;
	(pc) =	sbr.rel @p0 .LBB2_4-.Ltmp1, $4  }
0x5d: {  	[sflag:s17] =	ssyncadd.s32 $0xFFFFC000  }
0x5e: {  	[spmem:s1] =	stream.indirect.scatter.add.f32 [tilespmem:s21], [sflag:$0x1], $0x80, s18, s22, $0xb8;
	[tilespmem:$0x17C80] =	vst v63  }
0x5f: {  	_ =	swait.ge [sflag:s17], $0x4000  }
0x60: {  	s29 =	smov.u32 s31;
	s26 =	sadd.s32 $0x40000, s26;
	[sflag:s17] =	ssyncset.done $0x0  }
0x61: {  	s28 =	sadd.s32 s28, s12;
	[sflag:s17] =	ssyncadd.s32 $0xFFFFC000  }
0x62: {  	[tilespmem:s18], [sflag:$0x1] =	stream.linear.gather [hbm4b:s28+s3], $0x80, $0x38;
	[tilespmem:$0x17C80] =	vst v63  }
0x63: {  	_ =	swait.ge [sflag:s17], $0x80  }
0x64: {  	[sflag:s17] =	ssyncset.done $0x0  }
0x65: {  	[sflag:s17] =	ssyncadd.s32 $0xFFFFFF80  }
0x66: {  	[tilespmem:s21], [sflag:$0x1] =	stream.strided.gather [hbm4b:s26+s19], $0x4000, s20, s19, $0x38;
	[tilespmem:$0x17C80] =	vst v63  }
0x67: {  	_ =	swait.ge [sflag:s17], $0x4000  }
0x68: {  	[sflag:s17] =	ssyncset.done $0x0  }
0x69: {  	[sflag:s17] =	ssyncadd.s32 $0xFFFFC000  }
0x6a: {  	[spmem:s1] =	stream.indirect.scatter.add.f32 [tilespmem:s21], [sflag:$0x1], $0x80, s18, s22, $0xb8;
	[tilespmem:$0x17C80] =	vst v63  }
0x6b: {  	_ =	swait.ge [sflag:s17], $0x4000  }
0x6c: {  	[sflag:s17] =	ssyncset.done $0x0  }
0x6d: {  	[sflag:s17] =	ssyncadd.s32 $0xFFFFC000  }
0x6e: {  	[bflag:$0x0] =	sbarrier.arrive $0xFFFF  }
0x6f: {  	[hbm:s7@s24], [sflag:s5] =	dma.strided [spmem:s16@s22], $0x2780, s23, $0x10   }
0x70: {  	_ =	swait.ge [sflag:s17], $0x2780  }
0x71: {  	[sflag:s17] =	ssyncset.done $0x0  }
0x72: {  	[sflag:s17] =	ssyncadd.s32 $0xFFFFD880  }
0x73: {  	[bflag:$0x0] =	sbarrier.arrive $0xFFFF  }
0x74: {  	[spmem:s16], [sflag:s5] =	dma.local [hbm:s4], $0x2780  }
0x75: {  	_ =	swait.ge [sflag:s17], $0x2780  }
0x76: {  	[sflag:s17] =	ssyncset.done $0x0  }
0x77: {  	[sflag:s17] =	ssyncadd.s32 $0xFFFFD880  }
0x78: {  	s31 =	sadd.s32 $0x0, s12;
	[bflag:$0x0] =	sbarrier.arrive $0xFFFF  }
0x79: {  	[tilespmem:s18], [sflag:$0x1] =	stream.linear.gather [hbm4b:s31+s3], $0x80, $0x38;
	[tilespmem:$0x17C80] =	vst v63  }
0x7a: {  	_ =	swait.ge [sflag:s17], $0x80  }
0x7b: {  	[sflag:s17] =	ssyncset.done $0x0  }
0x7c: {  	[sflag:s17] =	ssyncadd.s32 $0xFFFFFF80  }
0x7d: {  	[tilespmem:s21], [sflag:$0x1] =	stream.strided.gather [hbm4b:s14+s19], $0x4000, s20, s19, $0x38;
	[tilespmem:$0x17C80] =	vst v63  }
0x7e: {  	_ =	swait.ge [sflag:s17], $0x4000  }
0x7f: {  	[sflag:s17] =	ssyncset.done $0x0  }
0x80: {  	[sflag:s17] =	ssyncadd.s32 $0xFFFFC000  }
0x81: {  	[spmem:s1] =	stream.indirect.scatter.add.f32 [tilespmem:s21], [sflag:$0x1], $0x80, s18, s22, $0xb8;
	[tilespmem:$0x17C80] =	vst v63  }
0x82: {  	s29 =	simm.s32 $0x400;
	_ =	swait.ge [sflag:s17], $0x4000  }
0x83: {  	s28 =	simm.s32 $0x200;
	s26 =	sadd.s32 $0x40000, s14;
	[sflag:s17] =	ssyncset.done $0x0  }
.LBB2_6:
0x84: {  	s30 =	sadd.s32 s28, s12  }
0x85: {  	[sflag:s17] =	ssyncadd.s32 $0xFFFFC000;
	s28 =	smov.u32 s29;
	s31 =	sadd.s32 $0x200, s29  }
0x86: {  	[tilespmem:s18], [sflag:$0x1] =	stream.linear.gather [hbm4b:s30+s3], $0x80, $0x38;
	[tilespmem:$0x17C80] =	vst v63  }
0x87: {  	p0 =	sne.s32 s29, $0x4E00;
	_ =	swait.ge [sflag:s17], $0x80  }
0x88: {  	[sflag:s17] =	ssyncset.done $0x0  }
0x89: {  	[sflag:s17] =	ssyncadd.s32 $0xFFFFFF80  }
0x8a: {  	[tilespmem:s21], [sflag:$0x1] =	stream.strided.gather [hbm4b:s26+s19], $0x4000, s20, s19, $0x38;
	[tilespmem:$0x17C80] =	vst v63  }
0x8b: {  	_ =	swait.ge [sflag:s17], $0x4000  }
.Ltmp2:
0x8c: {  	[sflag:s17] =	ssyncset.done $0x0;
	(pc) =	sbr.rel @p0 .LBB2_6-.Ltmp2, $4  }
0x8d: {  	[sflag:s17] =	ssyncadd.s32 $0xFFFFC000  }
0x8e: {  	[spmem:s1] =	stream.indirect.scatter.add.f32 [tilespmem:s21], [sflag:$0x1], $0x80, s18, s22, $0xb8;
	[tilespmem:$0x17C80] =	vst v63  }
0x8f: {  	_ =	swait.ge [sflag:s17], $0x4000  }
0x90: {  	s29 =	smov.u32 s31;
	s26 =	sadd.s32 $0x40000, s26;
	[sflag:s17] =	ssyncset.done $0x0  }
0x91: {  	s28 =	sadd.s32 s28, s12;
	[sflag:s17] =	ssyncadd.s32 $0xFFFFC000  }
0x92: {  	[tilespmem:s18], [sflag:$0x1] =	stream.linear.gather [hbm4b:s28+s3], $0x80, $0x38;
	[tilespmem:$0x17C80] =	vst v63  }
0x93: {  	_ =	swait.ge [sflag:s17], $0x80  }
0x94: {  	[sflag:s17] =	ssyncset.done $0x0  }
0x95: {  	[sflag:s17] =	ssyncadd.s32 $0xFFFFFF80  }
0x96: {  	[tilespmem:s21], [sflag:$0x1] =	stream.strided.gather [hbm4b:s26+s19], $0x4000, s20, s19, $0x38;
	[tilespmem:$0x17C80] =	vst v63  }
0x97: {  	_ =	swait.ge [sflag:s17], $0x4000  }
0x98: {  	[sflag:s17] =	ssyncset.done $0x0  }
0x99: {  	[sflag:s17] =	ssyncadd.s32 $0xFFFFC000  }
0x9a: {  	[spmem:s1] =	stream.indirect.scatter.add.f32 [tilespmem:s21], [sflag:$0x1], $0x80, s18, s22, $0xb8;
	[tilespmem:$0x17C80] =	vst v63  }
0x9b: {  	_ =	swait.ge [sflag:s17], $0x4000  }
0x9c: {  	[sflag:s17] =	ssyncset.done $0x0  }
0x9d: {  	[sflag:s17] =	ssyncadd.s32 $0xFFFFC000  }
0x9e: {  	[bflag:$0x0] =	sbarrier.arrive $0xFFFF  }
0x9f: {  	[hbm:s8@s24], [sflag:s5] =	dma.strided [spmem:s16@s22], $0x2780, s23, $0x10   }
0xa0: {  	_ =	swait.ge [sflag:s17], $0x2780  }
0xa1: {  	[sflag:s17] =	ssyncset.done $0x0  }
0xa2: {  	[sflag:s17] =	ssyncadd.s32 $0xFFFFD880  }
0xa3: {  	[bflag:$0x0] =	sbarrier.arrive $0xFFFF  }
0xa4: {  	[spmem:s16], [sflag:s5] =	dma.local [hbm:s4], $0x2780  }
0xa5: {  	_ =	swait.ge [sflag:s17], $0x2780  }
0xa6: {  	[sflag:s17] =	ssyncset.done $0x0  }
0xa7: {  	[sflag:s17] =	ssyncadd.s32 $0xFFFFD880  }
0xa8: {  	s31 =	sadd.s32 $0x0, s12;
	[bflag:$0x0] =	sbarrier.arrive $0xFFFF  }
0xa9: {  	[tilespmem:s18], [sflag:$0x1] =	stream.linear.gather [hbm4b:s31+s3], $0x80, $0x38;
	[tilespmem:$0x17C80] =	vst v63  }
0xaa: {  	_ =	swait.ge [sflag:s17], $0x80  }
0xab: {  	[sflag:s17] =	ssyncset.done $0x0  }
0xac: {  	[sflag:s17] =	ssyncadd.s32 $0xFFFFFF80  }
0xad: {  	[tilespmem:s21], [sflag:$0x1] =	stream.strided.gather [hbm4b:s15+s19], $0x4000, s20, s19, $0x38;
	[tilespmem:$0x17C80] =	vst v63  }
0xae: {  	_ =	swait.ge [sflag:s17], $0x4000  }
0xaf: {  	[sflag:s17] =	ssyncset.done $0x0  }
0xb0: {  	[sflag:s17] =	ssyncadd.s32 $0xFFFFC000  }
0xb1: {  	[spmem:s1] =	stream.indirect.scatter.add.f32 [tilespmem:s21], [sflag:$0x1], $0x80, s18, s22, $0xb8;
	[tilespmem:$0x17C80] =	vst v63  }
0xb2: {  	s29 =	simm.s32 $0x400;
	_ =	swait.ge [sflag:s17], $0x4000  }
0xb3: {  	s28 =	simm.s32 $0x200;
	s26 =	sadd.s32 $0x40000, s15;
	[sflag:s17] =	ssyncset.done $0x0  }
.LBB2_8:
0xb4: {  	s30 =	sadd.s32 s28, s12  }
0xb5: {  	[sflag:s17] =	ssyncadd.s32 $0xFFFFC000;
	s28 =	smov.u32 s29;
	s31 =	sadd.s32 $0x200, s29  }
0xb6: {  	[tilespmem:s18], [sflag:$0x1] =	stream.linear.gather [hbm4b:s30+s3], $0x80, $0x38;
	[tilespmem:$0x17C80] =	vst v63  }
0xb7: {  	p0 =	sne.s32 s29, $0x4E00;
	_ =	swait.ge [sflag:s17], $0x80  }
0xb8: {  	[sflag:s17] =	ssyncset.done $0x0  }
0xb9: {  	[sflag:s17] =	ssyncadd.s32 $0xFFFFFF80  }
0xba: {  	[tilespmem:s21], [sflag:$0x1] =	stream.strided.gather [hbm4b:s26+s19], $0x4000, s20, s19, $0x38;
	[tilespmem:$0x17C80] =	vst v63  }
0xbb: {  	_ =	swait.ge [sflag:s17], $0x4000  }
.Ltmp3:
0xbc: {  	[sflag:s17] =	ssyncset.done $0x0;
	(pc) =	sbr.rel @p0 .LBB2_8-.Ltmp3, $4  }
0xbd: {  	[sflag:s17] =	ssyncadd.s32 $0xFFFFC000  }
0xbe: {  	[spmem:s1] =	stream.indirect.scatter.add.f32 [tilespmem:s21], [sflag:$0x1], $0x80, s18, s22, $0xb8;
	[tilespmem:$0x17C80] =	vst v63  }
0xbf: {  	_ =	swait.ge [sflag:s17], $0x4000  }
0xc0: {  	s29 =	smov.u32 s31;
	s26 =	sadd.s32 $0x40000, s26;
	[sflag:s17] =	ssyncset.done $0x0  }
0xc1: {  	s28 =	sadd.s32 s28, s12;
	[sflag:s17] =	ssyncadd.s32 $0xFFFFC000  }
0xc2: {  	[tilespmem:s18], [sflag:$0x1] =	stream.linear.gather [hbm4b:s28+s3], $0x80, $0x38;
	[tilespmem:$0x17C80] =	vst v63  }
0xc3: {  	_ =	swait.ge [sflag:s17], $0x80  }
0xc4: {  	[sflag:s17] =	ssyncset.done $0x0  }
0xc5: {  	[sflag:s17] =	ssyncadd.s32 $0xFFFFFF80  }
0xc6: {  	[tilespmem:s21], [sflag:$0x1] =	stream.strided.gather [hbm4b:s26+s19], $0x4000, s20, s19, $0x38;
	[tilespmem:$0x17C80] =	vst v63  }
0xc7: {  	_ =	swait.ge [sflag:s17], $0x4000  }
0xc8: {  	[sflag:s17] =	ssyncset.done $0x0  }
0xc9: {  	[sflag:s17] =	ssyncadd.s32 $0xFFFFC000  }
0xca: {  	[spmem:s1] =	stream.indirect.scatter.add.f32 [tilespmem:s21], [sflag:$0x1], $0x80, s18, s22, $0xb8;
	[tilespmem:$0x17C80] =	vst v63  }
0xcb: {  	_ =	swait.ge [sflag:s17], $0x4000  }
0xcc: {  	[sflag:s17] =	ssyncset.done $0x0  }
0xcd: {  	s25 =	sadd.s32 $0x1, s25;
	[sflag:s17] =	ssyncadd.s32 $0xFFFFC000  }
0xce: {  	p0 =	sne.s32 s25, s11;
	[bflag:$0x0] =	sbarrier.arrive $0xFFFF  }
0xcf: {  	[hbm:s9@s24], [sflag:s5] =	dma.strided [spmem:s16@s22], $0x2780, s23, $0x10   }
.Ltmp4:
0xd0: {  	_ =	swait.ge [sflag:s17], $0x2780;
	(pc) =	sbr.rel @p0 .LBB2_1-.Ltmp4, $3  }
0xd1: {  	[sflag:s17] =	ssyncset.done $0x0  }
0xd2: {  	[sflag:s17] =	ssyncadd.s32 $0xFFFFD880  }
0xd3: {  	[bflag:$0x0] =	sbarrier.arrive $0xFFFF;
	_ =	sdelay $0x1  }
0xd4: {  	_ =	sfence.sel $0x180000  }
0xd5: {  	[bflag:$0x0] =	sbarrier.arrive $0xFFFF  }
0xd6: {  	p0 =	sne.s32 s2, $0x0;
	_ =	strace $0x9000004A  }
0xd7: {  	s0 =	sadd.s32 @!p0 $0x100000, s0;
	[bflag:$0x2] =	sbarrier.arrive $0xFFFF  }
0xd8: {  	[sflag:s0] =	ssyncadd.tile.s32 @!p0 $0x1;
	_ =	shalt  }
.Lfunc_end2:
_tile_overlayer_lowered:
.L_overlay_start_2:
0xd9: {  	(tag) =	ssettag $0x2  }
0xda: {  	s0 =	rddreg [dreg:$0x0];
	s2 =	stileid.u32  }
0xdb: {  	s1 =	rddreg [dreg:$0x1];
	p0 =	sne.s32 s2, $0x0  }
0xdc: {  	s3 =	rddreg [dreg:$0x2];
	[bflag:$0x3] =	sbarrier.arrive $0xFFFF;
	s2 =	simm.s32 @!p0 $0x1C01  }
0xdd: {  	[timem:s3], [sflag:s2] =	dma.local @!p0 [hbm:s0], s1  }
0xde: {  	s0 =	simm.s32 @!p0 $0x1  }
0xdf: {  	_ =	swait.ge @!p0 [sflag:s0], s1  }
0xe0: {  	s1 =	ssub.s32 @!p0 $0x0, s1;
	[sflag:s0] =	ssyncset.done @!p0 $0x0  }
0xe1: {  	[sflag:s0] =	ssyncadd.s32 @!p0 s1  }
0xe2: {  	[bflag:$0x3] =	sbarrier.arrive $0xFFFF  }
0xe3: {  	_ =	shalt  }

</sc_bundles>
